<compile_context>
chip_gen: v7x
topology: tpu7x:2x2x1
jax: 0.10.2.dev20260603
libtpu: 0.0.44.dev20260713+nightly
codegen_flags: <defaults>
</compile_context>

<pallas_src>
import functools

import jax
import jax.numpy as jnp
from jax import lax
from jax.experimental import pallas as pl
from jax.experimental.pallas import tpu as pltpu
from jax.experimental.pallas import tpu_sc as plsc

NC = 2
NS = 16
NW = NC * NS
B = 128
LANES = 16
TC_GRID = 16
DEG_K = 8


def _round_up(v, m):
    return (v + m - 1) // m * m



def _deg_body(np_, nblk, cols, zh, oh, dacc_out, ia, ones_b, acc):
    c = lax.axis_index("c")
    s = lax.axis_index("s")
    pltpu.sync_copy(oh, ones_b)

    rpt = np_ // NS
    pltpu.sync_copy(zh.at[pl.ds(s * rpt, rpt)], acc.at[pl.ds(s * rpt, rpt)])
    plsc.subcore_barrier()

    w = c * NS + s

    @pl.loop(0, nblk)
    def _edges(blk):
        pltpu.sync_copy(cols.at[w, blk], ia)
        pltpu.sync_copy(ones_b, acc.at[ia], add=True)

    plsc.subcore_barrier()
    pltpu.sync_copy(acc.at[pl.ds(s * rpt, rpt)],
                    dacc_out.at[c, pl.ds(s * rpt, rpt)])


def _hop_body(np_, nblk, d, g, rows, cols, zh, part_out,
              idx_r, idx_c, buf0, buf1, sem0, sem1, semir, semic, acc):
    c = lax.axis_index("c")
    s = lax.axis_index("s")

    rpt = np_ // NS
    pltpu.sync_copy(zh.at[pl.ds(s * rpt, rpt)], acc.at[pl.ds(s * rpt, rpt)])
    plsc.subcore_barrier()

    w = c * NS + s
    pltpu.sync_copy(rows.at[w, pl.ds(0, 2)], idx_r.at[0])
    pltpu.sync_copy(cols.at[w, pl.ds(0, 2)], idx_c.at[0])
    pltpu.async_copy(g.at[idx_r.at[0, 0]], buf0, sem0)
    pltpu.async_copy(rows.at[w, pl.ds(2, 2)], idx_r.at[1], semir)
    pltpu.async_copy(cols.at[w, pl.ds(2, 2)], idx_c.at[1], semic)

    def _pair(pr, p, q):
        pltpu.make_async_copy(g.at[idx_r.at[p, 0]], buf0, sem0).wait()
        pltpu.async_copy(g.at[idx_r.at[p, 1]], buf1, sem1)
        pltpu.sync_copy(buf0, acc.at[idx_c.at[p, 0]], add=True)
        pltpu.make_async_copy(g.at[idx_r.at[p, 1]], buf1, sem1).wait()
        pltpu.make_async_copy(rows.at[w, pl.ds(0, 2)], idx_r.at[q],
                              semir).wait()
        pltpu.make_async_copy(cols.at[w, pl.ds(0, 2)], idx_c.at[q],
                              semic).wait()
        pltpu.async_copy(g.at[idx_r.at[q, 0]], buf0, sem0)
        pltpu.sync_copy(buf1, acc.at[idx_c.at[p, 1]], add=True)
        nx = lax.rem(2 * pr + 4, nblk)
        pltpu.async_copy(rows.at[w, pl.ds(nx, 2)], idx_r.at[p], semir)
        pltpu.async_copy(cols.at[w, pl.ds(nx, 2)], idx_c.at[p], semic)

    @pl.loop(0, nblk // 2, step=2)
    def _edges(pr):
        _pair(pr, 0, 1)
        _pair(pr + 1, 1, 0)

    pltpu.make_async_copy(g.at[idx_r.at[0, 0]], buf0, sem0).wait()
    pltpu.make_async_copy(rows.at[w, pl.ds(0, 2)], idx_r.at[0], semir).wait()
    pltpu.make_async_copy(cols.at[w, pl.ds(0, 2)], idx_c.at[0], semic).wait()
    plsc.subcore_barrier()
    pltpu.sync_copy(acc.at[pl.ds(s * rpt, rpt)],
                    part_out.at[c, pl.ds(s * rpt, rpt), :])


@functools.lru_cache(maxsize=None)
def _deg_call(np_, nblk):
    mesh = plsc.VectorSubcoreMesh(core_axis_name="c", subcore_axis_name="s")
    return pl.kernel(
        functools.partial(_deg_body, np_, nblk),
        out_type=jax.ShapeDtypeStruct((NC, np_), jnp.float32),
        mesh=mesh,
        scratch_types=[
            pltpu.VMEM((B,), jnp.int32),
            pltpu.VMEM((B,), jnp.float32),
            pltpu.VMEM_SHARED((np_,), jnp.float32),
        ],
    )


@functools.lru_cache(maxsize=None)
def _hop_call(np_, nblk, d):
    mesh = plsc.VectorSubcoreMesh(core_axis_name="c", subcore_axis_name="s")
    return pl.kernel(
        functools.partial(_hop_body, np_, nblk, d),
        out_type=jax.ShapeDtypeStruct((NC, np_, d), jnp.float32),
        mesh=mesh,
        scratch_types=[
            pltpu.VMEM((2, 2, B), jnp.int32),
            pltpu.VMEM((2, 2, B), jnp.int32),
            pltpu.VMEM((B, d), jnp.float32),
            pltpu.VMEM((B, d), jnp.float32),
            pltpu.SemaphoreType.DMA,
            pltpu.SemaphoreType.DMA,
            pltpu.SemaphoreType.DMA,
            pltpu.SemaphoreType.DMA,
            pltpu.VMEM_SHARED((np_, d), jnp.float32),
        ],
    )



def _prep_body(dacc, x, g0, disb):
    dd = dacc[...]
    deg = (dd[0] + dd[1] + 1.0)[:, None]
    dis = lax.rsqrt(deg)
    g0[...] = dis * x[...]
    disb[...] = jnp.broadcast_to(dis, disb.shape)


def _comb_body(p, g0, db, g1):
    d = db[...]
    g1[...] = d * d * (p[0] + p[1] + g0[...])


def _final_body(q, g1, db, w, b, o):
    h = db[...] * (q[0] + q[1] + g1[...])
    o[...] = lax.dot_general(h, w[...], (((1,), (1,)), ((), ())),
                             preferred_element_type=jnp.float32) + b[...]


def _prep(dacc, xp):
    np_, d = xp.shape
    bn = np_ // TC_GRID
    bs = lambda shp: pl.BlockSpec(shp, lambda i: (i, 0))
    return pl.pallas_call(
        _prep_body,
        grid=(TC_GRID,),
        in_specs=[pl.BlockSpec((2, bn), lambda i: (0, i)),
                  bs((bn, d))],
        out_specs=[bs((bn, d)), bs((bn, d))],
        out_shape=[jax.ShapeDtypeStruct((np_, d), jnp.float32)] * 2,
    )(dacc, xp)


def _comb(p, g0, disb):
    np_, d = g0.shape
    bn = np_ // TC_GRID
    bs = pl.BlockSpec((bn, d), lambda i: (i, 0))
    return pl.pallas_call(
        _comb_body,
        grid=(TC_GRID,),
        in_specs=[pl.BlockSpec((2, bn, d), lambda i: (0, i, 0)), bs, bs],
        out_specs=bs,
        out_shape=jax.ShapeDtypeStruct((np_, d), jnp.float32),
    )(p, g0, disb)


def _final(q, g1, disb, w, b2, n):
    np_, d = g1.shape
    bn = np_ // TC_GRID
    bs = pl.BlockSpec((bn, d), lambda i: (i, 0))
    return pl.pallas_call(
        _final_body,
        grid=(pl.cdiv(n, bn),),
        in_specs=[pl.BlockSpec((2, bn, d), lambda i: (0, i, 0)), bs, bs,
                  pl.BlockSpec((d, d), lambda i: (0, 0)),
                  pl.BlockSpec((1, d), lambda i: (0, 0))],
        out_specs=bs,
        out_shape=jax.ShapeDtypeStruct((n, d), jnp.float32),
    )(q, g1, disb, w, b2)



def kernel(x, edge_index, W, b):
    n, d = x.shape
    e = edge_index.shape[1]
    np_ = _round_up(n, NS * B)
    ep = _round_up(e, NW * B * 2)
    nblk = ep // (NW * B)

    rows = edge_index[0].astype(jnp.int32)
    cols = edge_index[1].astype(jnp.int32)
    pad = ep - e
    ar = jnp.arange(pad, dtype=jnp.int32)
    rows_p = jnp.concatenate([rows, ar % 64]).reshape(NW, nblk, B)
    cols_p = jnp.concatenate([cols, n + ar % (np_ - n)]).reshape(NW, nblk, B)
    xp = jnp.pad(x, ((0, np_ - n), (0, 0)))

    zd = jnp.zeros((np_, d), jnp.float32)
    zdeg = jnp.zeros((np_,), jnp.float32)
    ones_hbm = jnp.ones((B,), jnp.float32)
    dacc = _deg_call(np_, nblk)(cols_p, zdeg, ones_hbm)
    g0, disb = _prep(dacc, xp)
    p = _hop_call(np_, nblk, d)(g0, rows_p, cols_p, zd)
    g1 = _comb(p, g0, disb)
    q = _hop_call(np_, nblk, d)(g1, rows_p, cols_p, zd)
    return _final(q, g1, disb, W, b.reshape(1, d), n)

# --- scband reference (transcript-rebuilt; emitter-appended) ---
"""Pipeline reference for scband-sgc-84954453114999 (READ-ONLY COPY).

The authoritative reference and input builder live on the scoring server;
editing this copy changes nothing except your own understanding.
"""

import jax, jax.numpy as jnp
import numpy as np

N = 10000
E = 320000
D = 128
K_HOPS = 2


def setup_inputs(seed: int = 0) -> dict:
    key = jax.random.key(seed)
    k1, k2, k3 = jax.random.split(key, 3)
    x = jax.random.normal(k1, (N, D), dtype=jnp.float32)
    edge_index = jax.random.randint(k2, (2, E), 0, N, dtype=jnp.int32).astype(jnp.int64)
    # SGConv's internal Linear(in_channels, out_channels): weight [out, in], bias [out]
    W = jax.random.normal(k3, (D, D), dtype=jnp.float32) / jnp.sqrt(D)
    b = jnp.zeros((D,), dtype=jnp.float32)
    return {"x": x, "edge_index": edge_index, "W": W, "b": b}


def _gcn_norm(edge_index, num_nodes, dtype):
    row, col = edge_index[0], edge_index[1]
    loop = jnp.arange(num_nodes, dtype=row.dtype)
    row = jnp.concatenate([row, loop])
    col = jnp.concatenate([col, loop])
    ew = jnp.ones(row.shape[0], dtype=dtype)
    deg = jax.ops.segment_sum(ew, col, num_segments=num_nodes)
    deg_inv_sqrt = jnp.where(deg > 0, 1.0 / jnp.sqrt(deg), 0.0)
    norm = deg_inv_sqrt[row] * ew * deg_inv_sqrt[col]
    return row, col, norm


def reference(x, edge_index, W, b):
    # SGC: x' = (D^-1/2 (A+I) D^-1/2)^K x, then Linear
    num_nodes = x.shape[0]
    row, col, norm = _gcn_norm(edge_index, num_nodes, x.dtype)
    h = x
    for _ in range(K_HOPS):
        msg = norm[:, None] * h[row]          # gather + scale per edge
        h = jax.ops.segment_sum(msg, col, num_segments=num_nodes)  # scatter-add to dst
    out = h @ W.T + b
    return out

if __name__ == "__main__":
    import jax
    _d = setup_inputs()
    print(jax.jit(kernel)(*tuple(_d.values())))

</pallas_src>

<mosaic_0001>
#map = affine_map<(d0, d1) -> (0, 0, 0)>
#map1 = affine_map<(d0, d1) -> (0)>
#map2 = affine_map<(d0, d1) -> (0, 0)>
module attributes {stable_mosaic.version = 14 : i64} {
  func.func @_deg_body(%arg0: i32, %arg1: i32, %arg2: memref<32x80x128xi32, #tpu.memory_space<hbm>>, %arg3: memref<10240xf32, #tpu.memory_space<hbm>>, %arg4: memref<128xf32, #tpu.memory_space<hbm>>, %arg5: memref<2x10240xf32, #tpu.memory_space<hbm>>, %arg6: memref<128xi32, #tpu.memory_space<vmem>>, %arg7: memref<128xf32, #tpu.memory_space<vmem>>, %arg8: memref<10240xf32, #tpu.memory_space<vmem_shared>>) attributes {dimension_semantics = [#tpu.dimension_semantics<core_parallel>, #tpu.dimension_semantics<subcore_parallel>], iteration_bounds = array<i64: 2, 16>, scalar_prefetch = 0 : i64, scratch_operands = 3 : i64, tpu.core_type = #tpu.core_type<sc_vector_subcore>, window_params = [{transform_indices = #map}, {transform_indices = #map1}, {transform_indices = #map1}, {transform_indices = #map2}]} {
    "tpu.region"() ({
      %run_scoped3A = tpu.sem_alloc : memref<!tpu.dma_semaphore, #tpu.memory_space<semaphore_mem>>
      tpu.enqueue_dma source(%arg4 : memref<128xf32, #tpu.memory_space<hbm>>) target(%arg7 : memref<128xf32, #tpu.memory_space<vmem>>) target_semaphore(%run_scoped3A : memref<!tpu.dma_semaphore, #tpu.memory_space<semaphore_mem>>)
      tpu.wait_dma2 semaphore(%run_scoped3A : memref<!tpu.dma_semaphore, #tpu.memory_space<semaphore_mem>>) src(%arg4 : memref<128xf32, #tpu.memory_space<hbm>>) dst(%arg7 : memref<128xf32, #tpu.memory_space<vmem>>)
      tpu.yield
    }) : () -> ()
    %mul3A = arith.constant 640 : i32
    %mul3A_0 = arith.muli %arg1, %mul3A : i32
    %mul3A_1 = arith.constant 640 : i32
    %mul3A_2 = arith.muli %arg1, %mul3A_1 : i32
    "tpu.region"() ({
      %run_scoped3A = tpu.sem_alloc : memref<!tpu.dma_semaphore, #tpu.memory_space<semaphore_mem>>
      %dma_start3A = tpu.memref_slice %arg8[%mul3A_2] : memref<10240xf32, #tpu.memory_space<vmem_shared>> -> memref<640xf32, #tpu.memory_space<vmem_shared>>
      %dma_start3A_14 = tpu.memref_slice %arg3[%mul3A_0] : memref<10240xf32, #tpu.memory_space<hbm>> -> memref<640xf32, #tpu.memory_space<hbm>>
      tpu.enqueue_dma source(%dma_start3A_14 : memref<640xf32, #tpu.memory_space<hbm>>) target(%dma_start3A : memref<640xf32, #tpu.memory_space<vmem_shared>>) target_semaphore(%run_scoped3A : memref<!tpu.dma_semaphore, #tpu.memory_space<semaphore_mem>>)
      %dma_wait3A = tpu.memref_slice %arg8[%mul3A_2] : memref<10240xf32, #tpu.memory_space<vmem_shared>> -> memref<640xf32, #tpu.memory_space<vmem_shared>>
      %dma_wait3A_15 = tpu.memref_slice %arg3[%mul3A_0] : memref<10240xf32, #tpu.memory_space<hbm>> -> memref<640xf32, #tpu.memory_space<hbm>>
      tpu.wait_dma2 semaphore(%run_scoped3A : memref<!tpu.dma_semaphore, #tpu.memory_space<semaphore_mem>>) src(%dma_wait3A_15 : memref<640xf32, #tpu.memory_space<hbm>>) dst(%dma_wait3A : memref<640xf32, #tpu.memory_space<vmem_shared>>)
      tpu.yield
    }) : () -> ()
    %barrier3A = arith.constant 0 : index
    tpu.barrier barrier_id(%barrier3A)
    %mul3A_3 = arith.constant 16 : i32
    %mul3A_4 = arith.muli %arg0, %mul3A_3 : i32
    %add3A = arith.addi %mul3A_4, %arg1 : i32
    %scan3A = arith.constant 0 : i32
    %scan3A_5 = arith.constant 80 : i32
    %scan3A_6 = arith.addi %scan3A, %scan3A_5 : i32
    %scan3A_7 = arith.constant 1 : i32
    scf.for %scan3A_14 = %scan3A to %scan3A_6 step %scan3A_7  : i32 {
      %mul3A_15 = arith.constant 1 : i32
      %mul3A_16 = arith.muli %scan3A_14, %mul3A_15 : i32
      %add3A_17 = arith.constant 0 : i32
      %add3A_18 = arith.addi %add3A_17, %mul3A_16 : i32
      "tpu.region"() ({
        %run_scoped3A = tpu.sem_alloc : memref<!tpu.dma_semaphore, #tpu.memory_space<semaphore_mem>>
        %dma_start3A = arith.constant 0 : i32
        %dma_start3A_19 = tpu.memref_slice %arg2[%add3A, %add3A_18, %dma_start3A] : memref<32x80x128xi32, #tpu.memory_space<hbm>> -> memref<1x1x128xi32, #tpu.memory_space<hbm>>
        %dma_start3A_20 = tpu.memref_squeeze %dma_start3A_19 : memref<1x1x128xi32, #tpu.memory_space<hbm>> -> memref<128xi32, #tpu.memory_space<hbm>>
        %dma_start3A_21 = arith.constant 0 : i32
        %dma_start3A_22 = tpu.memref_slice %arg2[%add3A, %add3A_18, %dma_start3A_21] : memref<32x80x128xi32, #tpu.memory_space<hbm>> -> memref<1x1x128xi32, #tpu.memory_space<hbm>>
        %dma_start3A_23 = tpu.memref_squeeze %dma_start3A_22 : memref<1x1x128xi32, #tpu.memory_space<hbm>> -> memref<128xi32, #tpu.memory_space<hbm>>
        tpu.enqueue_dma source(%dma_start3A_23 : memref<128xi32, #tpu.memory_space<hbm>>) target(%arg6 : memref<128xi32, #tpu.memory_space<vmem>>) target_semaphore(%run_scoped3A : memref<!tpu.dma_semaphore, #tpu.memory_space<semaphore_mem>>)
        %dma_wait3A = arith.constant 0 : i32
        %dma_wait3A_24 = tpu.memref_slice %arg2[%add3A, %add3A_18, %dma_wait3A] : memref<32x80x128xi32, #tpu.memory_space<hbm>> -> memref<1x1x128xi32, #tpu.memory_space<hbm>>
        %dma_wait3A_25 = tpu.memref_squeeze %dma_wait3A_24 : memref<1x1x128xi32, #tpu.memory_space<hbm>> -> memref<128xi32, #tpu.memory_space<hbm>>
        %dma_wait3A_26 = arith.constant 0 : i32
        %dma_wait3A_27 = tpu.memref_slice %arg2[%add3A, %add3A_18, %dma_wait3A_26] : memref<32x80x128xi32, #tpu.memory_space<hbm>> -> memref<1x1x128xi32, #tpu.memory_space<hbm>>
        %dma_wait3A_28 = tpu.memref_squeeze %dma_wait3A_27 : memref<1x1x128xi32, #tpu.memory_space<hbm>> -> memref<128xi32, #tpu.memory_space<hbm>>
        tpu.wait_dma2 semaphore(%run_scoped3A : memref<!tpu.dma_semaphore, #tpu.memory_space<semaphore_mem>>) src(%dma_wait3A_28 : memref<128xi32, #tpu.memory_space<hbm>>) dst(%arg6 : memref<128xi32, #tpu.memory_space<vmem>>)
        tpu.yield
      }) : () -> ()
      "tpu.region"() ({
        %run_scoped3A = tpu.sem_alloc : memref<!tpu.dma_semaphore, #tpu.memory_space<semaphore_mem>>
        %dma_start3A = arith.constant 0 : i32
        %dma_start3A_19 = tpu.memref_slice %arg8[%dma_start3A] : memref<10240xf32, #tpu.memory_space<vmem_shared>> -> memref<10240xf32, #tpu.memory_space<vmem_shared>>
        tpu.enqueue_indirect_dma source(%arg7 : memref<128xf32, #tpu.memory_space<vmem>>) target(%dma_start3A_19 : memref<10240xf32, #tpu.memory_space<vmem_shared>>) offsets(%arg6 : memref<128xi32, #tpu.memory_space<vmem>>) semaphore(%run_scoped3A : memref<!tpu.dma_semaphore, #tpu.memory_space<semaphore_mem>>) {add = true}
        %dma_wait3A = arith.constant 0 : i32
        %dma_wait3A_20 = tpu.memref_slice %arg8[%dma_wait3A] : memref<10240xf32, #tpu.memory_space<vmem_shared>> -> memref<10240xf32, #tpu.memory_space<vmem_shared>>
        tpu.wait_indirect_dma semaphore(%run_scoped3A : memref<!tpu.dma_semaphore, #tpu.memory_space<semaphore_mem>>) src(%arg7 : memref<128xf32, #tpu.memory_space<vmem>>) dst(%dma_wait3A_20 : memref<10240xf32, #tpu.memory_space<vmem_shared>>)
        tpu.yield
      }) : () -> ()
    }
    %scan3A_8 = arith.constant 80 : i32
    %barrier3A_9 = arith.constant 0 : index
    tpu.barrier barrier_id(%barrier3A_9)
    %mul3A_10 = arith.constant 640 : i32
    %mul3A_11 = arith.muli %arg1, %mul3A_10 : i32
    %mul3A_12 = arith.constant 640 : i32
    %mul3A_13 = arith.muli %arg1, %mul3A_12 : i32
    "tpu.region"() ({
      %run_scoped3A = tpu.sem_alloc : memref<!tpu.dma_semaphore, #tpu.memory_space<semaphore_mem>>
      %dma_start3A = tpu.memref_slice %arg5[%arg0, %mul3A_13] : memref<2x10240xf32, #tpu.memory_space<hbm>> -> memref<1x640xf32, #tpu.memory_space<hbm>>
      %dma_start3A_14 = tpu.memref_squeeze %dma_start3A : memref<1x640xf32, #tpu.memory_space<hbm>> -> memref<640xf32, #tpu.memory_space<hbm>>
      %dma_start3A_15 = tpu.memref_slice %arg8[%mul3A_11] : memref<10240xf32, #tpu.memory_space<vmem_shared>> -> memref<640xf32, #tpu.memory_space<vmem_shared>>
      tpu.enqueue_dma source(%dma_start3A_15 : memref<640xf32, #tpu.memory_space<vmem_shared>>) target(%dma_start3A_14 : memref<640xf32, #tpu.memory_space<hbm>>) target_semaphore(%run_scoped3A : memref<!tpu.dma_semaphore, #tpu.memory_space<semaphore_mem>>)
      %dma_wait3A = tpu.memref_slice %arg5[%arg0, %mul3A_13] : memref<2x10240xf32, #tpu.memory_space<hbm>> -> memref<1x640xf32, #tpu.memory_space<hbm>>
      %dma_wait3A_16 = tpu.memref_squeeze %dma_wait3A : memref<1x640xf32, #tpu.memory_space<hbm>> -> memref<640xf32, #tpu.memory_space<hbm>>
      %dma_wait3A_17 = tpu.memref_slice %arg8[%mul3A_11] : memref<10240xf32, #tpu.memory_space<vmem_shared>> -> memref<640xf32, #tpu.memory_space<vmem_shared>>
      tpu.wait_dma2 semaphore(%run_scoped3A : memref<!tpu.dma_semaphore, #tpu.memory_space<semaphore_mem>>) src(%dma_wait3A_17 : memref<640xf32, #tpu.memory_space<vmem_shared>>) dst(%dma_wait3A_16 : memref<640xf32, #tpu.memory_space<hbm>>)
      tpu.yield
    }) : () -> ()
    return
  }
}

#map = affine_map<(d0, d1) -> (0, 0)>
#map1 = affine_map<(d0, d1) -> (0, 0, 0)>
module attributes {stable_mosaic.version = 14 : i64} {
  func.func @_hop_body(%arg0: i32, %arg1: i32, %arg2: memref<10240x128xf32, #tpu.memory_space<hbm>>, %arg3: memref<32x80x128xi32, #tpu.memory_space<hbm>>, %arg4: memref<32x80x128xi32, #tpu.memory_space<hbm>>, %arg5: memref<10240x128xf32, #tpu.memory_space<hbm>>, %arg6: memref<2x10240x128xf32, #tpu.memory_space<hbm>>, %arg7: memref<2x2x128xi32, #tpu.memory_space<vmem>>, %arg8: memref<2x2x128xi32, #tpu.memory_space<vmem>>, %arg9: memref<128x128xf32, #tpu.memory_space<vmem>>, %arg10: memref<128x128xf32, #tpu.memory_space<vmem>>, %arg11: memref<!tpu.dma_semaphore, #tpu.memory_space<semaphore_mem>>, %arg12: memref<!tpu.dma_semaphore, #tpu.memory_space<semaphore_mem>>, %arg13: memref<!tpu.dma_semaphore, #tpu.memory_space<semaphore_mem>>, %arg14: memref<!tpu.dma_semaphore, #tpu.memory_space<semaphore_mem>>, %arg15: memref<10240x128xf32, #tpu.memory_space<vmem_shared>>) attributes {dimension_semantics = [#tpu.dimension_semantics<core_parallel>, #tpu.dimension_semantics<subcore_parallel>], iteration_bounds = array<i64: 2, 16>, scalar_prefetch = 0 : i64, scratch_operands = 9 : i64, tpu.core_type = #tpu.core_type<sc_vector_subcore>, window_params = [{transform_indices = #map}, {transform_indices = #map1}, {transform_indices = #map1}, {transform_indices = #map}, {transform_indices = #map1}]} {
    %mul3A = arith.constant 640 : i32
    %mul3A_0 = arith.muli %arg1, %mul3A : i32
    %mul3A_1 = arith.constant 640 : i32
    %mul3A_2 = arith.muli %arg1, %mul3A_1 : i32
    "tpu.region"() ({
      %run_scoped3A_97 = tpu.sem_alloc : memref<!tpu.dma_semaphore, #tpu.memory_space<semaphore_mem>>
      %dma_start3A_98 = arith.constant 0 : i32
      %dma_start3A_99 = tpu.memref_slice %arg15[%mul3A_2, %dma_start3A_98] : memref<10240x128xf32, #tpu.memory_space<vmem_shared>> -> memref<640x128xf32, #tpu.memory_space<vmem_shared>>
      %dma_start3A_100 = arith.constant 0 : i32
      %dma_start3A_101 = tpu.memref_slice %arg5[%mul3A_0, %dma_start3A_100] : memref<10240x128xf32, #tpu.memory_space<hbm>> -> memref<640x128xf32, #tpu.memory_space<hbm>>
      tpu.enqueue_dma source(%dma_start3A_101 : memref<640x128xf32, #tpu.memory_space<hbm>>) target(%dma_start3A_99 : memref<640x128xf32, #tpu.memory_space<vmem_shared>>) target_semaphore(%run_scoped3A_97 : memref<!tpu.dma_semaphore, #tpu.memory_space<semaphore_mem>>)
      %dma_wait3A_102 = arith.constant 0 : i32
      %dma_wait3A_103 = tpu.memref_slice %arg15[%mul3A_2, %dma_wait3A_102] : memref<10240x128xf32, #tpu.memory_space<vmem_shared>> -> memref<640x128xf32, #tpu.memory_space<vmem_shared>>
      %dma_wait3A_104 = arith.constant 0 : i32
      %dma_wait3A_105 = tpu.memref_slice %arg5[%mul3A_0, %dma_wait3A_104] : memref<10240x128xf32, #tpu.memory_space<hbm>> -> memref<640x128xf32, #tpu.memory_space<hbm>>
      tpu.wait_dma2 semaphore(%run_scoped3A_97 : memref<!tpu.dma_semaphore, #tpu.memory_space<semaphore_mem>>) src(%dma_wait3A_105 : memref<640x128xf32, #tpu.memory_space<hbm>>) dst(%dma_wait3A_103 : memref<640x128xf32, #tpu.memory_space<vmem_shared>>)
      tpu.yield
    }) : () -> ()
    %barrier3A = arith.constant 0 : index
    tpu.barrier barrier_id(%barrier3A)
    %mul3A_3 = arith.constant 16 : i32
    %mul3A_4 = arith.muli %arg0, %mul3A_3 : i32
    %add3A = arith.addi %mul3A_4, %arg1 : i32
    %run_scoped3A = arith.constant 0 : i32
    "tpu.region"() ({
      %run_scoped3A_97 = tpu.sem_alloc : memref<!tpu.dma_semaphore, #tpu.memory_space<semaphore_mem>>
      %dma_start3A_98 = arith.constant 0 : i32
      %dma_start3A_99 = arith.constant 0 : i32
      %dma_start3A_100 = tpu.memref_slice %arg7[%run_scoped3A, %dma_start3A_98, %dma_start3A_99] : memref<2x2x128xi32, #tpu.memory_space<vmem>> -> memref<1x2x128xi32, #tpu.memory_space<vmem>>
      %dma_start3A_101 = tpu.memref_squeeze %dma_start3A_100 : memref<1x2x128xi32, #tpu.memory_space<vmem>> -> memref<2x128xi32, #tpu.memory_space<vmem>>
      %dma_start3A_102 = arith.constant 0 : i32
      %dma_start3A_103 = arith.constant 0 : i32
      %dma_start3A_104 = tpu.memref_slice %arg3[%add3A, %dma_start3A_102, %dma_start3A_103] : memref<32x80x128xi32, #tpu.memory_space<hbm>> -> memref<1x2x128xi32, #tpu.memory_space<hbm>>
      %dma_start3A_105 = tpu.memref_squeeze %dma_start3A_104 : memref<1x2x128xi32, #tpu.memory_space<hbm>> -> memref<2x128xi32, #tpu.memory_space<hbm>>
      %dma_start3A_106 = arith.constant 0 : i32
      %dma_start3A_107 = arith.constant 0 : i32
      %dma_start3A_108 = tpu.memref_slice %arg7[%run_scoped3A, %dma_start3A_106, %dma_start3A_107] : memref<2x2x128xi32, #tpu.memory_space<vmem>> -> memref<1x2x128xi32, #tpu.memory_space<vmem>>
      %dma_start3A_109 = tpu.memref_squeeze %dma_start3A_108 : memref<1x2x128xi32, #tpu.memory_space<vmem>> -> memref<2x128xi32, #tpu.memory_space<vmem>>
      %dma_start3A_110 = arith.constant 0 : i32
      %dma_start3A_111 = arith.constant 0 : i32
      %dma_start3A_112 = tpu.memref_slice %arg3[%add3A, %dma_start3A_110, %dma_start3A_111] : memref<32x80x128xi32, #tpu.memory_space<hbm>> -> memref<1x2x128xi32, #tpu.memory_space<hbm>>
      %dma_start3A_113 = tpu.memref_squeeze %dma_start3A_112 : memref<1x2x128xi32, #tpu.memory_space<hbm>> -> memref<2x128xi32, #tpu.memory_space<hbm>>
      tpu.enqueue_dma source(%dma_start3A_113 : memref<2x128xi32, #tpu.memory_space<hbm>>) target(%dma_start3A_109 : memref<2x128xi32, #tpu.memory_space<vmem>>) target_semaphore(%run_scoped3A_97 : memref<!tpu.dma_semaphore, #tpu.memory_space<semaphore_mem>>)
      %dma_wait3A_114 = arith.constant 0 : i32
      %dma_wait3A_115 = arith.constant 0 : i32
      %dma_wait3A_116 = tpu.memref_slice %arg7[%run_scoped3A, %dma_wait3A_114, %dma_wait3A_115] : memref<2x2x128xi32, #tpu.memory_space<vmem>> -> memref<1x2x128xi32, #tpu.memory_space<vmem>>
      %dma_wait3A_117 = tpu.memref_squeeze %dma_wait3A_116 : memref<1x2x128xi32, #tpu.memory_space<vmem>> -> memref<2x128xi32, #tpu.memory_space<vmem>>
      %dma_wait3A_118 = arith.constant 0 : i32
      %dma_wait3A_119 = arith.constant 0 : i32
      %dma_wait3A_120 = tpu.memref_slice %arg3[%add3A, %dma_wait3A_118, %dma_wait3A_119] : memref<32x80x128xi32, #tpu.memory_space<hbm>> -> memref<1x2x128xi32, #tpu.memory_space<hbm>>
      %dma_wait3A_121 = tpu.memref_squeeze %dma_wait3A_120 : memref<1x2x128xi32, #tpu.memory_space<hbm>> -> memref<2x128xi32, #tpu.memory_space<hbm>>
      %dma_wait3A_122 = arith.constant 0 : i32
      %dma_wait3A_123 = arith.constant 0 : i32
      %dma_wait3A_124 = tpu.memref_slice %arg7[%run_scoped3A, %dma_wait3A_122, %dma_wait3A_123] : memref<2x2x128xi32, #tpu.memory_space<vmem>> -> memref<1x2x128xi32, #tpu.memory_space<vmem>>
      %dma_wait3A_125 = tpu.memref_squeeze %dma_wait3A_124 : memref<1x2x128xi32, #tpu.memory_space<vmem>> -> memref<2x128xi32, #tpu.memory_space<vmem>>
      %dma_wait3A_126 = arith.constant 0 : i32
      %dma_wait3A_127 = arith.constant 0 : i32
      %dma_wait3A_128 = tpu.memref_slice %arg3[%add3A, %dma_wait3A_126, %dma_wait3A_127] : memref<32x80x128xi32, #tpu.memory_space<hbm>> -> memref<1x2x128xi32, #tpu.memory_space<hbm>>
      %dma_wait3A_129 = tpu.memref_squeeze %dma_wait3A_128 : memref<1x2x128xi32, #tpu.memory_space<hbm>> -> memref<2x128xi32, #tpu.memory_space<hbm>>
      tpu.wait_dma2 semaphore(%run_scoped3A_97 : memref<!tpu.dma_semaphore, #tpu.memory_space<semaphore_mem>>) src(%dma_wait3A_129 : memref<2x128xi32, #tpu.memory_space<hbm>>) dst(%dma_wait3A_125 : memref<2x128xi32, #tpu.memory_space<vmem>>)
      tpu.yield
    }) : () -> ()
    %run_scoped3A_5 = arith.constant 0 : i32
    "tpu.region"() ({
      %run_scoped3A_97 = tpu.sem_alloc : memref<!tpu.dma_semaphore, #tpu.memory_space<semaphore_mem>>
      %dma_start3A_98 = arith.constant 0 : i32
      %dma_start3A_99 = arith.constant 0 : i32
      %dma_start3A_100 = tpu.memref_slice %arg8[%run_scoped3A_5, %dma_start3A_98, %dma_start3A_99] : memref<2x2x128xi32, #tpu.memory_space<vmem>> -> memref<1x2x128xi32, #tpu.memory_space<vmem>>
      %dma_start3A_101 = tpu.memref_squeeze %dma_start3A_100 : memref<1x2x128xi32, #tpu.memory_space<vmem>> -> memref<2x128xi32, #tpu.memory_space<vmem>>
      %dma_start3A_102 = arith.constant 0 : i32
      %dma_start3A_103 = arith.constant 0 : i32
      %dma_start3A_104 = tpu.memref_slice %arg4[%add3A, %dma_start3A_102, %dma_start3A_103] : memref<32x80x128xi32, #tpu.memory_space<hbm>> -> memref<1x2x128xi32, #tpu.memory_space<hbm>>
      %dma_start3A_105 = tpu.memref_squeeze %dma_start3A_104 : memref<1x2x128xi32, #tpu.memory_space<hbm>> -> memref<2x128xi32, #tpu.memory_space<hbm>>
      %dma_start3A_106 = arith.constant 0 : i32
      %dma_start3A_107 = arith.constant 0 : i32
      %dma_start3A_108 = tpu.memref_slice %arg8[%run_scoped3A_5, %dma_start3A_106, %dma_start3A_107] : memref<2x2x128xi32, #tpu.memory_space<vmem>> -> memref<1x2x128xi32, #tpu.memory_space<vmem>>
      %dma_start3A_109 = tpu.memref_squeeze %dma_start3A_108 : memref<1x2x128xi32, #tpu.memory_space<vmem>> -> memref<2x128xi32, #tpu.memory_space<vmem>>
      %dma_start3A_110 = arith.constant 0 : i32
      %dma_start3A_111 = arith.constant 0 : i32
      %dma_start3A_112 = tpu.memref_slice %arg4[%add3A, %dma_start3A_110, %dma_start3A_111] : memref<32x80x128xi32, #tpu.memory_space<hbm>> -> memref<1x2x128xi32, #tpu.memory_space<hbm>>
      %dma_start3A_113 = tpu.memref_squeeze %dma_start3A_112 : memref<1x2x128xi32, #tpu.memory_space<hbm>> -> memref<2x128xi32, #tpu.memory_space<hbm>>
      tpu.enqueue_dma source(%dma_start3A_113 : memref<2x128xi32, #tpu.memory_space<hbm>>) target(%dma_start3A_109 : memref<2x128xi32, #tpu.memory_space<vmem>>) target_semaphore(%run_scoped3A_97 : memref<!tpu.dma_semaphore, #tpu.memory_space<semaphore_mem>>)
      %dma_wait3A_114 = arith.constant 0 : i32
      %dma_wait3A_115 = arith.constant 0 : i32
      %dma_wait3A_116 = tpu.memref_slice %arg8[%run_scoped3A_5, %dma_wait3A_114, %dma_wait3A_115] : memref<2x2x128xi32, #tpu.memory_space<vmem>> -> memref<1x2x128xi32, #tpu.memory_space<vmem>>
      %dma_wait3A_117 = tpu.memref_squeeze %dma_wait3A_116 : memref<1x2x128xi32, #tpu.memory_space<vmem>> -> memref<2x128xi32, #tpu.memory_space<vmem>>
      %dma_wait3A_118 = arith.constant 0 : i32
      %dma_wait3A_119 = arith.constant 0 : i32
      %dma_wait3A_120 = tpu.memref_slice %arg4[%add3A, %dma_wait3A_118, %dma_wait3A_119] : memref<32x80x128xi32, #tpu.memory_space<hbm>> -> memref<1x2x128xi32, #tpu.memory_space<hbm>>
      %dma_wait3A_121 = tpu.memref_squeeze %dma_wait3A_120 : memref<1x2x128xi32, #tpu.memory_space<hbm>> -> memref<2x128xi32, #tpu.memory_space<hbm>>
      %dma_wait3A_122 = arith.constant 0 : i32
      %dma_wait3A_123 = arith.constant 0 : i32
      %dma_wait3A_124 = tpu.memref_slice %arg8[%run_scoped3A_5, %dma_wait3A_122, %dma_wait3A_123] : memref<2x2x128xi32, #tpu.memory_space<vmem>> -> memref<1x2x128xi32, #tpu.memory_space<vmem>>
      %dma_wait3A_125 = tpu.memref_squeeze %dma_wait3A_124 : memref<1x2x128xi32, #tpu.memory_space<vmem>> -> memref<2x128xi32, #tpu.memory_space<vmem>>
      %dma_wait3A_126 = arith.constant 0 : i32
      %dma_wait3A_127 = arith.constant 0 : i32
      %dma_wait3A_128 = tpu.memref_slice %arg4[%add3A, %dma_wait3A_126, %dma_wait3A_127] : memref<32x80x128xi32, #tpu.memory_space<hbm>> -> memref<1x2x128xi32, #tpu.memory_space<hbm>>
      %dma_wait3A_129 = tpu.memref_squeeze %dma_wait3A_128 : memref<1x2x128xi32, #tpu.memory_space<hbm>> -> memref<2x128xi32, #tpu.memory_space<hbm>>
      tpu.wait_dma2 semaphore(%run_scoped3A_97 : memref<!tpu.dma_semaphore, #tpu.memory_space<semaphore_mem>>) src(%dma_wait3A_129 : memref<2x128xi32, #tpu.memory_space<hbm>>) dst(%dma_wait3A_125 : memref<2x128xi32, #tpu.memory_space<vmem>>)
      tpu.yield
    }) : () -> ()
    %dma_start3A = arith.constant 0 : i32
    %dma_start3A_6 = arith.constant 0 : i32
    %dma_start3A_7 = arith.constant 0 : i32
    %dma_start3A_8 = tpu.memref_slice %arg7[%dma_start3A, %dma_start3A_6, %dma_start3A_7] : memref<2x2x128xi32, #tpu.memory_space<vmem>> -> memref<1x1x128xi32, #tpu.memory_space<vmem>>
    %dma_start3A_9 = tpu.memref_squeeze %dma_start3A_8 : memref<1x1x128xi32, #tpu.memory_space<vmem>> -> memref<128xi32, #tpu.memory_space<vmem>>
    %dma_start3A_10 = arith.constant 0 : i32
    %dma_start3A_11 = arith.constant 0 : i32
    %dma_start3A_12 = tpu.memref_slice %arg2[%dma_start3A_10, %dma_start3A_11] : memref<10240x128xf32, #tpu.memory_space<hbm>> -> memref<10240x128xf32, #tpu.memory_space<hbm>>
    tpu.enqueue_indirect_dma source(%dma_start3A_12 : memref<10240x128xf32, #tpu.memory_space<hbm>>) target(%arg9 : memref<128x128xf32, #tpu.memory_space<vmem>>) offsets(%dma_start3A_9 : memref<128xi32, #tpu.memory_space<vmem>>) semaphore(%arg11 : memref<!tpu.dma_semaphore, #tpu.memory_space<semaphore_mem>>)
    %dma_start3A_13 = arith.constant 1 : i32
    %dma_start3A_14 = arith.constant 0 : i32
    %dma_start3A_15 = arith.constant 0 : i32
    %dma_start3A_16 = tpu.memref_slice %arg7[%dma_start3A_13, %dma_start3A_14, %dma_start3A_15] : memref<2x2x128xi32, #tpu.memory_space<vmem>> -> memref<1x2x128xi32, #tpu.memory_space<vmem>>
    %dma_start3A_17 = tpu.memref_squeeze %dma_start3A_16 : memref<1x2x128xi32, #tpu.memory_space<vmem>> -> memref<2x128xi32, #tpu.memory_space<vmem>>
    %dma_start3A_18 = arith.constant 2 : i32
    %dma_start3A_19 = arith.constant 0 : i32
    %dma_start3A_20 = tpu.memref_slice %arg3[%add3A, %dma_start3A_18, %dma_start3A_19] : memref<32x80x128xi32, #tpu.memory_space<hbm>> -> memref<1x2x128xi32, #tpu.memory_space<hbm>>
    %dma_start3A_21 = tpu.memref_squeeze %dma_start3A_20 : memref<1x2x128xi32, #tpu.memory_space<hbm>> -> memref<2x128xi32, #tpu.memory_space<hbm>>
    %dma_start3A_22 = arith.constant 0 : i32
    %dma_start3A_23 = arith.constant 0 : i32
    %dma_start3A_24 = tpu.memref_slice %arg7[%dma_start3A_13, %dma_start3A_22, %dma_start3A_23] : memref<2x2x128xi32, #tpu.memory_space<vmem>> -> memref<1x2x128xi32, #tpu.memory_space<vmem>>
    %dma_start3A_25 = tpu.memref_squeeze %dma_start3A_24 : memref<1x2x128xi32, #tpu.memory_space<vmem>> -> memref<2x128xi32, #tpu.memory_space<vmem>>
    %dma_start3A_26 = arith.constant 2 : i32
    %dma_start3A_27 = arith.constant 0 : i32
    %dma_start3A_28 = tpu.memref_slice %arg3[%add3A, %dma_start3A_26, %dma_start3A_27] : memref<32x80x128xi32, #tpu.memory_space<hbm>> -> memref<1x2x128xi32, #tpu.memory_space<hbm>>
    %dma_start3A_29 = tpu.memref_squeeze %dma_start3A_28 : memref<1x2x128xi32, #tpu.memory_space<hbm>> -> memref<2x128xi32, #tpu.memory_space<hbm>>
    tpu.enqueue_dma source(%dma_start3A_29 : memref<2x128xi32, #tpu.memory_space<hbm>>) target(%dma_start3A_25 : memref<2x128xi32, #tpu.memory_space<vmem>>) target_semaphore(%arg13 : memref<!tpu.dma_semaphore, #tpu.memory_space<semaphore_mem>>)
    %dma_start3A_30 = arith.constant 1 : i32
    %dma_start3A_31 = arith.constant 0 : i32
    %dma_start3A_32 = arith.constant 0 : i32
    %dma_start3A_33 = tpu.memref_slice %arg8[%dma_start3A_30, %dma_start3A_31, %dma_start3A_32] : memref<2x2x128xi32, #tpu.memory_space<vmem>> -> memref<1x2x128xi32, #tpu.memory_space<vmem>>
    %dma_start3A_34 = tpu.memref_squeeze %dma_start3A_33 : memref<1x2x128xi32, #tpu.memory_space<vmem>> -> memref<2x128xi32, #tpu.memory_space<vmem>>
    %dma_start3A_35 = arith.constant 2 : i32
    %dma_start3A_36 = arith.constant 0 : i32
    %dma_start3A_37 = tpu.memref_slice %arg4[%add3A, %dma_start3A_35, %dma_start3A_36] : memref<32x80x128xi32, #tpu.memory_space<hbm>> -> memref<1x2x128xi32, #tpu.memory_space<hbm>>
    %dma_start3A_38 = tpu.memref_squeeze %dma_start3A_37 : memref<1x2x128xi32, #tpu.memory_space<hbm>> -> memref<2x128xi32, #tpu.memory_space<hbm>>
    %dma_start3A_39 = arith.constant 0 : i32
    %dma_start3A_40 = arith.constant 0 : i32
    %dma_start3A_41 = tpu.memref_slice %arg8[%dma_start3A_30, %dma_start3A_39, %dma_start3A_40] : memref<2x2x128xi32, #tpu.memory_space<vmem>> -> memref<1x2x128xi32, #tpu.memory_space<vmem>>
    %dma_start3A_42 = tpu.memref_squeeze %dma_start3A_41 : memref<1x2x128xi32, #tpu.memory_space<vmem>> -> memref<2x128xi32, #tpu.memory_space<vmem>>
    %dma_start3A_43 = arith.constant 2 : i32
    %dma_start3A_44 = arith.constant 0 : i32
    %dma_start3A_45 = tpu.memref_slice %arg4[%add3A, %dma_start3A_43, %dma_start3A_44] : memref<32x80x128xi32, #tpu.memory_space<hbm>> -> memref<1x2x128xi32, #tpu.memory_space<hbm>>
    %dma_start3A_46 = tpu.memref_squeeze %dma_start3A_45 : memref<1x2x128xi32, #tpu.memory_space<hbm>> -> memref<2x128xi32, #tpu.memory_space<hbm>>
    tpu.enqueue_dma source(%dma_start3A_46 : memref<2x128xi32, #tpu.memory_space<hbm>>) target(%dma_start3A_42 : memref<2x128xi32, #tpu.memory_space<vmem>>) target_semaphore(%arg14 : memref<!tpu.dma_semaphore, #tpu.memory_space<semaphore_mem>>)
    %scan3A = arith.constant 0 : i32
    %scan3A_47 = arith.constant 20 : i32
    %scan3A_48 = arith.addi %scan3A, %scan3A_47 : i32
    %scan3A_49 = arith.constant 1 : i32
    scf.for %scan3A_97 = %scan3A to %scan3A_48 step %scan3A_49  : i32 {
      %mul3A_98 = arith.constant 2 : i32
      %mul3A_99 = arith.muli %scan3A_97, %mul3A_98 : i32
      %add3A_100 = arith.constant 0 : i32
      %add3A_101 = arith.addi %add3A_100, %mul3A_99 : i32
      %dma_wait3A_102 = arith.constant 0 : i32
      %dma_wait3A_103 = arith.constant 0 : i32
      %dma_wait3A_104 = arith.constant 0 : i32
      %dma_wait3A_105 = tpu.memref_slice %arg7[%dma_wait3A_102, %dma_wait3A_103, %dma_wait3A_104] : memref<2x2x128xi32, #tpu.memory_space<vmem>> -> memref<1x1x128xi32, #tpu.memory_space<vmem>>
      %dma_wait3A_106 = tpu.memref_squeeze %dma_wait3A_105 : memref<1x1x128xi32, #tpu.memory_space<vmem>> -> memref<128xi32, #tpu.memory_space<vmem>>
      %dma_wait3A_107 = arith.constant 0 : i32
      %dma_wait3A_108 = arith.constant 0 : i32
      %dma_wait3A_109 = tpu.memref_slice %arg2[%dma_wait3A_107, %dma_wait3A_108] : memref<10240x128xf32, #tpu.memory_space<hbm>> -> memref<10240x128xf32, #tpu.memory_space<hbm>>
      tpu.wait_indirect_dma semaphore(%arg11 : memref<!tpu.dma_semaphore, #tpu.memory_space<semaphore_mem>>) src(%dma_wait3A_109 : memref<10240x128xf32, #tpu.memory_space<hbm>>) dst(%arg9 : memref<128x128xf32, #tpu.memory_space<vmem>>)
      %dma_start3A_110 = arith.constant 0 : i32
      %dma_start3A_111 = arith.constant 1 : i32
      %dma_start3A_112 = arith.constant 0 : i32
      %dma_start3A_113 = tpu.memref_slice %arg7[%dma_start3A_110, %dma_start3A_111, %dma_start3A_112] : memref<2x2x128xi32, #tpu.memory_space<vmem>> -> memref<1x1x128xi32, #tpu.memory_space<vmem>>
      %dma_start3A_114 = tpu.memref_squeeze %dma_start3A_113 : memref<1x1x128xi32, #tpu.memory_space<vmem>> -> memref<128xi32, #tpu.memory_space<vmem>>
      %dma_start3A_115 = arith.constant 0 : i32
      %dma_start3A_116 = arith.constant 0 : i32
      %dma_start3A_117 = tpu.memref_slice %arg2[%dma_start3A_115, %dma_start3A_116] : memref<10240x128xf32, #tpu.memory_space<hbm>> -> memref<10240x128xf32, #tpu.memory_space<hbm>>
      tpu.enqueue_indirect_dma source(%dma_start3A_117 : memref<10240x128xf32, #tpu.memory_space<hbm>>) target(%arg10 : memref<128x128xf32, #tpu.memory_space<vmem>>) offsets(%dma_start3A_114 : memref<128xi32, #tpu.memory_space<vmem>>) semaphore(%arg12 : memref<!tpu.dma_semaphore, #tpu.memory_space<semaphore_mem>>)
      %run_scoped3A_118 = arith.constant 0 : i32
      %run_scoped3A_119 = arith.constant 0 : i32
      "tpu.region"() ({
        %run_scoped3A_315 = tpu.sem_alloc : memref<!tpu.dma_semaphore, #tpu.memory_space<semaphore_mem>>
        %dma_start3A_316 = arith.constant 0 : i32
        %dma_start3A_317 = tpu.memref_slice %arg8[%run_scoped3A_118, %run_scoped3A_119, %dma_start3A_316] : memref<2x2x128xi32, #tpu.memory_space<vmem>> -> memref<1x1x128xi32, #tpu.memory_space<vmem>>
        %dma_start3A_318 = tpu.memref_squeeze %dma_start3A_317 : memref<1x1x128xi32, #tpu.memory_space<vmem>> -> memref<128xi32, #tpu.memory_space<vmem>>
        %dma_start3A_319 = arith.constant 0 : i32
        %dma_start3A_320 = arith.constant 0 : i32
        %dma_start3A_321 = tpu.memref_slice %arg15[%dma_start3A_319, %dma_start3A_320] : memref<10240x128xf32, #tpu.memory_space<vmem_shared>> -> memref<10240x128xf32, #tpu.memory_space<vmem_shared>>
        tpu.enqueue_indirect_dma source(%arg9 : memref<128x128xf32, #tpu.memory_space<vmem>>) target(%dma_start3A_321 : memref<10240x128xf32, #tpu.memory_space<vmem_shared>>) offsets(%dma_start3A_318 : memref<128xi32, #tpu.memory_space<vmem>>) semaphore(%run_scoped3A_315 : memref<!tpu.dma_semaphore, #tpu.memory_space<semaphore_mem>>) {add = true}
        %dma_wait3A_322 = arith.constant 0 : i32
        %dma_wait3A_323 = tpu.memref_slice %arg8[%run_scoped3A_118, %run_scoped3A_119, %dma_wait3A_322] : memref<2x2x128xi32, #tpu.memory_space<vmem>> -> memref<1x1x128xi32, #tpu.memory_space<vmem>>
        %dma_wait3A_324 = tpu.memref_squeeze %dma_wait3A_323 : memref<1x1x128xi32, #tpu.memory_space<vmem>> -> memref<128xi32, #tpu.memory_space<vmem>>
        %dma_wait3A_325 = arith.constant 0 : i32
        %dma_wait3A_326 = arith.constant 0 : i32
        %dma_wait3A_327 = tpu.memref_slice %arg15[%dma_wait3A_325, %dma_wait3A_326] : memref<10240x128xf32, #tpu.memory_space<vmem_shared>> -> memref<10240x128xf32, #tpu.memory_space<vmem_shared>>
        tpu.wait_indirect_dma semaphore(%run_scoped3A_315 : memref<!tpu.dma_semaphore, #tpu.memory_space<semaphore_mem>>) src(%arg9 : memref<128x128xf32, #tpu.memory_space<vmem>>) dst(%dma_wait3A_327 : memref<10240x128xf32, #tpu.memory_space<vmem_shared>>)
        tpu.yield
      }) : () -> ()
      %dma_wait3A_120 = arith.constant 0 : i32
      %dma_wait3A_121 = arith.constant 1 : i32
      %dma_wait3A_122 = arith.constant 0 : i32
      %dma_wait3A_123 = tpu.memref_slice %arg7[%dma_wait3A_120, %dma_wait3A_121, %dma_wait3A_122] : memref<2x2x128xi32, #tpu.memory_space<vmem>> -> memref<1x1x128xi32, #tpu.memory_space<vmem>>
      %dma_wait3A_124 = tpu.memref_squeeze %dma_wait3A_123 : memref<1x1x128xi32, #tpu.memory_space<vmem>> -> memref<128xi32, #tpu.memory_space<vmem>>
      %dma_wait3A_125 = arith.constant 0 : i32
      %dma_wait3A_126 = arith.constant 0 : i32
      %dma_wait3A_127 = tpu.memref_slice %arg2[%dma_wait3A_125, %dma_wait3A_126] : memref<10240x128xf32, #tpu.memory_space<hbm>> -> memref<10240x128xf32, #tpu.memory_space<hbm>>
      tpu.wait_indirect_dma semaphore(%arg12 : memref<!tpu.dma_semaphore, #tpu.memory_space<semaphore_mem>>) src(%dma_wait3A_127 : memref<10240x128xf32, #tpu.memory_space<hbm>>) dst(%arg10 : memref<128x128xf32, #tpu.memory_space<vmem>>)
      %dma_wait3A_128 = arith.constant 1 : i32
      %dma_wait3A_129 = arith.constant 0 : i32
      %dma_wait3A_130 = arith.constant 0 : i32
      %dma_wait3A_131 = tpu.memref_slice %arg7[%dma_wait3A_128, %dma_wait3A_129, %dma_wait3A_130] : memref<2x2x128xi32, #tpu.memory_space<vmem>> -> memref<1x2x128xi32, #tpu.memory_space<vmem>>
      %dma_wait3A_132 = tpu.memref_squeeze %dma_wait3A_131 : memref<1x2x128xi32, #tpu.memory_space<vmem>> -> memref<2x128xi32, #tpu.memory_space<vmem>>
      %dma_wait3A_133 = arith.constant 0 : i32
      %dma_wait3A_134 = arith.constant 0 : i32
      %dma_wait3A_135 = tpu.memref_slice %arg3[%add3A, %dma_wait3A_133, %dma_wait3A_134] : memref<32x80x128xi32, #tpu.memory_space<hbm>> -> memref<1x2x128xi32, #tpu.memory_space<hbm>>
      %dma_wait3A_136 = tpu.memref_squeeze %dma_wait3A_135 : memref<1x2x128xi32, #tpu.memory_space<hbm>> -> memref<2x128xi32, #tpu.memory_space<hbm>>
      %dma_wait3A_137 = arith.constant 0 : i32
      %dma_wait3A_138 = arith.constant 0 : i32
      %dma_wait3A_139 = tpu.memref_slice %arg7[%dma_wait3A_128, %dma_wait3A_137, %dma_wait3A_138] : memref<2x2x128xi32, #tpu.memory_space<vmem>> -> memref<1x2x128xi32, #tpu.memory_space<vmem>>
      %dma_wait3A_140 = tpu.memref_squeeze %dma_wait3A_139 : memref<1x2x128xi32, #tpu.memory_space<vmem>> -> memref<2x128xi32, #tpu.memory_space<vmem>>
      %dma_wait3A_141 = arith.constant 0 : i32
      %dma_wait3A_142 = arith.constant 0 : i32
      %dma_wait3A_143 = tpu.memref_slice %arg3[%add3A, %dma_wait3A_141, %dma_wait3A_142] : memref<32x80x128xi32, #tpu.memory_space<hbm>> -> memref<1x2x128xi32, #tpu.memory_space<hbm>>
      %dma_wait3A_144 = tpu.memref_squeeze %dma_wait3A_143 : memref<1x2x128xi32, #tpu.memory_space<hbm>> -> memref<2x128xi32, #tpu.memory_space<hbm>>
      tpu.wait_dma2 semaphore(%arg13 : memref<!tpu.dma_semaphore, #tpu.memory_space<semaphore_mem>>) src(%dma_wait3A_144 : memref<2x128xi32, #tpu.memory_space<hbm>>) dst(%dma_wait3A_140 : memref<2x128xi32, #tpu.memory_space<vmem>>)
      %dma_wait3A_145 = arith.constant 1 : i32
      %dma_wait3A_146 = arith.constant 0 : i32
      %dma_wait3A_147 = arith.constant 0 : i32
      %dma_wait3A_148 = tpu.memref_slice %arg8[%dma_wait3A_145, %dma_wait3A_146, %dma_wait3A_147] : memref<2x2x128xi32, #tpu.memory_space<vmem>> -> memref<1x2x128xi32, #tpu.memory_space<vmem>>
      %dma_wait3A_149 = tpu.memref_squeeze %dma_wait3A_148 : memref<1x2x128xi32, #tpu.memory_space<vmem>> -> memref<2x128xi32, #tpu.memory_space<vmem>>
      %dma_wait3A_150 = arith.constant 0 : i32
      %dma_wait3A_151 = arith.constant 0 : i32
      %dma_wait3A_152 = tpu.memref_slice %arg4[%add3A, %dma_wait3A_150, %dma_wait3A_151] : memref<32x80x128xi32, #tpu.memory_space<hbm>> -> memref<1x2x128xi32, #tpu.memory_space<hbm>>
      %dma_wait3A_153 = tpu.memref_squeeze %dma_wait3A_152 : memref<1x2x128xi32, #tpu.memory_space<hbm>> -> memref<2x128xi32, #tpu.memory_space<hbm>>
      %dma_wait3A_154 = arith.constant 0 : i32
      %dma_wait3A_155 = arith.constant 0 : i32
      %dma_wait3A_156 = tpu.memref_slice %arg8[%dma_wait3A_145, %dma_wait3A_154, %dma_wait3A_155] : memref<2x2x128xi32, #tpu.memory_space<vmem>> -> memref<1x2x128xi32, #tpu.memory_space<vmem>>
      %dma_wait3A_157 = tpu.memref_squeeze %dma_wait3A_156 : memref<1x2x128xi32, #tpu.memory_space<vmem>> -> memref<2x128xi32, #tpu.memory_space<vmem>>
      %dma_wait3A_158 = arith.constant 0 : i32
      %dma_wait3A_159 = arith.constant 0 : i32
      %dma_wait3A_160 = tpu.memref_slice %arg4[%add3A, %dma_wait3A_158, %dma_wait3A_159] : memref<32x80x128xi32, #tpu.memory_space<hbm>> -> memref<1x2x128xi32, #tpu.memory_space<hbm>>
      %dma_wait3A_161 = tpu.memref_squeeze %dma_wait3A_160 : memref<1x2x128xi32, #tpu.memory_space<hbm>> -> memref<2x128xi32, #tpu.memory_space<hbm>>
      tpu.wait_dma2 semaphore(%arg14 : memref<!tpu.dma_semaphore, #tpu.memory_space<semaphore_mem>>) src(%dma_wait3A_161 : memref<2x128xi32, #tpu.memory_space<hbm>>) dst(%dma_wait3A_157 : memref<2x128xi32, #tpu.memory_space<vmem>>)
      %dma_start3A_162 = arith.constant 1 : i32
      %dma_start3A_163 = arith.constant 0 : i32
      %dma_start3A_164 = arith.constant 0 : i32
      %dma_start3A_165 = tpu.memref_slice %arg7[%dma_start3A_162, %dma_start3A_163, %dma_start3A_164] : memref<2x2x128xi32, #tpu.memory_space<vmem>> -> memref<1x1x128xi32, #tpu.memory_space<vmem>>
      %dma_start3A_166 = tpu.memref_squeeze %dma_start3A_165 : memref<1x1x128xi32, #tpu.memory_space<vmem>> -> memref<128xi32, #tpu.memory_space<vmem>>
      %dma_start3A_167 = arith.constant 0 : i32
      %dma_start3A_168 = arith.constant 0 : i32
      %dma_start3A_169 = tpu.memref_slice %arg2[%dma_start3A_167, %dma_start3A_168] : memref<10240x128xf32, #tpu.memory_space<hbm>> -> memref<10240x128xf32, #tpu.memory_space<hbm>>
      tpu.enqueue_indirect_dma source(%dma_start3A_169 : memref<10240x128xf32, #tpu.memory_space<hbm>>) target(%arg9 : memref<128x128xf32, #tpu.memory_space<vmem>>) offsets(%dma_start3A_166 : memref<128xi32, #tpu.memory_space<vmem>>) semaphore(%arg11 : memref<!tpu.dma_semaphore, #tpu.memory_space<semaphore_mem>>)
      %run_scoped3A_170 = arith.constant 0 : i32
      %run_scoped3A_171 = arith.constant 1 : i32
      "tpu.region"() ({
        %run_scoped3A_315 = tpu.sem_alloc : memref<!tpu.dma_semaphore, #tpu.memory_space<semaphore_mem>>
        %dma_start3A_316 = arith.constant 0 : i32
        %dma_start3A_317 = tpu.memref_slice %arg8[%run_scoped3A_170, %run_scoped3A_171, %dma_start3A_316] : memref<2x2x128xi32, #tpu.memory_space<vmem>> -> memref<1x1x128xi32, #tpu.memory_space<vmem>>
        %dma_start3A_318 = tpu.memref_squeeze %dma_start3A_317 : memref<1x1x128xi32, #tpu.memory_space<vmem>> -> memref<128xi32, #tpu.memory_space<vmem>>
        %dma_start3A_319 = arith.constant 0 : i32
        %dma_start3A_320 = arith.constant 0 : i32
        %dma_start3A_321 = tpu.memref_slice %arg15[%dma_start3A_319, %dma_start3A_320] : memref<10240x128xf32, #tpu.memory_space<vmem_shared>> -> memref<10240x128xf32, #tpu.memory_space<vmem_shared>>
        tpu.enqueue_indirect_dma source(%arg10 : memref<128x128xf32, #tpu.memory_space<vmem>>) target(%dma_start3A_321 : memref<10240x128xf32, #tpu.memory_space<vmem_shared>>) offsets(%dma_start3A_318 : memref<128xi32, #tpu.memory_space<vmem>>) semaphore(%run_scoped3A_315 : memref<!tpu.dma_semaphore, #tpu.memory_space<semaphore_mem>>) {add = true}
        %dma_wait3A_322 = arith.constant 0 : i32
        %dma_wait3A_323 = tpu.memref_slice %arg8[%run_scoped3A_170, %run_scoped3A_171, %dma_wait3A_322] : memref<2x2x128xi32, #tpu.memory_space<vmem>> -> memref<1x1x128xi32, #tpu.memory_space<vmem>>
        %dma_wait3A_324 = tpu.memref_squeeze %dma_wait3A_323 : memref<1x1x128xi32, #tpu.memory_space<vmem>> -> memref<128xi32, #tpu.memory_space<vmem>>
        %dma_wait3A_325 = arith.constant 0 : i32
        %dma_wait3A_326 = arith.constant 0 : i32
        %dma_wait3A_327 = tpu.memref_slice %arg15[%dma_wait3A_325, %dma_wait3A_326] : memref<10240x128xf32, #tpu.memory_space<vmem_shared>> -> memref<10240x128xf32, #tpu.memory_space<vmem_shared>>
        tpu.wait_indirect_dma semaphore(%run_scoped3A_315 : memref<!tpu.dma_semaphore, #tpu.memory_space<semaphore_mem>>) src(%arg10 : memref<128x128xf32, #tpu.memory_space<vmem>>) dst(%dma_wait3A_327 : memref<10240x128xf32, #tpu.memory_space<vmem_shared>>)
        tpu.yield
      }) : () -> ()
      %mul3A_172 = arith.constant 2 : i32
      %mul3A_173 = arith.muli %mul3A_172, %add3A_101 : i32
      %add3A_174 = arith.constant 4 : i32
      %add3A_175 = arith.addi %mul3A_173, %add3A_174 : i32
      %rem3A = arith.constant 80 : i32
      %rem3A_176 = arith.remsi %add3A_175, %rem3A : i32
      %dma_start3A_177 = arith.constant 0 : i32
      %dma_start3A_178 = arith.constant 0 : i32
      %dma_start3A_179 = arith.constant 0 : i32
      %dma_start3A_180 = tpu.memref_slice %arg7[%dma_start3A_177, %dma_start3A_178, %dma_start3A_179] : memref<2x2x128xi32, #tpu.memory_space<vmem>> -> memref<1x2x128xi32, #tpu.memory_space<vmem>>
      %dma_start3A_181 = tpu.memref_squeeze %dma_start3A_180 : memref<1x2x128xi32, #tpu.memory_space<vmem>> -> memref<2x128xi32, #tpu.memory_space<vmem>>
      %dma_start3A_182 = arith.constant 0 : i32
      %dma_start3A_183 = tpu.memref_slice %arg3[%add3A, %rem3A_176, %dma_start3A_182] : memref<32x80x128xi32, #tpu.memory_space<hbm>> -> memref<1x2x128xi32, #tpu.memory_space<hbm>>
      %dma_start3A_184 = tpu.memref_squeeze %dma_start3A_183 : memref<1x2x128xi32, #tpu.memory_space<hbm>> -> memref<2x128xi32, #tpu.memory_space<hbm>>
      %dma_start3A_185 = arith.constant 0 : i32
      %dma_start3A_186 = arith.constant 0 : i32
      %dma_start3A_187 = tpu.memref_slice %arg7[%dma_start3A_177, %dma_start3A_185, %dma_start3A_186] : memref<2x2x128xi32, #tpu.memory_space<vmem>> -> memref<1x2x128xi32, #tpu.memory_space<vmem>>
      %dma_start3A_188 = tpu.memref_squeeze %dma_start3A_187 : memref<1x2x128xi32, #tpu.memory_space<vmem>> -> memref<2x128xi32, #tpu.memory_space<vmem>>
      %dma_start3A_189 = arith.constant 0 : i32
      %dma_start3A_190 = tpu.memref_slice %arg3[%add3A, %rem3A_176, %dma_start3A_189] : memref<32x80x128xi32, #tpu.memory_space<hbm>> -> memref<1x2x128xi32, #tpu.memory_space<hbm>>
      %dma_start3A_191 = tpu.memref_squeeze %dma_start3A_190 : memref<1x2x128xi32, #tpu.memory_space<hbm>> -> memref<2x128xi32, #tpu.memory_space<hbm>>
      tpu.enqueue_dma source(%dma_start3A_191 : memref<2x128xi32, #tpu.memory_space<hbm>>) target(%dma_start3A_188 : memref<2x128xi32, #tpu.memory_space<vmem>>) target_semaphore(%arg13 : memref<!tpu.dma_semaphore, #tpu.memory_space<semaphore_mem>>)
      %dma_start3A_192 = arith.constant 0 : i32
      %dma_start3A_193 = arith.constant 0 : i32
      %dma_start3A_194 = arith.constant 0 : i32
      %dma_start3A_195 = tpu.memref_slice %arg8[%dma_start3A_192, %dma_start3A_193, %dma_start3A_194] : memref<2x2x128xi32, #tpu.memory_space<vmem>> -> memref<1x2x128xi32, #tpu.memory_space<vmem>>
      %dma_start3A_196 = tpu.memref_squeeze %dma_start3A_195 : memref<1x2x128xi32, #tpu.memory_space<vmem>> -> memref<2x128xi32, #tpu.memory_space<vmem>>
      %dma_start3A_197 = arith.constant 0 : i32
      %dma_start3A_198 = tpu.memref_slice %arg4[%add3A, %rem3A_176, %dma_start3A_197] : memref<32x80x128xi32, #tpu.memory_space<hbm>> -> memref<1x2x128xi32, #tpu.memory_space<hbm>>
      %dma_start3A_199 = tpu.memref_squeeze %dma_start3A_198 : memref<1x2x128xi32, #tpu.memory_space<hbm>> -> memref<2x128xi32, #tpu.memory_space<hbm>>
      %dma_start3A_200 = arith.constant 0 : i32
      %dma_start3A_201 = arith.constant 0 : i32
      %dma_start3A_202 = tpu.memref_slice %arg8[%dma_start3A_192, %dma_start3A_200, %dma_start3A_201] : memref<2x2x128xi32, #tpu.memory_space<vmem>> -> memref<1x2x128xi32, #tpu.memory_space<vmem>>
      %dma_start3A_203 = tpu.memref_squeeze %dma_start3A_202 : memref<1x2x128xi32, #tpu.memory_space<vmem>> -> memref<2x128xi32, #tpu.memory_space<vmem>>
      %dma_start3A_204 = arith.constant 0 : i32
      %dma_start3A_205 = tpu.memref_slice %arg4[%add3A, %rem3A_176, %dma_start3A_204] : memref<32x80x128xi32, #tpu.memory_space<hbm>> -> memref<1x2x128xi32, #tpu.memory_space<hbm>>
      %dma_start3A_206 = tpu.memref_squeeze %dma_start3A_205 : memref<1x2x128xi32, #tpu.memory_space<hbm>> -> memref<2x128xi32, #tpu.memory_space<hbm>>
      tpu.enqueue_dma source(%dma_start3A_206 : memref<2x128xi32, #tpu.memory_space<hbm>>) target(%dma_start3A_203 : memref<2x128xi32, #tpu.memory_space<vmem>>) target_semaphore(%arg14 : memref<!tpu.dma_semaphore, #tpu.memory_space<semaphore_mem>>)
      %add3A_207 = arith.constant 1 : i32
      %add3A_208 = arith.addi %add3A_101, %add3A_207 : i32
      %dma_wait3A_209 = arith.constant 1 : i32
      %dma_wait3A_210 = arith.constant 0 : i32
      %dma_wait3A_211 = arith.constant 0 : i32
      %dma_wait3A_212 = tpu.memref_slice %arg7[%dma_wait3A_209, %dma_wait3A_210, %dma_wait3A_211] : memref<2x2x128xi32, #tpu.memory_space<vmem>> -> memref<1x1x128xi32, #tpu.memory_space<vmem>>
      %dma_wait3A_213 = tpu.memref_squeeze %dma_wait3A_212 : memref<1x1x128xi32, #tpu.memory_space<vmem>> -> memref<128xi32, #tpu.memory_space<vmem>>
      %dma_wait3A_214 = arith.constant 0 : i32
      %dma_wait3A_215 = arith.constant 0 : i32
      %dma_wait3A_216 = tpu.memref_slice %arg2[%dma_wait3A_214, %dma_wait3A_215] : memref<10240x128xf32, #tpu.memory_space<hbm>> -> memref<10240x128xf32, #tpu.memory_space<hbm>>
      tpu.wait_indirect_dma semaphore(%arg11 : memref<!tpu.dma_semaphore, #tpu.memory_space<semaphore_mem>>) src(%dma_wait3A_216 : memref<10240x128xf32, #tpu.memory_space<hbm>>) dst(%arg9 : memref<128x128xf32, #tpu.memory_space<vmem>>)
      %dma_start3A_217 = arith.constant 1 : i32
      %dma_start3A_218 = arith.constant 1 : i32
      %dma_start3A_219 = arith.constant 0 : i32
      %dma_start3A_220 = tpu.memref_slice %arg7[%dma_start3A_217, %dma_start3A_218, %dma_start3A_219] : memref<2x2x128xi32, #tpu.memory_space<vmem>> -> memref<1x1x128xi32, #tpu.memory_space<vmem>>
      %dma_start3A_221 = tpu.memref_squeeze %dma_start3A_220 : memref<1x1x128xi32, #tpu.memory_space<vmem>> -> memref<128xi32, #tpu.memory_space<vmem>>
      %dma_start3A_222 = arith.constant 0 : i32
      %dma_start3A_223 = arith.constant 0 : i32
      %dma_start3A_224 = tpu.memref_slice %arg2[%dma_start3A_222, %dma_start3A_223] : memref<10240x128xf32, #tpu.memory_space<hbm>> -> memref<10240x128xf32, #tpu.memory_space<hbm>>
      tpu.enqueue_indirect_dma source(%dma_start3A_224 : memref<10240x128xf32, #tpu.memory_space<hbm>>) target(%arg10 : memref<128x128xf32, #tpu.memory_space<vmem>>) offsets(%dma_start3A_221 : memref<128xi32, #tpu.memory_space<vmem>>) semaphore(%arg12 : memref<!tpu.dma_semaphore, #tpu.memory_space<semaphore_mem>>)
      %run_scoped3A_225 = arith.constant 1 : i32
      %run_scoped3A_226 = arith.constant 0 : i32
      "tpu.region"() ({
        %run_scoped3A_315 = tpu.sem_alloc : memref<!tpu.dma_semaphore, #tpu.memory_space<semaphore_mem>>
        %dma_start3A_316 = arith.constant 0 : i32
        %dma_start3A_317 = tpu.memref_slice %arg8[%run_scoped3A_225, %run_scoped3A_226, %dma_start3A_316] : memref<2x2x128xi32, #tpu.memory_space<vmem>> -> memref<1x1x128xi32, #tpu.memory_space<vmem>>
        %dma_start3A_318 = tpu.memref_squeeze %dma_start3A_317 : memref<1x1x128xi32, #tpu.memory_space<vmem>> -> memref<128xi32, #tpu.memory_space<vmem>>
        %dma_start3A_319 = arith.constant 0 : i32
        %dma_start3A_320 = arith.constant 0 : i32
        %dma_start3A_321 = tpu.memref_slice %arg15[%dma_start3A_319, %dma_start3A_320] : memref<10240x128xf32, #tpu.memory_space<vmem_shared>> -> memref<10240x128xf32, #tpu.memory_space<vmem_shared>>
        tpu.enqueue_indirect_dma source(%arg9 : memref<128x128xf32, #tpu.memory_space<vmem>>) target(%dma_start3A_321 : memref<10240x128xf32, #tpu.memory_space<vmem_shared>>) offsets(%dma_start3A_318 : memref<128xi32, #tpu.memory_space<vmem>>) semaphore(%run_scoped3A_315 : memref<!tpu.dma_semaphore, #tpu.memory_space<semaphore_mem>>) {add = true}
        %dma_wait3A_322 = arith.constant 0 : i32
        %dma_wait3A_323 = tpu.memref_slice %arg8[%run_scoped3A_225, %run_scoped3A_226, %dma_wait3A_322] : memref<2x2x128xi32, #tpu.memory_space<vmem>> -> memref<1x1x128xi32, #tpu.memory_space<vmem>>
        %dma_wait3A_324 = tpu.memref_squeeze %dma_wait3A_323 : memref<1x1x128xi32, #tpu.memory_space<vmem>> -> memref<128xi32, #tpu.memory_space<vmem>>
        %dma_wait3A_325 = arith.constant 0 : i32
        %dma_wait3A_326 = arith.constant 0 : i32
        %dma_wait3A_327 = tpu.memref_slice %arg15[%dma_wait3A_325, %dma_wait3A_326] : memref<10240x128xf32, #tpu.memory_space<vmem_shared>> -> memref<10240x128xf32, #tpu.memory_space<vmem_shared>>
        tpu.wait_indirect_dma semaphore(%run_scoped3A_315 : memref<!tpu.dma_semaphore, #tpu.memory_space<semaphore_mem>>) src(%arg9 : memref<128x128xf32, #tpu.memory_space<vmem>>) dst(%dma_wait3A_327 : memref<10240x128xf32, #tpu.memory_space<vmem_shared>>)
        tpu.yield
      }) : () -> ()
      %dma_wait3A_227 = arith.constant 1 : i32
      %dma_wait3A_228 = arith.constant 1 : i32
      %dma_wait3A_229 = arith.constant 0 : i32
      %dma_wait3A_230 = tpu.memref_slice %arg7[%dma_wait3A_227, %dma_wait3A_228, %dma_wait3A_229] : memref<2x2x128xi32, #tpu.memory_space<vmem>> -> memref<1x1x128xi32, #tpu.memory_space<vmem>>
      %dma_wait3A_231 = tpu.memref_squeeze %dma_wait3A_230 : memref<1x1x128xi32, #tpu.memory_space<vmem>> -> memref<128xi32, #tpu.memory_space<vmem>>
      %dma_wait3A_232 = arith.constant 0 : i32
      %dma_wait3A_233 = arith.constant 0 : i32
      %dma_wait3A_234 = tpu.memref_slice %arg2[%dma_wait3A_232, %dma_wait3A_233] : memref<10240x128xf32, #tpu.memory_space<hbm>> -> memref<10240x128xf32, #tpu.memory_space<hbm>>
      tpu.wait_indirect_dma semaphore(%arg12 : memref<!tpu.dma_semaphore, #tpu.memory_space<semaphore_mem>>) src(%dma_wait3A_234 : memref<10240x128xf32, #tpu.memory_space<hbm>>) dst(%arg10 : memref<128x128xf32, #tpu.memory_space<vmem>>)
      %dma_wait3A_235 = arith.constant 0 : i32
      %dma_wait3A_236 = arith.constant 0 : i32
      %dma_wait3A_237 = arith.constant 0 : i32
      %dma_wait3A_238 = tpu.memref_slice %arg7[%dma_wait3A_235, %dma_wait3A_236, %dma_wait3A_237] : memref<2x2x128xi32, #tpu.memory_space<vmem>> -> memref<1x2x128xi32, #tpu.memory_space<vmem>>
      %dma_wait3A_239 = tpu.memref_squeeze %dma_wait3A_238 : memref<1x2x128xi32, #tpu.memory_space<vmem>> -> memref<2x128xi32, #tpu.memory_space<vmem>>
      %dma_wait3A_240 = arith.constant 0 : i32
      %dma_wait3A_241 = arith.constant 0 : i32
      %dma_wait3A_242 = tpu.memref_slice %arg3[%add3A, %dma_wait3A_240, %dma_wait3A_241] : memref<32x80x128xi32, #tpu.memory_space<hbm>> -> memref<1x2x128xi32, #tpu.memory_space<hbm>>
      %dma_wait3A_243 = tpu.memref_squeeze %dma_wait3A_242 : memref<1x2x128xi32, #tpu.memory_space<hbm>> -> memref<2x128xi32, #tpu.memory_space<hbm>>
      %dma_wait3A_244 = arith.constant 0 : i32
      %dma_wait3A_245 = arith.constant 0 : i32
      %dma_wait3A_246 = tpu.memref_slice %arg7[%dma_wait3A_235, %dma_wait3A_244, %dma_wait3A_245] : memref<2x2x128xi32, #tpu.memory_space<vmem>> -> memref<1x2x128xi32, #tpu.memory_space<vmem>>
      %dma_wait3A_247 = tpu.memref_squeeze %dma_wait3A_246 : memref<1x2x128xi32, #tpu.memory_space<vmem>> -> memref<2x128xi32, #tpu.memory_space<vmem>>
      %dma_wait3A_248 = arith.constant 0 : i32
      %dma_wait3A_249 = arith.constant 0 : i32
      %dma_wait3A_250 = tpu.memref_slice %arg3[%add3A, %dma_wait3A_248, %dma_wait3A_249] : memref<32x80x128xi32, #tpu.memory_space<hbm>> -> memref<1x2x128xi32, #tpu.memory_space<hbm>>
      %dma_wait3A_251 = tpu.memref_squeeze %dma_wait3A_250 : memref<1x2x128xi32, #tpu.memory_space<hbm>> -> memref<2x128xi32, #tpu.memory_space<hbm>>
      tpu.wait_dma2 semaphore(%arg13 : memref<!tpu.dma_semaphore, #tpu.memory_space<semaphore_mem>>) src(%dma_wait3A_251 : memref<2x128xi32, #tpu.memory_space<hbm>>) dst(%dma_wait3A_247 : memref<2x128xi32, #tpu.memory_space<vmem>>)
      %dma_wait3A_252 = arith.constant 0 : i32
      %dma_wait3A_253 = arith.constant 0 : i32
      %dma_wait3A_254 = arith.constant 0 : i32
      %dma_wait3A_255 = tpu.memref_slice %arg8[%dma_wait3A_252, %dma_wait3A_253, %dma_wait3A_254] : memref<2x2x128xi32, #tpu.memory_space<vmem>> -> memref<1x2x128xi32, #tpu.memory_space<vmem>>
      %dma_wait3A_256 = tpu.memref_squeeze %dma_wait3A_255 : memref<1x2x128xi32, #tpu.memory_space<vmem>> -> memref<2x128xi32, #tpu.memory_space<vmem>>
      %dma_wait3A_257 = arith.constant 0 : i32
      %dma_wait3A_258 = arith.constant 0 : i32
      %dma_wait3A_259 = tpu.memref_slice %arg4[%add3A, %dma_wait3A_257, %dma_wait3A_258] : memref<32x80x128xi32, #tpu.memory_space<hbm>> -> memref<1x2x128xi32, #tpu.memory_space<hbm>>
      %dma_wait3A_260 = tpu.memref_squeeze %dma_wait3A_259 : memref<1x2x128xi32, #tpu.memory_space<hbm>> -> memref<2x128xi32, #tpu.memory_space<hbm>>
      %dma_wait3A_261 = arith.constant 0 : i32
      %dma_wait3A_262 = arith.constant 0 : i32
      %dma_wait3A_263 = tpu.memref_slice %arg8[%dma_wait3A_252, %dma_wait3A_261, %dma_wait3A_262] : memref<2x2x128xi32, #tpu.memory_space<vmem>> -> memref<1x2x128xi32, #tpu.memory_space<vmem>>
      %dma_wait3A_264 = tpu.memref_squeeze %dma_wait3A_263 : memref<1x2x128xi32, #tpu.memory_space<vmem>> -> memref<2x128xi32, #tpu.memory_space<vmem>>
      %dma_wait3A_265 = arith.constant 0 : i32
      %dma_wait3A_266 = arith.constant 0 : i32
      %dma_wait3A_267 = tpu.memref_slice %arg4[%add3A, %dma_wait3A_265, %dma_wait3A_266] : memref<32x80x128xi32, #tpu.memory_space<hbm>> -> memref<1x2x128xi32, #tpu.memory_space<hbm>>
      %dma_wait3A_268 = tpu.memref_squeeze %dma_wait3A_267 : memref<1x2x128xi32, #tpu.memory_space<hbm>> -> memref<2x128xi32, #tpu.memory_space<hbm>>
      tpu.wait_dma2 semaphore(%arg14 : memref<!tpu.dma_semaphore, #tpu.memory_space<semaphore_mem>>) src(%dma_wait3A_268 : memref<2x128xi32, #tpu.memory_space<hbm>>) dst(%dma_wait3A_264 : memref<2x128xi32, #tpu.memory_space<vmem>>)
      %dma_start3A_269 = arith.constant 0 : i32
      %dma_start3A_270 = arith.constant 0 : i32
      %dma_start3A_271 = arith.constant 0 : i32
      %dma_start3A_272 = tpu.memref_slice %arg7[%dma_start3A_269, %dma_start3A_270, %dma_start3A_271] : memref<2x2x128xi32, #tpu.memory_space<vmem>> -> memref<1x1x128xi32, #tpu.memory_space<vmem>>
      %dma_start3A_273 = tpu.memref_squeeze %dma_start3A_272 : memref<1x1x128xi32, #tpu.memory_space<vmem>> -> memref<128xi32, #tpu.memory_space<vmem>>
      %dma_start3A_274 = arith.constant 0 : i32
      %dma_start3A_275 = arith.constant 0 : i32
      %dma_start3A_276 = tpu.memref_slice %arg2[%dma_start3A_274, %dma_start3A_275] : memref<10240x128xf32, #tpu.memory_space<hbm>> -> memref<10240x128xf32, #tpu.memory_space<hbm>>
      tpu.enqueue_indirect_dma source(%dma_start3A_276 : memref<10240x128xf32, #tpu.memory_space<hbm>>) target(%arg9 : memref<128x128xf32, #tpu.memory_space<vmem>>) offsets(%dma_start3A_273 : memref<128xi32, #tpu.memory_space<vmem>>) semaphore(%arg11 : memref<!tpu.dma_semaphore, #tpu.memory_space<semaphore_mem>>)
      %run_scoped3A_277 = arith.constant 1 : i32
      %run_scoped3A_278 = arith.constant 1 : i32
      "tpu.region"() ({
        %run_scoped3A_315 = tpu.sem_alloc : memref<!tpu.dma_semaphore, #tpu.memory_space<semaphore_mem>>
        %dma_start3A_316 = arith.constant 0 : i32
        %dma_start3A_317 = tpu.memref_slice %arg8[%run_scoped3A_277, %run_scoped3A_278, %dma_start3A_316] : memref<2x2x128xi32, #tpu.memory_space<vmem>> -> memref<1x1x128xi32, #tpu.memory_space<vmem>>
        %dma_start3A_318 = tpu.memref_squeeze %dma_start3A_317 : memref<1x1x128xi32, #tpu.memory_space<vmem>> -> memref<128xi32, #tpu.memory_space<vmem>>
        %dma_start3A_319 = arith.constant 0 : i32
        %dma_start3A_320 = arith.constant 0 : i32
        %dma_start3A_321 = tpu.memref_slice %arg15[%dma_start3A_319, %dma_start3A_320] : memref<10240x128xf32, #tpu.memory_space<vmem_shared>> -> memref<10240x128xf32, #tpu.memory_space<vmem_shared>>
        tpu.enqueue_indirect_dma source(%arg10 : memref<128x128xf32, #tpu.memory_space<vmem>>) target(%dma_start3A_321 : memref<10240x128xf32, #tpu.memory_space<vmem_shared>>) offsets(%dma_start3A_318 : memref<128xi32, #tpu.memory_space<vmem>>) semaphore(%run_scoped3A_315 : memref<!tpu.dma_semaphore, #tpu.memory_space<semaphore_mem>>) {add = true}
        %dma_wait3A_322 = arith.constant 0 : i32
        %dma_wait3A_323 = tpu.memref_slice %arg8[%run_scoped3A_277, %run_scoped3A_278, %dma_wait3A_322] : memref<2x2x128xi32, #tpu.memory_space<vmem>> -> memref<1x1x128xi32, #tpu.memory_space<vmem>>
        %dma_wait3A_324 = tpu.memref_squeeze %dma_wait3A_323 : memref<1x1x128xi32, #tpu.memory_space<vmem>> -> memref<128xi32, #tpu.memory_space<vmem>>
        %dma_wait3A_325 = arith.constant 0 : i32
        %dma_wait3A_326 = arith.constant 0 : i32
        %dma_wait3A_327 = tpu.memref_slice %arg15[%dma_wait3A_325, %dma_wait3A_326] : memref<10240x128xf32, #tpu.memory_space<vmem_shared>> -> memref<10240x128xf32, #tpu.memory_space<vmem_shared>>
        tpu.wait_indirect_dma semaphore(%run_scoped3A_315 : memref<!tpu.dma_semaphore, #tpu.memory_space<semaphore_mem>>) src(%arg10 : memref<128x128xf32, #tpu.memory_space<vmem>>) dst(%dma_wait3A_327 : memref<10240x128xf32, #tpu.memory_space<vmem_shared>>)
        tpu.yield
      }) : () -> ()
      %mul3A_279 = arith.constant 2 : i32
      %mul3A_280 = arith.muli %mul3A_279, %add3A_208 : i32
      %add3A_281 = arith.constant 4 : i32
      %add3A_282 = arith.addi %mul3A_280, %add3A_281 : i32
      %rem3A_283 = arith.constant 80 : i32
      %rem3A_284 = arith.remsi %add3A_282, %rem3A_283 : i32
      %dma_start3A_285 = arith.constant 1 : i32
      %dma_start3A_286 = arith.constant 0 : i32
      %dma_start3A_287 = arith.constant 0 : i32
      %dma_start3A_288 = tpu.memref_slice %arg7[%dma_start3A_285, %dma_start3A_286, %dma_start3A_287] : memref<2x2x128xi32, #tpu.memory_space<vmem>> -> memref<1x2x128xi32, #tpu.memory_space<vmem>>
      %dma_start3A_289 = tpu.memref_squeeze %dma_start3A_288 : memref<1x2x128xi32, #tpu.memory_space<vmem>> -> memref<2x128xi32, #tpu.memory_space<vmem>>
      %dma_start3A_290 = arith.constant 0 : i32
      %dma_start3A_291 = tpu.memref_slice %arg3[%add3A, %rem3A_284, %dma_start3A_290] : memref<32x80x128xi32, #tpu.memory_space<hbm>> -> memref<1x2x128xi32, #tpu.memory_space<hbm>>
      %dma_start3A_292 = tpu.memref_squeeze %dma_start3A_291 : memref<1x2x128xi32, #tpu.memory_space<hbm>> -> memref<2x128xi32, #tpu.memory_space<hbm>>
      %dma_start3A_293 = arith.constant 0 : i32
      %dma_start3A_294 = arith.constant 0 : i32
      %dma_start3A_295 = tpu.memref_slice %arg7[%dma_start3A_285, %dma_start3A_293, %dma_start3A_294] : memref<2x2x128xi32, #tpu.memory_space<vmem>> -> memref<1x2x128xi32, #tpu.memory_space<vmem>>
      %dma_start3A_296 = tpu.memref_squeeze %dma_start3A_295 : memref<1x2x128xi32, #tpu.memory_space<vmem>> -> memref<2x128xi32, #tpu.memory_space<vmem>>
      %dma_start3A_297 = arith.constant 0 : i32
      %dma_start3A_298 = tpu.memref_slice %arg3[%add3A, %rem3A_284, %dma_start3A_297] : memref<32x80x128xi32, #tpu.memory_space<hbm>> -> memref<1x2x128xi32, #tpu.memory_space<hbm>>
      %dma_start3A_299 = tpu.memref_squeeze %dma_start3A_298 : memref<1x2x128xi32, #tpu.memory_space<hbm>> -> memref<2x128xi32, #tpu.memory_space<hbm>>
      tpu.enqueue_dma source(%dma_start3A_299 : memref<2x128xi32, #tpu.memory_space<hbm>>) target(%dma_start3A_296 : memref<2x128xi32, #tpu.memory_space<vmem>>) target_semaphore(%arg13 : memref<!tpu.dma_semaphore, #tpu.memory_space<semaphore_mem>>)
      %dma_start3A_300 = arith.constant 1 : i32
      %dma_start3A_301 = arith.constant 0 : i32
      %dma_start3A_302 = arith.constant 0 : i32
      %dma_start3A_303 = tpu.memref_slice %arg8[%dma_start3A_300, %dma_start3A_301, %dma_start3A_302] : memref<2x2x128xi32, #tpu.memory_space<vmem>> -> memref<1x2x128xi32, #tpu.memory_space<vmem>>
      %dma_start3A_304 = tpu.memref_squeeze %dma_start3A_303 : memref<1x2x128xi32, #tpu.memory_space<vmem>> -> memref<2x128xi32, #tpu.memory_space<vmem>>
      %dma_start3A_305 = arith.constant 0 : i32
      %dma_start3A_306 = tpu.memref_slice %arg4[%add3A, %rem3A_284, %dma_start3A_305] : memref<32x80x128xi32, #tpu.memory_space<hbm>> -> memref<1x2x128xi32, #tpu.memory_space<hbm>>
      %dma_start3A_307 = tpu.memref_squeeze %dma_start3A_306 : memref<1x2x128xi32, #tpu.memory_space<hbm>> -> memref<2x128xi32, #tpu.memory_space<hbm>>
      %dma_start3A_308 = arith.constant 0 : i32
      %dma_start3A_309 = arith.constant 0 : i32
      %dma_start3A_310 = tpu.memref_slice %arg8[%dma_start3A_300, %dma_start3A_308, %dma_start3A_309] : memref<2x2x128xi32, #tpu.memory_space<vmem>> -> memref<1x2x128xi32, #tpu.memory_space<vmem>>
      %dma_start3A_311 = tpu.memref_squeeze %dma_start3A_310 : memref<1x2x128xi32, #tpu.memory_space<vmem>> -> memref<2x128xi32, #tpu.memory_space<vmem>>
      %dma_start3A_312 = arith.constant 0 : i32
      %dma_start3A_313 = tpu.memref_slice %arg4[%add3A, %rem3A_284, %dma_start3A_312] : memref<32x80x128xi32, #tpu.memory_space<hbm>> -> memref<1x2x128xi32, #tpu.memory_space<hbm>>
      %dma_start3A_314 = tpu.memref_squeeze %dma_start3A_313 : memref<1x2x128xi32, #tpu.memory_space<hbm>> -> memref<2x128xi32, #tpu.memory_space<hbm>>
      tpu.enqueue_dma source(%dma_start3A_314 : memref<2x128xi32, #tpu.memory_space<hbm>>) target(%dma_start3A_311 : memref<2x128xi32, #tpu.memory_space<vmem>>) target_semaphore(%arg14 : memref<!tpu.dma_semaphore, #tpu.memory_space<semaphore_mem>>)
    }
    %scan3A_50 = arith.constant 20 : i32
    %dma_wait3A = arith.constant 0 : i32
    %dma_wait3A_51 = arith.constant 0 : i32
    %dma_wait3A_52 = arith.constant 0 : i32
    %dma_wait3A_53 = tpu.memref_slice %arg7[%dma_wait3A, %dma_wait3A_51, %dma_wait3A_52] : memref<2x2x128xi32, #tpu.memory_space<vmem>> -> memref<1x1x128xi32, #tpu.memory_space<vmem>>
    %dma_wait3A_54 = tpu.memref_squeeze %dma_wait3A_53 : memref<1x1x128xi32, #tpu.memory_space<vmem>> -> memref<128xi32, #tpu.memory_space<vmem>>
    %dma_wait3A_55 = arith.constant 0 : i32
    %dma_wait3A_56 = arith.constant 0 : i32
    %dma_wait3A_57 = tpu.memref_slice %arg2[%dma_wait3A_55, %dma_wait3A_56] : memref<10240x128xf32, #tpu.memory_space<hbm>> -> memref<10240x128xf32, #tpu.memory_space<hbm>>
    tpu.wait_indirect_dma semaphore(%arg11 : memref<!tpu.dma_semaphore, #tpu.memory_space<semaphore_mem>>) src(%dma_wait3A_57 : memref<10240x128xf32, #tpu.memory_space<hbm>>) dst(%arg9 : memref<128x128xf32, #tpu.memory_space<vmem>>)
    %dma_wait3A_58 = arith.constant 0 : i32
    %dma_wait3A_59 = arith.constant 0 : i32
    %dma_wait3A_60 = arith.constant 0 : i32
    %dma_wait3A_61 = tpu.memref_slice %arg7[%dma_wait3A_58, %dma_wait3A_59, %dma_wait3A_60] : memref<2x2x128xi32, #tpu.memory_space<vmem>> -> memref<1x2x128xi32, #tpu.memory_space<vmem>>
    %dma_wait3A_62 = tpu.memref_squeeze %dma_wait3A_61 : memref<1x2x128xi32, #tpu.memory_space<vmem>> -> memref<2x128xi32, #tpu.memory_space<vmem>>
    %dma_wait3A_63 = arith.constant 0 : i32
    %dma_wait3A_64 = arith.constant 0 : i32
    %dma_wait3A_65 = tpu.memref_slice %arg3[%add3A, %dma_wait3A_63, %dma_wait3A_64] : memref<32x80x128xi32, #tpu.memory_space<hbm>> -> memref<1x2x128xi32, #tpu.memory_space<hbm>>
    %dma_wait3A_66 = tpu.memref_squeeze %dma_wait3A_65 : memref<1x2x128xi32, #tpu.memory_space<hbm>> -> memref<2x128xi32, #tpu.memory_space<hbm>>
    %dma_wait3A_67 = arith.constant 0 : i32
    %dma_wait3A_68 = arith.constant 0 : i32
    %dma_wait3A_69 = tpu.memref_slice %arg7[%dma_wait3A_58, %dma_wait3A_67, %dma_wait3A_68] : memref<2x2x128xi32, #tpu.memory_space<vmem>> -> memref<1x2x128xi32, #tpu.memory_space<vmem>>
    %dma_wait3A_70 = tpu.memref_squeeze %dma_wait3A_69 : memref<1x2x128xi32, #tpu.memory_space<vmem>> -> memref<2x128xi32, #tpu.memory_space<vmem>>
    %dma_wait3A_71 = arith.constant 0 : i32
    %dma_wait3A_72 = arith.constant 0 : i32
    %dma_wait3A_73 = tpu.memref_slice %arg3[%add3A, %dma_wait3A_71, %dma_wait3A_72] : memref<32x80x128xi32, #tpu.memory_space<hbm>> -> memref<1x2x128xi32, #tpu.memory_space<hbm>>
    %dma_wait3A_74 = tpu.memref_squeeze %dma_wait3A_73 : memref<1x2x128xi32, #tpu.memory_space<hbm>> -> memref<2x128xi32, #tpu.memory_space<hbm>>
    tpu.wait_dma2 semaphore(%arg13 : memref<!tpu.dma_semaphore, #tpu.memory_space<semaphore_mem>>) src(%dma_wait3A_74 : memref<2x128xi32, #tpu.memory_space<hbm>>) dst(%dma_wait3A_70 : memref<2x128xi32, #tpu.memory_space<vmem>>)
    %dma_wait3A_75 = arith.constant 0 : i32
    %dma_wait3A_76 = arith.constant 0 : i32
    %dma_wait3A_77 = arith.constant 0 : i32
    %dma_wait3A_78 = tpu.memref_slice %arg8[%dma_wait3A_75, %dma_wait3A_76, %dma_wait3A_77] : memref<2x2x128xi32, #tpu.memory_space<vmem>> -> memref<1x2x128xi32, #tpu.memory_space<vmem>>
    %dma_wait3A_79 = tpu.memref_squeeze %dma_wait3A_78 : memref<1x2x128xi32, #tpu.memory_space<vmem>> -> memref<2x128xi32, #tpu.memory_space<vmem>>
    %dma_wait3A_80 = arith.constant 0 : i32
    %dma_wait3A_81 = arith.constant 0 : i32
    %dma_wait3A_82 = tpu.memref_slice %arg4[%add3A, %dma_wait3A_80, %dma_wait3A_81] : memref<32x80x128xi32, #tpu.memory_space<hbm>> -> memref<1x2x128xi32, #tpu.memory_space<hbm>>
    %dma_wait3A_83 = tpu.memref_squeeze %dma_wait3A_82 : memref<1x2x128xi32, #tpu.memory_space<hbm>> -> memref<2x128xi32, #tpu.memory_space<hbm>>
    %dma_wait3A_84 = arith.constant 0 : i32
    %dma_wait3A_85 = arith.constant 0 : i32
    %dma_wait3A_86 = tpu.memref_slice %arg8[%dma_wait3A_75, %dma_wait3A_84, %dma_wait3A_85] : memref<2x2x128xi32, #tpu.memory_space<vmem>> -> memref<1x2x128xi32, #tpu.memory_space<vmem>>
    %dma_wait3A_87 = tpu.memref_squeeze %dma_wait3A_86 : memref<1x2x128xi32, #tpu.memory_space<vmem>> -> memref<2x128xi32, #tpu.memory_space<vmem>>
    %dma_wait3A_88 = arith.constant 0 : i32
    %dma_wait3A_89 = arith.constant 0 : i32
    %dma_wait3A_90 = tpu.memref_slice %arg4[%add3A, %dma_wait3A_88, %dma_wait3A_89] : memref<32x80x128xi32, #tpu.memory_space<hbm>> -> memref<1x2x128xi32, #tpu.memory_space<hbm>>
    %dma_wait3A_91 = tpu.memref_squeeze %dma_wait3A_90 : memref<1x2x128xi32, #tpu.memory_space<hbm>> -> memref<2x128xi32, #tpu.memory_space<hbm>>
    tpu.wait_dma2 semaphore(%arg14 : memref<!tpu.dma_semaphore, #tpu.memory_space<semaphore_mem>>) src(%dma_wait3A_91 : memref<2x128xi32, #tpu.memory_space<hbm>>) dst(%dma_wait3A_87 : memref<2x128xi32, #tpu.memory_space<vmem>>)
    %barrier3A_92 = arith.constant 0 : index
    tpu.barrier barrier_id(%barrier3A_92)
    %mul3A_93 = arith.constant 640 : i32
    %mul3A_94 = arith.muli %arg1, %mul3A_93 : i32
    %mul3A_95 = arith.constant 640 : i32
    %mul3A_96 = arith.muli %arg1, %mul3A_95 : i32
    "tpu.region"() ({
      %run_scoped3A_97 = tpu.sem_alloc : memref<!tpu.dma_semaphore, #tpu.memory_space<semaphore_mem>>
      %dma_start3A_98 = arith.constant 0 : i32
      %dma_start3A_99 = tpu.memref_slice %arg6[%arg0, %mul3A_96, %dma_start3A_98] : memref<2x10240x128xf32, #tpu.memory_space<hbm>> -> memref<1x640x128xf32, #tpu.memory_space<hbm>>
      %dma_start3A_100 = tpu.memref_squeeze %dma_start3A_99 : memref<1x640x128xf32, #tpu.memory_space<hbm>> -> memref<640x128xf32, #tpu.memory_space<hbm>>
      %dma_start3A_101 = arith.constant 0 : i32
      %dma_start3A_102 = tpu.memref_slice %arg15[%mul3A_94, %dma_start3A_101] : memref<10240x128xf32, #tpu.memory_space<vmem_shared>> -> memref<640x128xf32, #tpu.memory_space<vmem_shared>>
      tpu.enqueue_dma source(%dma_start3A_102 : memref<640x128xf32, #tpu.memory_space<vmem_shared>>) target(%dma_start3A_100 : memref<640x128xf32, #tpu.memory_space<hbm>>) target_semaphore(%run_scoped3A_97 : memref<!tpu.dma_semaphore, #tpu.memory_space<semaphore_mem>>)
      %dma_wait3A_103 = arith.constant 0 : i32
      %dma_wait3A_104 = tpu.memref_slice %arg6[%arg0, %mul3A_96, %dma_wait3A_103] : memref<2x10240x128xf32, #tpu.memory_space<hbm>> -> memref<1x640x128xf32, #tpu.memory_space<hbm>>
      %dma_wait3A_105 = tpu.memref_squeeze %dma_wait3A_104 : memref<1x640x128xf32, #tpu.memory_space<hbm>> -> memref<640x128xf32, #tpu.memory_space<hbm>>
      %dma_wait3A_106 = arith.constant 0 : i32
      %dma_wait3A_107 = tpu.memref_slice %arg15[%mul3A_94, %dma_wait3A_106] : memref<10240x128xf32, #tpu.memory_space<vmem_shared>> -> memref<640x128xf32, #tpu.memory_space<vmem_shared>>
      tpu.wait_dma2 semaphore(%run_scoped3A_97 : memref<!tpu.dma_semaphore, #tpu.memory_space<semaphore_mem>>) src(%dma_wait3A_107 : memref<640x128xf32, #tpu.memory_space<vmem_shared>>) dst(%dma_wait3A_105 : memref<640x128xf32, #tpu.memory_space<hbm>>)
      tpu.yield
    }) : () -> ()
    return
  }
}

#map = affine_map<(d0, d1) -> (0, 0)>
#map1 = affine_map<(d0, d1) -> (0, 0, 0)>
module attributes {stable_mosaic.version = 14 : i64} {
  func.func @_hop_body(%arg0: i32, %arg1: i32, %arg2: memref<10240x128xf32, #tpu.memory_space<hbm>>, %arg3: memref<32x80x128xi32, #tpu.memory_space<hbm>>, %arg4: memref<32x80x128xi32, #tpu.memory_space<hbm>>, %arg5: memref<10240x128xf32, #tpu.memory_space<hbm>>, %arg6: memref<2x10240x128xf32, #tpu.memory_space<hbm>>, %arg7: memref<2x2x128xi32, #tpu.memory_space<vmem>>, %arg8: memref<2x2x128xi32, #tpu.memory_space<vmem>>, %arg9: memref<128x128xf32, #tpu.memory_space<vmem>>, %arg10: memref<128x128xf32, #tpu.memory_space<vmem>>, %arg11: memref<!tpu.dma_semaphore, #tpu.memory_space<semaphore_mem>>, %arg12: memref<!tpu.dma_semaphore, #tpu.memory_space<semaphore_mem>>, %arg13: memref<!tpu.dma_semaphore, #tpu.memory_space<semaphore_mem>>, %arg14: memref<!tpu.dma_semaphore, #tpu.memory_space<semaphore_mem>>, %arg15: memref<10240x128xf32, #tpu.memory_space<vmem_shared>>) attributes {dimension_semantics = [#tpu.dimension_semantics<core_parallel>, #tpu.dimension_semantics<subcore_parallel>], iteration_bounds = array<i64: 2, 16>, scalar_prefetch = 0 : i64, scratch_operands = 9 : i64, tpu.core_type = #tpu.core_type<sc_vector_subcore>, window_params = [{transform_indices = #map}, {transform_indices = #map1}, {transform_indices = #map1}, {transform_indices = #map}, {transform_indices = #map1}]} {
    %mul3A = arith.constant 640 : i32
    %mul3A_0 = arith.muli %arg1, %mul3A : i32
    %mul3A_1 = arith.constant 640 : i32
    %mul3A_2 = arith.muli %arg1, %mul3A_1 : i32
    "tpu.region"() ({
      %run_scoped3A_97 = tpu.sem_alloc : memref<!tpu.dma_semaphore, #tpu.memory_space<semaphore_mem>>
      %dma_start3A_98 = arith.constant 0 : i32
      %dma_start3A_99 = tpu.memref_slice %arg15[%mul3A_2, %dma_start3A_98] : memref<10240x128xf32, #tpu.memory_space<vmem_shared>> -> memref<640x128xf32, #tpu.memory_space<vmem_shared>>
      %dma_start3A_100 = arith.constant 0 : i32
      %dma_start3A_101 = tpu.memref_slice %arg5[%mul3A_0, %dma_start3A_100] : memref<10240x128xf32, #tpu.memory_space<hbm>> -> memref<640x128xf32, #tpu.memory_space<hbm>>
      tpu.enqueue_dma source(%dma_start3A_101 : memref<640x128xf32, #tpu.memory_space<hbm>>) target(%dma_start3A_99 : memref<640x128xf32, #tpu.memory_space<vmem_shared>>) target_semaphore(%run_scoped3A_97 : memref<!tpu.dma_semaphore, #tpu.memory_space<semaphore_mem>>)
      %dma_wait3A_102 = arith.constant 0 : i32
      %dma_wait3A_103 = tpu.memref_slice %arg15[%mul3A_2, %dma_wait3A_102] : memref<10240x128xf32, #tpu.memory_space<vmem_shared>> -> memref<640x128xf32, #tpu.memory_space<vmem_shared>>
      %dma_wait3A_104 = arith.constant 0 : i32
      %dma_wait3A_105 = tpu.memref_slice %arg5[%mul3A_0, %dma_wait3A_104] : memref<10240x128xf32, #tpu.memory_space<hbm>> -> memref<640x128xf32, #tpu.memory_space<hbm>>
      tpu.wait_dma2 semaphore(%run_scoped3A_97 : memref<!tpu.dma_semaphore, #tpu.memory_space<semaphore_mem>>) src(%dma_wait3A_105 : memref<640x128xf32, #tpu.memory_space<hbm>>) dst(%dma_wait3A_103 : memref<640x128xf32, #tpu.memory_space<vmem_shared>>)
      tpu.yield
    }) : () -> ()
    %barrier3A = arith.constant 0 : index
    tpu.barrier barrier_id(%barrier3A)
    %mul3A_3 = arith.constant 16 : i32
    %mul3A_4 = arith.muli %arg0, %mul3A_3 : i32
    %add3A = arith.addi %mul3A_4, %arg1 : i32
    %run_scoped3A = arith.constant 0 : i32
    "tpu.region"() ({
      %run_scoped3A_97 = tpu.sem_alloc : memref<!tpu.dma_semaphore, #tpu.memory_space<semaphore_mem>>
      %dma_start3A_98 = arith.constant 0 : i32
      %dma_start3A_99 = arith.constant 0 : i32
      %dma_start3A_100 = tpu.memref_slice %arg7[%run_scoped3A, %dma_start3A_98, %dma_start3A_99] : memref<2x2x128xi32, #tpu.memory_space<vmem>> -> memref<1x2x128xi32, #tpu.memory_space<vmem>>
      %dma_start3A_101 = tpu.memref_squeeze %dma_start3A_100 : memref<1x2x128xi32, #tpu.memory_space<vmem>> -> memref<2x128xi32, #tpu.memory_space<vmem>>
      %dma_start3A_102 = arith.constant 0 : i32
      %dma_start3A_103 = arith.constant 0 : i32
      %dma_start3A_104 = tpu.memref_slice %arg3[%add3A, %dma_start3A_102, %dma_start3A_103] : memref<32x80x128xi32, #tpu.memory_space<hbm>> -> memref<1x2x128xi32, #tpu.memory_space<hbm>>
      %dma_start3A_105 = tpu.memref_squeeze %dma_start3A_104 : memref<1x2x128xi32, #tpu.memory_space<hbm>> -> memref<2x128xi32, #tpu.memory_space<hbm>>
      %dma_start3A_106 = arith.constant 0 : i32
      %dma_start3A_107 = arith.constant 0 : i32
      %dma_start3A_108 = tpu.memref_slice %arg7[%run_scoped3A, %dma_start3A_106, %dma_start3A_107] : memref<2x2x128xi32, #tpu.memory_space<vmem>> -> memref<1x2x128xi32, #tpu.memory_space<vmem>>
      %dma_start3A_109 = tpu.memref_squeeze %dma_start3A_108 : memref<1x2x128xi32, #tpu.memory_space<vmem>> -> memref<2x128xi32, #tpu.memory_space<vmem>>
      %dma_start3A_110 = arith.constant 0 : i32
      %dma_start3A_111 = arith.constant 0 : i32
      %dma_start3A_112 = tpu.memref_slice %arg3[%add3A, %dma_start3A_110, %dma_start3A_111] : memref<32x80x128xi32, #tpu.memory_space<hbm>> -> memref<1x2x128xi32, #tpu.memory_space<hbm>>
      %dma_start3A_113 = tpu.memref_squeeze %dma_start3A_112 : memref<1x2x128xi32, #tpu.memory_space<hbm>> -> memref<2x128xi32, #tpu.memory_space<hbm>>
      tpu.enqueue_dma source(%dma_start3A_113 : memref<2x128xi32, #tpu.memory_space<hbm>>) target(%dma_start3A_109 : memref<2x128xi32, #tpu.memory_space<vmem>>) target_semaphore(%run_scoped3A_97 : memref<!tpu.dma_semaphore, #tpu.memory_space<semaphore_mem>>)
      %dma_wait3A_114 = arith.constant 0 : i32
      %dma_wait3A_115 = arith.constant 0 : i32
      %dma_wait3A_116 = tpu.memref_slice %arg7[%run_scoped3A, %dma_wait3A_114, %dma_wait3A_115] : memref<2x2x128xi32, #tpu.memory_space<vmem>> -> memref<1x2x128xi32, #tpu.memory_space<vmem>>
      %dma_wait3A_117 = tpu.memref_squeeze %dma_wait3A_116 : memref<1x2x128xi32, #tpu.memory_space<vmem>> -> memref<2x128xi32, #tpu.memory_space<vmem>>
      %dma_wait3A_118 = arith.constant 0 : i32
      %dma_wait3A_119 = arith.constant 0 : i32
      %dma_wait3A_120 = tpu.memref_slice %arg3[%add3A, %dma_wait3A_118, %dma_wait3A_119] : memref<32x80x128xi32, #tpu.memory_space<hbm>> -> memref<1x2x128xi32, #tpu.memory_space<hbm>>
      %dma_wait3A_121 = tpu.memref_squeeze %dma_wait3A_120 : memref<1x2x128xi32, #tpu.memory_space<hbm>> -> memref<2x128xi32, #tpu.memory_space<hbm>>
      %dma_wait3A_122 = arith.constant 0 : i32
      %dma_wait3A_123 = arith.constant 0 : i32
      %dma_wait3A_124 = tpu.memref_slice %arg7[%run_scoped3A, %dma_wait3A_122, %dma_wait3A_123] : memref<2x2x128xi32, #tpu.memory_space<vmem>> -> memref<1x2x128xi32, #tpu.memory_space<vmem>>
      %dma_wait3A_125 = tpu.memref_squeeze %dma_wait3A_124 : memref<1x2x128xi32, #tpu.memory_space<vmem>> -> memref<2x128xi32, #tpu.memory_space<vmem>>
      %dma_wait3A_126 = arith.constant 0 : i32
      %dma_wait3A_127 = arith.constant 0 : i32
      %dma_wait3A_128 = tpu.memref_slice %arg3[%add3A, %dma_wait3A_126, %dma_wait3A_127] : memref<32x80x128xi32, #tpu.memory_space<hbm>> -> memref<1x2x128xi32, #tpu.memory_space<hbm>>
      %dma_wait3A_129 = tpu.memref_squeeze %dma_wait3A_128 : memref<1x2x128xi32, #tpu.memory_space<hbm>> -> memref<2x128xi32, #tpu.memory_space<hbm>>
      tpu.wait_dma2 semaphore(%run_scoped3A_97 : memref<!tpu.dma_semaphore, #tpu.memory_space<semaphore_mem>>) src(%dma_wait3A_129 : memref<2x128xi32, #tpu.memory_space<hbm>>) dst(%dma_wait3A_125 : memref<2x128xi32, #tpu.memory_space<vmem>>)
      tpu.yield
    }) : () -> ()
    %run_scoped3A_5 = arith.constant 0 : i32
    "tpu.region"() ({
      %run_scoped3A_97 = tpu.sem_alloc : memref<!tpu.dma_semaphore, #tpu.memory_space<semaphore_mem>>
      %dma_start3A_98 = arith.constant 0 : i32
      %dma_start3A_99 = arith.constant 0 : i32
      %dma_start3A_100 = tpu.memref_slice %arg8[%run_scoped3A_5, %dma_start3A_98, %dma_start3A_99] : memref<2x2x128xi32, #tpu.memory_space<vmem>> -> memref<1x2x128xi32, #tpu.memory_space<vmem>>
      %dma_start3A_101 = tpu.memref_squeeze %dma_start3A_100 : memref<1x2x128xi32, #tpu.memory_space<vmem>> -> memref<2x128xi32, #tpu.memory_space<vmem>>
      %dma_start3A_102 = arith.constant 0 : i32
      %dma_start3A_103 = arith.constant 0 : i32
      %dma_start3A_104 = tpu.memref_slice %arg4[%add3A, %dma_start3A_102, %dma_start3A_103] : memref<32x80x128xi32, #tpu.memory_space<hbm>> -> memref<1x2x128xi32, #tpu.memory_space<hbm>>
      %dma_start3A_105 = tpu.memref_squeeze %dma_start3A_104 : memref<1x2x128xi32, #tpu.memory_space<hbm>> -> memref<2x128xi32, #tpu.memory_space<hbm>>
      %dma_start3A_106 = arith.constant 0 : i32
      %dma_start3A_107 = arith.constant 0 : i32
      %dma_start3A_108 = tpu.memref_slice %arg8[%run_scoped3A_5, %dma_start3A_106, %dma_start3A_107] : memref<2x2x128xi32, #tpu.memory_space<vmem>> -> memref<1x2x128xi32, #tpu.memory_space<vmem>>
      %dma_start3A_109 = tpu.memref_squeeze %dma_start3A_108 : memref<1x2x128xi32, #tpu.memory_space<vmem>> -> memref<2x128xi32, #tpu.memory_space<vmem>>
      %dma_start3A_110 = arith.constant 0 : i32
      %dma_start3A_111 = arith.constant 0 : i32
      %dma_start3A_112 = tpu.memref_slice %arg4[%add3A, %dma_start3A_110, %dma_start3A_111] : memref<32x80x128xi32, #tpu.memory_space<hbm>> -> memref<1x2x128xi32, #tpu.memory_space<hbm>>
      %dma_start3A_113 = tpu.memref_squeeze %dma_start3A_112 : memref<1x2x128xi32, #tpu.memory_space<hbm>> -> memref<2x128xi32, #tpu.memory_space<hbm>>
      tpu.enqueue_dma source(%dma_start3A_113 : memref<2x128xi32, #tpu.memory_space<hbm>>) target(%dma_start3A_109 : memref<2x128xi32, #tpu.memory_space<vmem>>) target_semaphore(%run_scoped3A_97 : memref<!tpu.dma_semaphore, #tpu.memory_space<semaphore_mem>>)
      %dma_wait3A_114 = arith.constant 0 : i32
      %dma_wait3A_115 = arith.constant 0 : i32
      %dma_wait3A_116 = tpu.memref_slice %arg8[%run_scoped3A_5, %dma_wait3A_114, %dma_wait3A_115] : memref<2x2x128xi32, #tpu.memory_space<vmem>> -> memref<1x2x128xi32, #tpu.memory_space<vmem>>
      %dma_wait3A_117 = tpu.memref_squeeze %dma_wait3A_116 : memref<1x2x128xi32, #tpu.memory_space<vmem>> -> memref<2x128xi32, #tpu.memory_space<vmem>>
      %dma_wait3A_118 = arith.constant 0 : i32
      %dma_wait3A_119 = arith.constant 0 : i32
      %dma_wait3A_120 = tpu.memref_slice %arg4[%add3A, %dma_wait3A_118, %dma_wait3A_119] : memref<32x80x128xi32, #tpu.memory_space<hbm>> -> memref<1x2x128xi32, #tpu.memory_space<hbm>>
      %dma_wait3A_121 = tpu.memref_squeeze %dma_wait3A_120 : memref<1x2x128xi32, #tpu.memory_space<hbm>> -> memref<2x128xi32, #tpu.memory_space<hbm>>
      %dma_wait3A_122 = arith.constant 0 : i32
      %dma_wait3A_123 = arith.constant 0 : i32
      %dma_wait3A_124 = tpu.memref_slice %arg8[%run_scoped3A_5, %dma_wait3A_122, %dma_wait3A_123] : memref<2x2x128xi32, #tpu.memory_space<vmem>> -> memref<1x2x128xi32, #tpu.memory_space<vmem>>
      %dma_wait3A_125 = tpu.memref_squeeze %dma_wait3A_124 : memref<1x2x128xi32, #tpu.memory_space<vmem>> -> memref<2x128xi32, #tpu.memory_space<vmem>>
      %dma_wait3A_126 = arith.constant 0 : i32
      %dma_wait3A_127 = arith.constant 0 : i32
      %dma_wait3A_128 = tpu.memref_slice %arg4[%add3A, %dma_wait3A_126, %dma_wait3A_127] : memref<32x80x128xi32, #tpu.memory_space<hbm>> -> memref<1x2x128xi32, #tpu.memory_space<hbm>>
      %dma_wait3A_129 = tpu.memref_squeeze %dma_wait3A_128 : memref<1x2x128xi32, #tpu.memory_space<hbm>> -> memref<2x128xi32, #tpu.memory_space<hbm>>
      tpu.wait_dma2 semaphore(%run_scoped3A_97 : memref<!tpu.dma_semaphore, #tpu.memory_space<semaphore_mem>>) src(%dma_wait3A_129 : memref<2x128xi32, #tpu.memory_space<hbm>>) dst(%dma_wait3A_125 : memref<2x128xi32, #tpu.memory_space<vmem>>)
      tpu.yield
    }) : () -> ()
    %dma_start3A = arith.constant 0 : i32
    %dma_start3A_6 = arith.constant 0 : i32
    %dma_start3A_7 = arith.constant 0 : i32
    %dma_start3A_8 = tpu.memref_slice %arg7[%dma_start3A, %dma_start3A_6, %dma_start3A_7] : memref<2x2x128xi32, #tpu.memory_space<vmem>> -> memref<1x1x128xi32, #tpu.memory_space<vmem>>
    %dma_start3A_9 = tpu.memref_squeeze %dma_start3A_8 : memref<1x1x128xi32, #tpu.memory_space<vmem>> -> memref<128xi32, #tpu.memory_space<vmem>>
    %dma_start3A_10 = arith.constant 0 : i32
    %dma_start3A_11 = arith.constant 0 : i32
    %dma_start3A_12 = tpu.memref_slice %arg2[%dma_start3A_10, %dma_start3A_11] : memref<10240x128xf32, #tpu.memory_space<hbm>> -> memref<10240x128xf32, #tpu.memory_space<hbm>>
    tpu.enqueue_indirect_dma source(%dma_start3A_12 : memref<10240x128xf32, #tpu.memory_space<hbm>>) target(%arg9 : memref<128x128xf32, #tpu.memory_space<vmem>>) offsets(%dma_start3A_9 : memref<128xi32, #tpu.memory_space<vmem>>) semaphore(%arg11 : memref<!tpu.dma_semaphore, #tpu.memory_space<semaphore_mem>>)
    %dma_start3A_13 = arith.constant 1 : i32
    %dma_start3A_14 = arith.constant 0 : i32
    %dma_start3A_15 = arith.constant 0 : i32
    %dma_start3A_16 = tpu.memref_slice %arg7[%dma_start3A_13, %dma_start3A_14, %dma_start3A_15] : memref<2x2x128xi32, #tpu.memory_space<vmem>> -> memref<1x2x128xi32, #tpu.memory_space<vmem>>
    %dma_start3A_17 = tpu.memref_squeeze %dma_start3A_16 : memref<1x2x128xi32, #tpu.memory_space<vmem>> -> memref<2x128xi32, #tpu.memory_space<vmem>>
    %dma_start3A_18 = arith.constant 2 : i32
    %dma_start3A_19 = arith.constant 0 : i32
    %dma_start3A_20 = tpu.memref_slice %arg3[%add3A, %dma_start3A_18, %dma_start3A_19] : memref<32x80x128xi32, #tpu.memory_space<hbm>> -> memref<1x2x128xi32, #tpu.memory_space<hbm>>
    %dma_start3A_21 = tpu.memref_squeeze %dma_start3A_20 : memref<1x2x128xi32, #tpu.memory_space<hbm>> -> memref<2x128xi32, #tpu.memory_space<hbm>>
    %dma_start3A_22 = arith.constant 0 : i32
    %dma_start3A_23 = arith.constant 0 : i32
    %dma_start3A_24 = tpu.memref_slice %arg7[%dma_start3A_13, %dma_start3A_22, %dma_start3A_23] : memref<2x2x128xi32, #tpu.memory_space<vmem>> -> memref<1x2x128xi32, #tpu.memory_space<vmem>>
    %dma_start3A_25 = tpu.memref_squeeze %dma_start3A_24 : memref<1x2x128xi32, #tpu.memory_space<vmem>> -> memref<2x128xi32, #tpu.memory_space<vmem>>
    %dma_start3A_26 = arith.constant 2 : i32
    %dma_start3A_27 = arith.constant 0 : i32
    %dma_start3A_28 = tpu.memref_slice %arg3[%add3A, %dma_start3A_26, %dma_start3A_27] : memref<32x80x128xi32, #tpu.memory_space<hbm>> -> memref<1x2x128xi32, #tpu.memory_space<hbm>>
    %dma_start3A_29 = tpu.memref_squeeze %dma_start3A_28 : memref<1x2x128xi32, #tpu.memory_space<hbm>> -> memref<2x128xi32, #tpu.memory_space<hbm>>
    tpu.enqueue_dma source(%dma_start3A_29 : memref<2x128xi32, #tpu.memory_space<hbm>>) target(%dma_start3A_25 : memref<2x128xi32, #tpu.memory_space<vmem>>) target_semaphore(%arg13 : memref<!tpu.dma_semaphore, #tpu.memory_space<semaphore_mem>>)
    %dma_start3A_30 = arith.constant 1 : i32
    %dma_start3A_31 = arith.constant 0 : i32
    %dma_start3A_32 = arith.constant 0 : i32
    %dma_start3A_33 = tpu.memref_slice %arg8[%dma_start3A_30, %dma_start3A_31, %dma_start3A_32] : memref<2x2x128xi32, #tpu.memory_space<vmem>> -> memref<1x2x128xi32, #tpu.memory_space<vmem>>
    %dma_start3A_34 = tpu.memref_squeeze %dma_start3A_33 : memref<1x2x128xi32, #tpu.memory_space<vmem>> -> memref<2x128xi32, #tpu.memory_space<vmem>>
    %dma_start3A_35 = arith.constant 2 : i32
    %dma_start3A_36 = arith.constant 0 : i32
    %dma_start3A_37 = tpu.memref_slice %arg4[%add3A, %dma_start3A_35, %dma_start3A_36] : memref<32x80x128xi32, #tpu.memory_space<hbm>> -> memref<1x2x128xi32, #tpu.memory_space<hbm>>
    %dma_start3A_38 = tpu.memref_squeeze %dma_start3A_37 : memref<1x2x128xi32, #tpu.memory_space<hbm>> -> memref<2x128xi32, #tpu.memory_space<hbm>>
    %dma_start3A_39 = arith.constant 0 : i32
    %dma_start3A_40 = arith.constant 0 : i32
    %dma_start3A_41 = tpu.memref_slice %arg8[%dma_start3A_30, %dma_start3A_39, %dma_start3A_40] : memref<2x2x128xi32, #tpu.memory_space<vmem>> -> memref<1x2x128xi32, #tpu.memory_space<vmem>>
    %dma_start3A_42 = tpu.memref_squeeze %dma_start3A_41 : memref<1x2x128xi32, #tpu.memory_space<vmem>> -> memref<2x128xi32, #tpu.memory_space<vmem>>
    %dma_start3A_43 = arith.constant 2 : i32
    %dma_start3A_44 = arith.constant 0 : i32
    %dma_start3A_45 = tpu.memref_slice %arg4[%add3A, %dma_start3A_43, %dma_start3A_44] : memref<32x80x128xi32, #tpu.memory_space<hbm>> -> memref<1x2x128xi32, #tpu.memory_space<hbm>>
    %dma_start3A_46 = tpu.memref_squeeze %dma_start3A_45 : memref<1x2x128xi32, #tpu.memory_space<hbm>> -> memref<2x128xi32, #tpu.memory_space<hbm>>
    tpu.enqueue_dma source(%dma_start3A_46 : memref<2x128xi32, #tpu.memory_space<hbm>>) target(%dma_start3A_42 : memref<2x128xi32, #tpu.memory_space<vmem>>) target_semaphore(%arg14 : memref<!tpu.dma_semaphore, #tpu.memory_space<semaphore_mem>>)
    %scan3A = arith.constant 0 : i32
    %scan3A_47 = arith.constant 20 : i32
    %scan3A_48 = arith.addi %scan3A, %scan3A_47 : i32
    %scan3A_49 = arith.constant 1 : i32
    scf.for %scan3A_97 = %scan3A to %scan3A_48 step %scan3A_49  : i32 {
      %mul3A_98 = arith.constant 2 : i32
      %mul3A_99 = arith.muli %scan3A_97, %mul3A_98 : i32
      %add3A_100 = arith.constant 0 : i32
      %add3A_101 = arith.addi %add3A_100, %mul3A_99 : i32
      %dma_wait3A_102 = arith.constant 0 : i32
      %dma_wait3A_103 = arith.constant 0 : i32
      %dma_wait3A_104 = arith.constant 0 : i32
      %dma_wait3A_105 = tpu.memref_slice %arg7[%dma_wait3A_102, %dma_wait3A_103, %dma_wait3A_104] : memref<2x2x128xi32, #tpu.memory_space<vmem>> -> memref<1x1x128xi32, #tpu.memory_space<vmem>>
      %dma_wait3A_106 = tpu.memref_squeeze %dma_wait3A_105 : memref<1x1x128xi32, #tpu.memory_space<vmem>> -> memref<128xi32, #tpu.memory_space<vmem>>
      %dma_wait3A_107 = arith.constant 0 : i32
      %dma_wait3A_108 = arith.constant 0 : i32
      %dma_wait3A_109 = tpu.memref_slice %arg2[%dma_wait3A_107, %dma_wait3A_108] : memref<10240x128xf32, #tpu.memory_space<hbm>> -> memref<10240x128xf32, #tpu.memory_space<hbm>>
      tpu.wait_indirect_dma semaphore(%arg11 : memref<!tpu.dma_semaphore, #tpu.memory_space<semaphore_mem>>) src(%dma_wait3A_109 : memref<10240x128xf32, #tpu.memory_space<hbm>>) dst(%arg9 : memref<128x128xf32, #tpu.memory_space<vmem>>)
      %dma_start3A_110 = arith.constant 0 : i32
      %dma_start3A_111 = arith.constant 1 : i32
      %dma_start3A_112 = arith.constant 0 : i32
      %dma_start3A_113 = tpu.memref_slice %arg7[%dma_start3A_110, %dma_start3A_111, %dma_start3A_112] : memref<2x2x128xi32, #tpu.memory_space<vmem>> -> memref<1x1x128xi32, #tpu.memory_space<vmem>>
      %dma_start3A_114 = tpu.memref_squeeze %dma_start3A_113 : memref<1x1x128xi32, #tpu.memory_space<vmem>> -> memref<128xi32, #tpu.memory_space<vmem>>
      %dma_start3A_115 = arith.constant 0 : i32
      %dma_start3A_116 = arith.constant 0 : i32
      %dma_start3A_117 = tpu.memref_slice %arg2[%dma_start3A_115, %dma_start3A_116] : memref<10240x128xf32, #tpu.memory_space<hbm>> -> memref<10240x128xf32, #tpu.memory_space<hbm>>
      tpu.enqueue_indirect_dma source(%dma_start3A_117 : memref<10240x128xf32, #tpu.memory_space<hbm>>) target(%arg10 : memref<128x128xf32, #tpu.memory_space<vmem>>) offsets(%dma_start3A_114 : memref<128xi32, #tpu.memory_space<vmem>>) semaphore(%arg12 : memref<!tpu.dma_semaphore, #tpu.memory_space<semaphore_mem>>)
      %run_scoped3A_118 = arith.constant 0 : i32
      %run_scoped3A_119 = arith.constant 0 : i32
      "tpu.region"() ({
        %run_scoped3A_315 = tpu.sem_alloc : memref<!tpu.dma_semaphore, #tpu.memory_space<semaphore_mem>>
        %dma_start3A_316 = arith.constant 0 : i32
        %dma_start3A_317 = tpu.memref_slice %arg8[%run_scoped3A_118, %run_scoped3A_119, %dma_start3A_316] : memref<2x2x128xi32, #tpu.memory_space<vmem>> -> memref<1x1x128xi32, #tpu.memory_space<vmem>>
        %dma_start3A_318 = tpu.memref_squeeze %dma_start3A_317 : memref<1x1x128xi32, #tpu.memory_space<vmem>> -> memref<128xi32, #tpu.memory_space<vmem>>
        %dma_start3A_319 = arith.constant 0 : i32
        %dma_start3A_320 = arith.constant 0 : i32
        %dma_start3A_321 = tpu.memref_slice %arg15[%dma_start3A_319, %dma_start3A_320] : memref<10240x128xf32, #tpu.memory_space<vmem_shared>> -> memref<10240x128xf32, #tpu.memory_space<vmem_shared>>
        tpu.enqueue_indirect_dma source(%arg9 : memref<128x128xf32, #tpu.memory_space<vmem>>) target(%dma_start3A_321 : memref<10240x128xf32, #tpu.memory_space<vmem_shared>>) offsets(%dma_start3A_318 : memref<128xi32, #tpu.memory_space<vmem>>) semaphore(%run_scoped3A_315 : memref<!tpu.dma_semaphore, #tpu.memory_space<semaphore_mem>>) {add = true}
        %dma_wait3A_322 = arith.constant 0 : i32
        %dma_wait3A_323 = tpu.memref_slice %arg8[%run_scoped3A_118, %run_scoped3A_119, %dma_wait3A_322] : memref<2x2x128xi32, #tpu.memory_space<vmem>> -> memref<1x1x128xi32, #tpu.memory_space<vmem>>
        %dma_wait3A_324 = tpu.memref_squeeze %dma_wait3A_323 : memref<1x1x128xi32, #tpu.memory_space<vmem>> -> memref<128xi32, #tpu.memory_space<vmem>>
        %dma_wait3A_325 = arith.constant 0 : i32
        %dma_wait3A_326 = arith.constant 0 : i32
        %dma_wait3A_327 = tpu.memref_slice %arg15[%dma_wait3A_325, %dma_wait3A_326] : memref<10240x128xf32, #tpu.memory_space<vmem_shared>> -> memref<10240x128xf32, #tpu.memory_space<vmem_shared>>
        tpu.wait_indirect_dma semaphore(%run_scoped3A_315 : memref<!tpu.dma_semaphore, #tpu.memory_space<semaphore_mem>>) src(%arg9 : memref<128x128xf32, #tpu.memory_space<vmem>>) dst(%dma_wait3A_327 : memref<10240x128xf32, #tpu.memory_space<vmem_shared>>)
        tpu.yield
      }) : () -> ()
      %dma_wait3A_120 = arith.constant 0 : i32
      %dma_wait3A_121 = arith.constant 1 : i32
      %dma_wait3A_122 = arith.constant 0 : i32
      %dma_wait3A_123 = tpu.memref_slice %arg7[%dma_wait3A_120, %dma_wait3A_121, %dma_wait3A_122] : memref<2x2x128xi32, #tpu.memory_space<vmem>> -> memref<1x1x128xi32, #tpu.memory_space<vmem>>
      %dma_wait3A_124 = tpu.memref_squeeze %dma_wait3A_123 : memref<1x1x128xi32, #tpu.memory_space<vmem>> -> memref<128xi32, #tpu.memory_space<vmem>>
      %dma_wait3A_125 = arith.constant 0 : i32
      %dma_wait3A_126 = arith.constant 0 : i32
      %dma_wait3A_127 = tpu.memref_slice %arg2[%dma_wait3A_125, %dma_wait3A_126] : memref<10240x128xf32, #tpu.memory_space<hbm>> -> memref<10240x128xf32, #tpu.memory_space<hbm>>
      tpu.wait_indirect_dma semaphore(%arg12 : memref<!tpu.dma_semaphore, #tpu.memory_space<semaphore_mem>>) src(%dma_wait3A_127 : memref<10240x128xf32, #tpu.memory_space<hbm>>) dst(%arg10 : memref<128x128xf32, #tpu.memory_space<vmem>>)
      %dma_wait3A_128 = arith.constant 1 : i32
      %dma_wait3A_129 = arith.constant 0 : i32
      %dma_wait3A_130 = arith.constant 0 : i32
      %dma_wait3A_131 = tpu.memref_slice %arg7[%dma_wait3A_128, %dma_wait3A_129, %dma_wait3A_130] : memref<2x2x128xi32, #tpu.memory_space<vmem>> -> memref<1x2x128xi32, #tpu.memory_space<vmem>>
      %dma_wait3A_132 = tpu.memref_squeeze %dma_wait3A_131 : memref<1x2x128xi32, #tpu.memory_space<vmem>> -> memref<2x128xi32, #tpu.memory_space<vmem>>
      %dma_wait3A_133 = arith.constant 0 : i32
      %dma_wait3A_134 = arith.constant 0 : i32
      %dma_wait3A_135 = tpu.memref_slice %arg3[%add3A, %dma_wait3A_133, %dma_wait3A_134] : memref<32x80x128xi32, #tpu.memory_space<hbm>> -> memref<1x2x128xi32, #tpu.memory_space<hbm>>
      %dma_wait3A_136 = tpu.memref_squeeze %dma_wait3A_135 : memref<1x2x128xi32, #tpu.memory_space<hbm>> -> memref<2x128xi32, #tpu.memory_space<hbm>>
      %dma_wait3A_137 = arith.constant 0 : i32
      %dma_wait3A_138 = arith.constant 0 : i32
      %dma_wait3A_139 = tpu.memref_slice %arg7[%dma_wait3A_128, %dma_wait3A_137, %dma_wait3A_138] : memref<2x2x128xi32, #tpu.memory_space<vmem>> -> memref<1x2x128xi32, #tpu.memory_space<vmem>>
      %dma_wait3A_140 = tpu.memref_squeeze %dma_wait3A_139 : memref<1x2x128xi32, #tpu.memory_space<vmem>> -> memref<2x128xi32, #tpu.memory_space<vmem>>
      %dma_wait3A_141 = arith.constant 0 : i32
      %dma_wait3A_142 = arith.constant 0 : i32
      %dma_wait3A_143 = tpu.memref_slice %arg3[%add3A, %dma_wait3A_141, %dma_wait3A_142] : memref<32x80x128xi32, #tpu.memory_space<hbm>> -> memref<1x2x128xi32, #tpu.memory_space<hbm>>
      %dma_wait3A_144 = tpu.memref_squeeze %dma_wait3A_143 : memref<1x2x128xi32, #tpu.memory_space<hbm>> -> memref<2x128xi32, #tpu.memory_space<hbm>>
      tpu.wait_dma2 semaphore(%arg13 : memref<!tpu.dma_semaphore, #tpu.memory_space<semaphore_mem>>) src(%dma_wait3A_144 : memref<2x128xi32, #tpu.memory_space<hbm>>) dst(%dma_wait3A_140 : memref<2x128xi32, #tpu.memory_space<vmem>>)
      %dma_wait3A_145 = arith.constant 1 : i32
      %dma_wait3A_146 = arith.constant 0 : i32
      %dma_wait3A_147 = arith.constant 0 : i32
      %dma_wait3A_148 = tpu.memref_slice %arg8[%dma_wait3A_145, %dma_wait3A_146, %dma_wait3A_147] : memref<2x2x128xi32, #tpu.memory_space<vmem>> -> memref<1x2x128xi32, #tpu.memory_space<vmem>>
      %dma_wait3A_149 = tpu.memref_squeeze %dma_wait3A_148 : memref<1x2x128xi32, #tpu.memory_space<vmem>> -> memref<2x128xi32, #tpu.memory_space<vmem>>
      %dma_wait3A_150 = arith.constant 0 : i32
      %dma_wait3A_151 = arith.constant 0 : i32
      %dma_wait3A_152 = tpu.memref_slice %arg4[%add3A, %dma_wait3A_150, %dma_wait3A_151] : memref<32x80x128xi32, #tpu.memory_space<hbm>> -> memref<1x2x128xi32, #tpu.memory_space<hbm>>
      %dma_wait3A_153 = tpu.memref_squeeze %dma_wait3A_152 : memref<1x2x128xi32, #tpu.memory_space<hbm>> -> memref<2x128xi32, #tpu.memory_space<hbm>>
      %dma_wait3A_154 = arith.constant 0 : i32
      %dma_wait3A_155 = arith.constant 0 : i32
      %dma_wait3A_156 = tpu.memref_slice %arg8[%dma_wait3A_145, %dma_wait3A_154, %dma_wait3A_155] : memref<2x2x128xi32, #tpu.memory_space<vmem>> -> memref<1x2x128xi32, #tpu.memory_space<vmem>>
      %dma_wait3A_157 = tpu.memref_squeeze %dma_wait3A_156 : memref<1x2x128xi32, #tpu.memory_space<vmem>> -> memref<2x128xi32, #tpu.memory_space<vmem>>
      %dma_wait3A_158 = arith.constant 0 : i32
      %dma_wait3A_159 = arith.constant 0 : i32
      %dma_wait3A_160 = tpu.memref_slice %arg4[%add3A, %dma_wait3A_158, %dma_wait3A_159] : memref<32x80x128xi32, #tpu.memory_space<hbm>> -> memref<1x2x128xi32, #tpu.memory_space<hbm>>
      %dma_wait3A_161 = tpu.memref_squeeze %dma_wait3A_160 : memref<1x2x128xi32, #tpu.memory_space<hbm>> -> memref<2x128xi32, #tpu.memory_space<hbm>>
      tpu.wait_dma2 semaphore(%arg14 : memref<!tpu.dma_semaphore, #tpu.memory_space<semaphore_mem>>) src(%dma_wait3A_161 : memref<2x128xi32, #tpu.memory_space<hbm>>) dst(%dma_wait3A_157 : memref<2x128xi32, #tpu.memory_space<vmem>>)
      %dma_start3A_162 = arith.constant 1 : i32
      %dma_start3A_163 = arith.constant 0 : i32
      %dma_start3A_164 = arith.constant 0 : i32
      %dma_start3A_165 = tpu.memref_slice %arg7[%dma_start3A_162, %dma_start3A_163, %dma_start3A_164] : memref<2x2x128xi32, #tpu.memory_space<vmem>> -> memref<1x1x128xi32, #tpu.memory_space<vmem>>
      %dma_start3A_166 = tpu.memref_squeeze %dma_start3A_165 : memref<1x1x128xi32, #tpu.memory_space<vmem>> -> memref<128xi32, #tpu.memory_space<vmem>>
      %dma_start3A_167 = arith.constant 0 : i32
      %dma_start3A_168 = arith.constant 0 : i32
      %dma_start3A_169 = tpu.memref_slice %arg2[%dma_start3A_167, %dma_start3A_168] : memref<10240x128xf32, #tpu.memory_space<hbm>> -> memref<10240x128xf32, #tpu.memory_space<hbm>>
      tpu.enqueue_indirect_dma source(%dma_start3A_169 : memref<10240x128xf32, #tpu.memory_space<hbm>>) target(%arg9 : memref<128x128xf32, #tpu.memory_space<vmem>>) offsets(%dma_start3A_166 : memref<128xi32, #tpu.memory_space<vmem>>) semaphore(%arg11 : memref<!tpu.dma_semaphore, #tpu.memory_space<semaphore_mem>>)
      %run_scoped3A_170 = arith.constant 0 : i32
      %run_scoped3A_171 = arith.constant 1 : i32
      "tpu.region"() ({
        %run_scoped3A_315 = tpu.sem_alloc : memref<!tpu.dma_semaphore, #tpu.memory_space<semaphore_mem>>
        %dma_start3A_316 = arith.constant 0 : i32
        %dma_start3A_317 = tpu.memref_slice %arg8[%run_scoped3A_170, %run_scoped3A_171, %dma_start3A_316] : memref<2x2x128xi32, #tpu.memory_space<vmem>> -> memref<1x1x128xi32, #tpu.memory_space<vmem>>
        %dma_start3A_318 = tpu.memref_squeeze %dma_start3A_317 : memref<1x1x128xi32, #tpu.memory_space<vmem>> -> memref<128xi32, #tpu.memory_space<vmem>>
        %dma_start3A_319 = arith.constant 0 : i32
        %dma_start3A_320 = arith.constant 0 : i32
        %dma_start3A_321 = tpu.memref_slice %arg15[%dma_start3A_319, %dma_start3A_320] : memref<10240x128xf32, #tpu.memory_space<vmem_shared>> -> memref<10240x128xf32, #tpu.memory_space<vmem_shared>>
        tpu.enqueue_indirect_dma source(%arg10 : memref<128x128xf32, #tpu.memory_space<vmem>>) target(%dma_start3A_321 : memref<10240x128xf32, #tpu.memory_space<vmem_shared>>) offsets(%dma_start3A_318 : memref<128xi32, #tpu.memory_space<vmem>>) semaphore(%run_scoped3A_315 : memref<!tpu.dma_semaphore, #tpu.memory_space<semaphore_mem>>) {add = true}
        %dma_wait3A_322 = arith.constant 0 : i32
        %dma_wait3A_323 = tpu.memref_slice %arg8[%run_scoped3A_170, %run_scoped3A_171, %dma_wait3A_322] : memref<2x2x128xi32, #tpu.memory_space<vmem>> -> memref<1x1x128xi32, #tpu.memory_space<vmem>>
        %dma_wait3A_324 = tpu.memref_squeeze %dma_wait3A_323 : memref<1x1x128xi32, #tpu.memory_space<vmem>> -> memref<128xi32, #tpu.memory_space<vmem>>
        %dma_wait3A_325 = arith.constant 0 : i32
        %dma_wait3A_326 = arith.constant 0 : i32
        %dma_wait3A_327 = tpu.memref_slice %arg15[%dma_wait3A_325, %dma_wait3A_326] : memref<10240x128xf32, #tpu.memory_space<vmem_shared>> -> memref<10240x128xf32, #tpu.memory_space<vmem_shared>>
        tpu.wait_indirect_dma semaphore(%run_scoped3A_315 : memref<!tpu.dma_semaphore, #tpu.memory_space<semaphore_mem>>) src(%arg10 : memref<128x128xf32, #tpu.memory_space<vmem>>) dst(%dma_wait3A_327 : memref<10240x128xf32, #tpu.memory_space<vmem_shared>>)
        tpu.yield
      }) : () -> ()
      %mul3A_172 = arith.constant 2 : i32
      %mul3A_173 = arith.muli %mul3A_172, %add3A_101 : i32
      %add3A_174 = arith.constant 4 : i32
      %add3A_175 = arith.addi %mul3A_173, %add3A_174 : i32
      %rem3A = arith.constant 80 : i32
      %rem3A_176 = arith.remsi %add3A_175, %rem3A : i32
      %dma_start3A_177 = arith.constant 0 : i32
      %dma_start3A_178 = arith.constant 0 : i32
      %dma_start3A_179 = arith.constant 0 : i32
      %dma_start3A_180 = tpu.memref_slice %arg7[%dma_start3A_177, %dma_start3A_178, %dma_start3A_179] : memref<2x2x128xi32, #tpu.memory_space<vmem>> -> memref<1x2x128xi32, #tpu.memory_space<vmem>>
      %dma_start3A_181 = tpu.memref_squeeze %dma_start3A_180 : memref<1x2x128xi32, #tpu.memory_space<vmem>> -> memref<2x128xi32, #tpu.memory_space<vmem>>
      %dma_start3A_182 = arith.constant 0 : i32
      %dma_start3A_183 = tpu.memref_slice %arg3[%add3A, %rem3A_176, %dma_start3A_182] : memref<32x80x128xi32, #tpu.memory_space<hbm>> -> memref<1x2x128xi32, #tpu.memory_space<hbm>>
      %dma_start3A_184 = tpu.memref_squeeze %dma_start3A_183 : memref<1x2x128xi32, #tpu.memory_space<hbm>> -> memref<2x128xi32, #tpu.memory_space<hbm>>
      %dma_start3A_185 = arith.constant 0 : i32
      %dma_start3A_186 = arith.constant 0 : i32
      %dma_start3A_187 = tpu.memref_slice %arg7[%dma_start3A_177, %dma_start3A_185, %dma_start3A_186] : memref<2x2x128xi32, #tpu.memory_space<vmem>> -> memref<1x2x128xi32, #tpu.memory_space<vmem>>
      %dma_start3A_188 = tpu.memref_squeeze %dma_start3A_187 : memref<1x2x128xi32, #tpu.memory_space<vmem>> -> memref<2x128xi32, #tpu.memory_space<vmem>>
      %dma_start3A_189 = arith.constant 0 : i32
      %dma_start3A_190 = tpu.memref_slice %arg3[%add3A, %rem3A_176, %dma_start3A_189] : memref<32x80x128xi32, #tpu.memory_space<hbm>> -> memref<1x2x128xi32, #tpu.memory_space<hbm>>
      %dma_start3A_191 = tpu.memref_squeeze %dma_start3A_190 : memref<1x2x128xi32, #tpu.memory_space<hbm>> -> memref<2x128xi32, #tpu.memory_space<hbm>>
      tpu.enqueue_dma source(%dma_start3A_191 : memref<2x128xi32, #tpu.memory_space<hbm>>) target(%dma_start3A_188 : memref<2x128xi32, #tpu.memory_space<vmem>>) target_semaphore(%arg13 : memref<!tpu.dma_semaphore, #tpu.memory_space<semaphore_mem>>)
      %dma_start3A_192 = arith.constant 0 : i32
      %dma_start3A_193 = arith.constant 0 : i32
      %dma_start3A_194 = arith.constant 0 : i32
      %dma_start3A_195 = tpu.memref_slice %arg8[%dma_start3A_192, %dma_start3A_193, %dma_start3A_194] : memref<2x2x128xi32, #tpu.memory_space<vmem>> -> memref<1x2x128xi32, #tpu.memory_space<vmem>>
      %dma_start3A_196 = tpu.memref_squeeze %dma_start3A_195 : memref<1x2x128xi32, #tpu.memory_space<vmem>> -> memref<2x128xi32, #tpu.memory_space<vmem>>
      %dma_start3A_197 = arith.constant 0 : i32
      %dma_start3A_198 = tpu.memref_slice %arg4[%add3A, %rem3A_176, %dma_start3A_197] : memref<32x80x128xi32, #tpu.memory_space<hbm>> -> memref<1x2x128xi32, #tpu.memory_space<hbm>>
      %dma_start3A_199 = tpu.memref_squeeze %dma_start3A_198 : memref<1x2x128xi32, #tpu.memory_space<hbm>> -> memref<2x128xi32, #tpu.memory_space<hbm>>
      %dma_start3A_200 = arith.constant 0 : i32
      %dma_start3A_201 = arith.constant 0 : i32
      %dma_start3A_202 = tpu.memref_slice %arg8[%dma_start3A_192, %dma_start3A_200, %dma_start3A_201] : memref<2x2x128xi32, #tpu.memory_space<vmem>> -> memref<1x2x128xi32, #tpu.memory_space<vmem>>
      %dma_start3A_203 = tpu.memref_squeeze %dma_start3A_202 : memref<1x2x128xi32, #tpu.memory_space<vmem>> -> memref<2x128xi32, #tpu.memory_space<vmem>>
      %dma_start3A_204 = arith.constant 0 : i32
      %dma_start3A_205 = tpu.memref_slice %arg4[%add3A, %rem3A_176, %dma_start3A_204] : memref<32x80x128xi32, #tpu.memory_space<hbm>> -> memref<1x2x128xi32, #tpu.memory_space<hbm>>
      %dma_start3A_206 = tpu.memref_squeeze %dma_start3A_205 : memref<1x2x128xi32, #tpu.memory_space<hbm>> -> memref<2x128xi32, #tpu.memory_space<hbm>>
      tpu.enqueue_dma source(%dma_start3A_206 : memref<2x128xi32, #tpu.memory_space<hbm>>) target(%dma_start3A_203 : memref<2x128xi32, #tpu.memory_space<vmem>>) target_semaphore(%arg14 : memref<!tpu.dma_semaphore, #tpu.memory_space<semaphore_mem>>)
      %add3A_207 = arith.constant 1 : i32
      %add3A_208 = arith.addi %add3A_101, %add3A_207 : i32
      %dma_wait3A_209 = arith.constant 1 : i32
      %dma_wait3A_210 = arith.constant 0 : i32
      %dma_wait3A_211 = arith.constant 0 : i32
      %dma_wait3A_212 = tpu.memref_slice %arg7[%dma_wait3A_209, %dma_wait3A_210, %dma_wait3A_211] : memref<2x2x128xi32, #tpu.memory_space<vmem>> -> memref<1x1x128xi32, #tpu.memory_space<vmem>>
      %dma_wait3A_213 = tpu.memref_squeeze %dma_wait3A_212 : memref<1x1x128xi32, #tpu.memory_space<vmem>> -> memref<128xi32, #tpu.memory_space<vmem>>
      %dma_wait3A_214 = arith.constant 0 : i32
      %dma_wait3A_215 = arith.constant 0 : i32
      %dma_wait3A_216 = tpu.memref_slice %arg2[%dma_wait3A_214, %dma_wait3A_215] : memref<10240x128xf32, #tpu.memory_space<hbm>> -> memref<10240x128xf32, #tpu.memory_space<hbm>>
      tpu.wait_indirect_dma semaphore(%arg11 : memref<!tpu.dma_semaphore, #tpu.memory_space<semaphore_mem>>) src(%dma_wait3A_216 : memref<10240x128xf32, #tpu.memory_space<hbm>>) dst(%arg9 : memref<128x128xf32, #tpu.memory_space<vmem>>)
      %dma_start3A_217 = arith.constant 1 : i32
      %dma_start3A_218 = arith.constant 1 : i32
      %dma_start3A_219 = arith.constant 0 : i32
      %dma_start3A_220 = tpu.memref_slice %arg7[%dma_start3A_217, %dma_start3A_218, %dma_start3A_219] : memref<2x2x128xi32, #tpu.memory_space<vmem>> -> memref<1x1x128xi32, #tpu.memory_space<vmem>>
      %dma_start3A_221 = tpu.memref_squeeze %dma_start3A_220 : memref<1x1x128xi32, #tpu.memory_space<vmem>> -> memref<128xi32, #tpu.memory_space<vmem>>
      %dma_start3A_222 = arith.constant 0 : i32
      %dma_start3A_223 = arith.constant 0 : i32
      %dma_start3A_224 = tpu.memref_slice %arg2[%dma_start3A_222, %dma_start3A_223] : memref<10240x128xf32, #tpu.memory_space<hbm>> -> memref<10240x128xf32, #tpu.memory_space<hbm>>
      tpu.enqueue_indirect_dma source(%dma_start3A_224 : memref<10240x128xf32, #tpu.memory_space<hbm>>) target(%arg10 : memref<128x128xf32, #tpu.memory_space<vmem>>) offsets(%dma_start3A_221 : memref<128xi32, #tpu.memory_space<vmem>>) semaphore(%arg12 : memref<!tpu.dma_semaphore, #tpu.memory_space<semaphore_mem>>)
      %run_scoped3A_225 = arith.constant 1 : i32
      %run_scoped3A_226 = arith.constant 0 : i32
      "tpu.region"() ({
        %run_scoped3A_315 = tpu.sem_alloc : memref<!tpu.dma_semaphore, #tpu.memory_space<semaphore_mem>>
        %dma_start3A_316 = arith.constant 0 : i32
        %dma_start3A_317 = tpu.memref_slice %arg8[%run_scoped3A_225, %run_scoped3A_226, %dma_start3A_316] : memref<2x2x128xi32, #tpu.memory_space<vmem>> -> memref<1x1x128xi32, #tpu.memory_space<vmem>>
        %dma_start3A_318 = tpu.memref_squeeze %dma_start3A_317 : memref<1x1x128xi32, #tpu.memory_space<vmem>> -> memref<128xi32, #tpu.memory_space<vmem>>
        %dma_start3A_319 = arith.constant 0 : i32
        %dma_start3A_320 = arith.constant 0 : i32
        %dma_start3A_321 = tpu.memref_slice %arg15[%dma_start3A_319, %dma_start3A_320] : memref<10240x128xf32, #tpu.memory_space<vmem_shared>> -> memref<10240x128xf32, #tpu.memory_space<vmem_shared>>
        tpu.enqueue_indirect_dma source(%arg9 : memref<128x128xf32, #tpu.memory_space<vmem>>) target(%dma_start3A_321 : memref<10240x128xf32, #tpu.memory_space<vmem_shared>>) offsets(%dma_start3A_318 : memref<128xi32, #tpu.memory_space<vmem>>) semaphore(%run_scoped3A_315 : memref<!tpu.dma_semaphore, #tpu.memory_space<semaphore_mem>>) {add = true}
        %dma_wait3A_322 = arith.constant 0 : i32
        %dma_wait3A_323 = tpu.memref_slice %arg8[%run_scoped3A_225, %run_scoped3A_226, %dma_wait3A_322] : memref<2x2x128xi32, #tpu.memory_space<vmem>> -> memref<1x1x128xi32, #tpu.memory_space<vmem>>
        %dma_wait3A_324 = tpu.memref_squeeze %dma_wait3A_323 : memref<1x1x128xi32, #tpu.memory_space<vmem>> -> memref<128xi32, #tpu.memory_space<vmem>>
        %dma_wait3A_325 = arith.constant 0 : i32
        %dma_wait3A_326 = arith.constant 0 : i32
        %dma_wait3A_327 = tpu.memref_slice %arg15[%dma_wait3A_325, %dma_wait3A_326] : memref<10240x128xf32, #tpu.memory_space<vmem_shared>> -> memref<10240x128xf32, #tpu.memory_space<vmem_shared>>
        tpu.wait_indirect_dma semaphore(%run_scoped3A_315 : memref<!tpu.dma_semaphore, #tpu.memory_space<semaphore_mem>>) src(%arg9 : memref<128x128xf32, #tpu.memory_space<vmem>>) dst(%dma_wait3A_327 : memref<10240x128xf32, #tpu.memory_space<vmem_shared>>)
        tpu.yield
      }) : () -> ()
      %dma_wait3A_227 = arith.constant 1 : i32
      %dma_wait3A_228 = arith.constant 1 : i32
      %dma_wait3A_229 = arith.constant 0 : i32
      %dma_wait3A_230 = tpu.memref_slice %arg7[%dma_wait3A_227, %dma_wait3A_228, %dma_wait3A_229] : memref<2x2x128xi32, #tpu.memory_space<vmem>> -> memref<1x1x128xi32, #tpu.memory_space<vmem>>
      %dma_wait3A_231 = tpu.memref_squeeze %dma_wait3A_230 : memref<1x1x128xi32, #tpu.memory_space<vmem>> -> memref<128xi32, #tpu.memory_space<vmem>>
      %dma_wait3A_232 = arith.constant 0 : i32
      %dma_wait3A_233 = arith.constant 0 : i32
      %dma_wait3A_234 = tpu.memref_slice %arg2[%dma_wait3A_232, %dma_wait3A_233] : memref<10240x128xf32, #tpu.memory_space<hbm>> -> memref<10240x128xf32, #tpu.memory_space<hbm>>
      tpu.wait_indirect_dma semaphore(%arg12 : memref<!tpu.dma_semaphore, #tpu.memory_space<semaphore_mem>>) src(%dma_wait3A_234 : memref<10240x128xf32, #tpu.memory_space<hbm>>) dst(%arg10 : memref<128x128xf32, #tpu.memory_space<vmem>>)
      %dma_wait3A_235 = arith.constant 0 : i32
      %dma_wait3A_236 = arith.constant 0 : i32
      %dma_wait3A_237 = arith.constant 0 : i32
      %dma_wait3A_238 = tpu.memref_slice %arg7[%dma_wait3A_235, %dma_wait3A_236, %dma_wait3A_237] : memref<2x2x128xi32, #tpu.memory_space<vmem>> -> memref<1x2x128xi32, #tpu.memory_space<vmem>>
      %dma_wait3A_239 = tpu.memref_squeeze %dma_wait3A_238 : memref<1x2x128xi32, #tpu.memory_space<vmem>> -> memref<2x128xi32, #tpu.memory_space<vmem>>
      %dma_wait3A_240 = arith.constant 0 : i32
      %dma_wait3A_241 = arith.constant 0 : i32
      %dma_wait3A_242 = tpu.memref_slice %arg3[%add3A, %dma_wait3A_240, %dma_wait3A_241] : memref<32x80x128xi32, #tpu.memory_space<hbm>> -> memref<1x2x128xi32, #tpu.memory_space<hbm>>
      %dma_wait3A_243 = tpu.memref_squeeze %dma_wait3A_242 : memref<1x2x128xi32, #tpu.memory_space<hbm>> -> memref<2x128xi32, #tpu.memory_space<hbm>>
      %dma_wait3A_244 = arith.constant 0 : i32
      %dma_wait3A_245 = arith.constant 0 : i32
      %dma_wait3A_246 = tpu.memref_slice %arg7[%dma_wait3A_235, %dma_wait3A_244, %dma_wait3A_245] : memref<2x2x128xi32, #tpu.memory_space<vmem>> -> memref<1x2x128xi32, #tpu.memory_space<vmem>>
      %dma_wait3A_247 = tpu.memref_squeeze %dma_wait3A_246 : memref<1x2x128xi32, #tpu.memory_space<vmem>> -> memref<2x128xi32, #tpu.memory_space<vmem>>
      %dma_wait3A_248 = arith.constant 0 : i32
      %dma_wait3A_249 = arith.constant 0 : i32
      %dma_wait3A_250 = tpu.memref_slice %arg3[%add3A, %dma_wait3A_248, %dma_wait3A_249] : memref<32x80x128xi32, #tpu.memory_space<hbm>> -> memref<1x2x128xi32, #tpu.memory_space<hbm>>
      %dma_wait3A_251 = tpu.memref_squeeze %dma_wait3A_250 : memref<1x2x128xi32, #tpu.memory_space<hbm>> -> memref<2x128xi32, #tpu.memory_space<hbm>>
      tpu.wait_dma2 semaphore(%arg13 : memref<!tpu.dma_semaphore, #tpu.memory_space<semaphore_mem>>) src(%dma_wait3A_251 : memref<2x128xi32, #tpu.memory_space<hbm>>) dst(%dma_wait3A_247 : memref<2x128xi32, #tpu.memory_space<vmem>>)
      %dma_wait3A_252 = arith.constant 0 : i32
      %dma_wait3A_253 = arith.constant 0 : i32
      %dma_wait3A_254 = arith.constant 0 : i32
      %dma_wait3A_255 = tpu.memref_slice %arg8[%dma_wait3A_252, %dma_wait3A_253, %dma_wait3A_254] : memref<2x2x128xi32, #tpu.memory_space<vmem>> -> memref<1x2x128xi32, #tpu.memory_space<vmem>>
      %dma_wait3A_256 = tpu.memref_squeeze %dma_wait3A_255 : memref<1x2x128xi32, #tpu.memory_space<vmem>> -> memref<2x128xi32, #tpu.memory_space<vmem>>
      %dma_wait3A_257 = arith.constant 0 : i32
      %dma_wait3A_258 = arith.constant 0 : i32
      %dma_wait3A_259 = tpu.memref_slice %arg4[%add3A, %dma_wait3A_257, %dma_wait3A_258] : memref<32x80x128xi32, #tpu.memory_space<hbm>> -> memref<1x2x128xi32, #tpu.memory_space<hbm>>
      %dma_wait3A_260 = tpu.memref_squeeze %dma_wait3A_259 : memref<1x2x128xi32, #tpu.memory_space<hbm>> -> memref<2x128xi32, #tpu.memory_space<hbm>>
      %dma_wait3A_261 = arith.constant 0 : i32
      %dma_wait3A_262 = arith.constant 0 : i32
      %dma_wait3A_263 = tpu.memref_slice %arg8[%dma_wait3A_252, %dma_wait3A_261, %dma_wait3A_262] : memref<2x2x128xi32, #tpu.memory_space<vmem>> -> memref<1x2x128xi32, #tpu.memory_space<vmem>>
      %dma_wait3A_264 = tpu.memref_squeeze %dma_wait3A_263 : memref<1x2x128xi32, #tpu.memory_space<vmem>> -> memref<2x128xi32, #tpu.memory_space<vmem>>
      %dma_wait3A_265 = arith.constant 0 : i32
      %dma_wait3A_266 = arith.constant 0 : i32
      %dma_wait3A_267 = tpu.memref_slice %arg4[%add3A, %dma_wait3A_265, %dma_wait3A_266] : memref<32x80x128xi32, #tpu.memory_space<hbm>> -> memref<1x2x128xi32, #tpu.memory_space<hbm>>
      %dma_wait3A_268 = tpu.memref_squeeze %dma_wait3A_267 : memref<1x2x128xi32, #tpu.memory_space<hbm>> -> memref<2x128xi32, #tpu.memory_space<hbm>>
      tpu.wait_dma2 semaphore(%arg14 : memref<!tpu.dma_semaphore, #tpu.memory_space<semaphore_mem>>) src(%dma_wait3A_268 : memref<2x128xi32, #tpu.memory_space<hbm>>) dst(%dma_wait3A_264 : memref<2x128xi32, #tpu.memory_space<vmem>>)
      %dma_start3A_269 = arith.constant 0 : i32
      %dma_start3A_270 = arith.constant 0 : i32
      %dma_start3A_271 = arith.constant 0 : i32
      %dma_start3A_272 = tpu.memref_slice %arg7[%dma_start3A_269, %dma_start3A_270, %dma_start3A_271] : memref<2x2x128xi32, #tpu.memory_space<vmem>> -> memref<1x1x128xi32, #tpu.memory_space<vmem>>
      %dma_start3A_273 = tpu.memref_squeeze %dma_start3A_272 : memref<1x1x128xi32, #tpu.memory_space<vmem>> -> memref<128xi32, #tpu.memory_space<vmem>>
      %dma_start3A_274 = arith.constant 0 : i32
      %dma_start3A_275 = arith.constant 0 : i32
      %dma_start3A_276 = tpu.memref_slice %arg2[%dma_start3A_274, %dma_start3A_275] : memref<10240x128xf32, #tpu.memory_space<hbm>> -> memref<10240x128xf32, #tpu.memory_space<hbm>>
      tpu.enqueue_indirect_dma source(%dma_start3A_276 : memref<10240x128xf32, #tpu.memory_space<hbm>>) target(%arg9 : memref<128x128xf32, #tpu.memory_space<vmem>>) offsets(%dma_start3A_273 : memref<128xi32, #tpu.memory_space<vmem>>) semaphore(%arg11 : memref<!tpu.dma_semaphore, #tpu.memory_space<semaphore_mem>>)
      %run_scoped3A_277 = arith.constant 1 : i32
      %run_scoped3A_278 = arith.constant 1 : i32
      "tpu.region"() ({
        %run_scoped3A_315 = tpu.sem_alloc : memref<!tpu.dma_semaphore, #tpu.memory_space<semaphore_mem>>
        %dma_start3A_316 = arith.constant 0 : i32
        %dma_start3A_317 = tpu.memref_slice %arg8[%run_scoped3A_277, %run_scoped3A_278, %dma_start3A_316] : memref<2x2x128xi32, #tpu.memory_space<vmem>> -> memref<1x1x128xi32, #tpu.memory_space<vmem>>
        %dma_start3A_318 = tpu.memref_squeeze %dma_start3A_317 : memref<1x1x128xi32, #tpu.memory_space<vmem>> -> memref<128xi32, #tpu.memory_space<vmem>>
        %dma_start3A_319 = arith.constant 0 : i32
        %dma_start3A_320 = arith.constant 0 : i32
        %dma_start3A_321 = tpu.memref_slice %arg15[%dma_start3A_319, %dma_start3A_320] : memref<10240x128xf32, #tpu.memory_space<vmem_shared>> -> memref<10240x128xf32, #tpu.memory_space<vmem_shared>>
        tpu.enqueue_indirect_dma source(%arg10 : memref<128x128xf32, #tpu.memory_space<vmem>>) target(%dma_start3A_321 : memref<10240x128xf32, #tpu.memory_space<vmem_shared>>) offsets(%dma_start3A_318 : memref<128xi32, #tpu.memory_space<vmem>>) semaphore(%run_scoped3A_315 : memref<!tpu.dma_semaphore, #tpu.memory_space<semaphore_mem>>) {add = true}
        %dma_wait3A_322 = arith.constant 0 : i32
        %dma_wait3A_323 = tpu.memref_slice %arg8[%run_scoped3A_277, %run_scoped3A_278, %dma_wait3A_322] : memref<2x2x128xi32, #tpu.memory_space<vmem>> -> memref<1x1x128xi32, #tpu.memory_space<vmem>>
        %dma_wait3A_324 = tpu.memref_squeeze %dma_wait3A_323 : memref<1x1x128xi32, #tpu.memory_space<vmem>> -> memref<128xi32, #tpu.memory_space<vmem>>
        %dma_wait3A_325 = arith.constant 0 : i32
        %dma_wait3A_326 = arith.constant 0 : i32
        %dma_wait3A_327 = tpu.memref_slice %arg15[%dma_wait3A_325, %dma_wait3A_326] : memref<10240x128xf32, #tpu.memory_space<vmem_shared>> -> memref<10240x128xf32, #tpu.memory_space<vmem_shared>>
        tpu.wait_indirect_dma semaphore(%run_scoped3A_315 : memref<!tpu.dma_semaphore, #tpu.memory_space<semaphore_mem>>) src(%arg10 : memref<128x128xf32, #tpu.memory_space<vmem>>) dst(%dma_wait3A_327 : memref<10240x128xf32, #tpu.memory_space<vmem_shared>>)
        tpu.yield
      }) : () -> ()
      %mul3A_279 = arith.constant 2 : i32
      %mul3A_280 = arith.muli %mul3A_279, %add3A_208 : i32
      %add3A_281 = arith.constant 4 : i32
      %add3A_282 = arith.addi %mul3A_280, %add3A_281 : i32
      %rem3A_283 = arith.constant 80 : i32
      %rem3A_284 = arith.remsi %add3A_282, %rem3A_283 : i32
      %dma_start3A_285 = arith.constant 1 : i32
      %dma_start3A_286 = arith.constant 0 : i32
      %dma_start3A_287 = arith.constant 0 : i32
      %dma_start3A_288 = tpu.memref_slice %arg7[%dma_start3A_285, %dma_start3A_286, %dma_start3A_287] : memref<2x2x128xi32, #tpu.memory_space<vmem>> -> memref<1x2x128xi32, #tpu.memory_space<vmem>>
      %dma_start3A_289 = tpu.memref_squeeze %dma_start3A_288 : memref<1x2x128xi32, #tpu.memory_space<vmem>> -> memref<2x128xi32, #tpu.memory_space<vmem>>
      %dma_start3A_290 = arith.constant 0 : i32
      %dma_start3A_291 = tpu.memref_slice %arg3[%add3A, %rem3A_284, %dma_start3A_290] : memref<32x80x128xi32, #tpu.memory_space<hbm>> -> memref<1x2x128xi32, #tpu.memory_space<hbm>>
      %dma_start3A_292 = tpu.memref_squeeze %dma_start3A_291 : memref<1x2x128xi32, #tpu.memory_space<hbm>> -> memref<2x128xi32, #tpu.memory_space<hbm>>
      %dma_start3A_293 = arith.constant 0 : i32
      %dma_start3A_294 = arith.constant 0 : i32
      %dma_start3A_295 = tpu.memref_slice %arg7[%dma_start3A_285, %dma_start3A_293, %dma_start3A_294] : memref<2x2x128xi32, #tpu.memory_space<vmem>> -> memref<1x2x128xi32, #tpu.memory_space<vmem>>
      %dma_start3A_296 = tpu.memref_squeeze %dma_start3A_295 : memref<1x2x128xi32, #tpu.memory_space<vmem>> -> memref<2x128xi32, #tpu.memory_space<vmem>>
      %dma_start3A_297 = arith.constant 0 : i32
      %dma_start3A_298 = tpu.memref_slice %arg3[%add3A, %rem3A_284, %dma_start3A_297] : memref<32x80x128xi32, #tpu.memory_space<hbm>> -> memref<1x2x128xi32, #tpu.memory_space<hbm>>
      %dma_start3A_299 = tpu.memref_squeeze %dma_start3A_298 : memref<1x2x128xi32, #tpu.memory_space<hbm>> -> memref<2x128xi32, #tpu.memory_space<hbm>>
      tpu.enqueue_dma source(%dma_start3A_299 : memref<2x128xi32, #tpu.memory_space<hbm>>) target(%dma_start3A_296 : memref<2x128xi32, #tpu.memory_space<vmem>>) target_semaphore(%arg13 : memref<!tpu.dma_semaphore, #tpu.memory_space<semaphore_mem>>)
      %dma_start3A_300 = arith.constant 1 : i32
      %dma_start3A_301 = arith.constant 0 : i32
      %dma_start3A_302 = arith.constant 0 : i32
      %dma_start3A_303 = tpu.memref_slice %arg8[%dma_start3A_300, %dma_start3A_301, %dma_start3A_302] : memref<2x2x128xi32, #tpu.memory_space<vmem>> -> memref<1x2x128xi32, #tpu.memory_space<vmem>>
      %dma_start3A_304 = tpu.memref_squeeze %dma_start3A_303 : memref<1x2x128xi32, #tpu.memory_space<vmem>> -> memref<2x128xi32, #tpu.memory_space<vmem>>
      %dma_start3A_305 = arith.constant 0 : i32
      %dma_start3A_306 = tpu.memref_slice %arg4[%add3A, %rem3A_284, %dma_start3A_305] : memref<32x80x128xi32, #tpu.memory_space<hbm>> -> memref<1x2x128xi32, #tpu.memory_space<hbm>>
      %dma_start3A_307 = tpu.memref_squeeze %dma_start3A_306 : memref<1x2x128xi32, #tpu.memory_space<hbm>> -> memref<2x128xi32, #tpu.memory_space<hbm>>
      %dma_start3A_308 = arith.constant 0 : i32
      %dma_start3A_309 = arith.constant 0 : i32
      %dma_start3A_310 = tpu.memref_slice %arg8[%dma_start3A_300, %dma_start3A_308, %dma_start3A_309] : memref<2x2x128xi32, #tpu.memory_space<vmem>> -> memref<1x2x128xi32, #tpu.memory_space<vmem>>
      %dma_start3A_311 = tpu.memref_squeeze %dma_start3A_310 : memref<1x2x128xi32, #tpu.memory_space<vmem>> -> memref<2x128xi32, #tpu.memory_space<vmem>>
      %dma_start3A_312 = arith.constant 0 : i32
      %dma_start3A_313 = tpu.memref_slice %arg4[%add3A, %rem3A_284, %dma_start3A_312] : memref<32x80x128xi32, #tpu.memory_space<hbm>> -> memref<1x2x128xi32, #tpu.memory_space<hbm>>
      %dma_start3A_314 = tpu.memref_squeeze %dma_start3A_313 : memref<1x2x128xi32, #tpu.memory_space<hbm>> -> memref<2x128xi32, #tpu.memory_space<hbm>>
      tpu.enqueue_dma source(%dma_start3A_314 : memref<2x128xi32, #tpu.memory_space<hbm>>) target(%dma_start3A_311 : memref<2x128xi32, #tpu.memory_space<vmem>>) target_semaphore(%arg14 : memref<!tpu.dma_semaphore, #tpu.memory_space<semaphore_mem>>)
    }
    %scan3A_50 = arith.constant 20 : i32
    %dma_wait3A = arith.constant 0 : i32
    %dma_wait3A_51 = arith.constant 0 : i32
    %dma_wait3A_52 = arith.constant 0 : i32
    %dma_wait3A_53 = tpu.memref_slice %arg7[%dma_wait3A, %dma_wait3A_51, %dma_wait3A_52] : memref<2x2x128xi32, #tpu.memory_space<vmem>> -> memref<1x1x128xi32, #tpu.memory_space<vmem>>
    %dma_wait3A_54 = tpu.memref_squeeze %dma_wait3A_53 : memref<1x1x128xi32, #tpu.memory_space<vmem>> -> memref<128xi32, #tpu.memory_space<vmem>>
    %dma_wait3A_55 = arith.constant 0 : i32
    %dma_wait3A_56 = arith.constant 0 : i32
    %dma_wait3A_57 = tpu.memref_slice %arg2[%dma_wait3A_55, %dma_wait3A_56] : memref<10240x128xf32, #tpu.memory_space<hbm>> -> memref<10240x128xf32, #tpu.memory_space<hbm>>
    tpu.wait_indirect_dma semaphore(%arg11 : memref<!tpu.dma_semaphore, #tpu.memory_space<semaphore_mem>>) src(%dma_wait3A_57 : memref<10240x128xf32, #tpu.memory_space<hbm>>) dst(%arg9 : memref<128x128xf32, #tpu.memory_space<vmem>>)
    %dma_wait3A_58 = arith.constant 0 : i32
    %dma_wait3A_59 = arith.constant 0 : i32
    %dma_wait3A_60 = arith.constant 0 : i32
    %dma_wait3A_61 = tpu.memref_slice %arg7[%dma_wait3A_58, %dma_wait3A_59, %dma_wait3A_60] : memref<2x2x128xi32, #tpu.memory_space<vmem>> -> memref<1x2x128xi32, #tpu.memory_space<vmem>>
    %dma_wait3A_62 = tpu.memref_squeeze %dma_wait3A_61 : memref<1x2x128xi32, #tpu.memory_space<vmem>> -> memref<2x128xi32, #tpu.memory_space<vmem>>
    %dma_wait3A_63 = arith.constant 0 : i32
    %dma_wait3A_64 = arith.constant 0 : i32
    %dma_wait3A_65 = tpu.memref_slice %arg3[%add3A, %dma_wait3A_63, %dma_wait3A_64] : memref<32x80x128xi32, #tpu.memory_space<hbm>> -> memref<1x2x128xi32, #tpu.memory_space<hbm>>
    %dma_wait3A_66 = tpu.memref_squeeze %dma_wait3A_65 : memref<1x2x128xi32, #tpu.memory_space<hbm>> -> memref<2x128xi32, #tpu.memory_space<hbm>>
    %dma_wait3A_67 = arith.constant 0 : i32
    %dma_wait3A_68 = arith.constant 0 : i32
    %dma_wait3A_69 = tpu.memref_slice %arg7[%dma_wait3A_58, %dma_wait3A_67, %dma_wait3A_68] : memref<2x2x128xi32, #tpu.memory_space<vmem>> -> memref<1x2x128xi32, #tpu.memory_space<vmem>>
    %dma_wait3A_70 = tpu.memref_squeeze %dma_wait3A_69 : memref<1x2x128xi32, #tpu.memory_space<vmem>> -> memref<2x128xi32, #tpu.memory_space<vmem>>
    %dma_wait3A_71 = arith.constant 0 : i32
    %dma_wait3A_72 = arith.constant 0 : i32
    %dma_wait3A_73 = tpu.memref_slice %arg3[%add3A, %dma_wait3A_71, %dma_wait3A_72] : memref<32x80x128xi32, #tpu.memory_space<hbm>> -> memref<1x2x128xi32, #tpu.memory_space<hbm>>
    %dma_wait3A_74 = tpu.memref_squeeze %dma_wait3A_73 : memref<1x2x128xi32, #tpu.memory_space<hbm>> -> memref<2x128xi32, #tpu.memory_space<hbm>>
    tpu.wait_dma2 semaphore(%arg13 : memref<!tpu.dma_semaphore, #tpu.memory_space<semaphore_mem>>) src(%dma_wait3A_74 : memref<2x128xi32, #tpu.memory_space<hbm>>) dst(%dma_wait3A_70 : memref<2x128xi32, #tpu.memory_space<vmem>>)
    %dma_wait3A_75 = arith.constant 0 : i32
    %dma_wait3A_76 = arith.constant 0 : i32
    %dma_wait3A_77 = arith.constant 0 : i32
    %dma_wait3A_78 = tpu.memref_slice %arg8[%dma_wait3A_75, %dma_wait3A_76, %dma_wait3A_77] : memref<2x2x128xi32, #tpu.memory_space<vmem>> -> memref<1x2x128xi32, #tpu.memory_space<vmem>>
    %dma_wait3A_79 = tpu.memref_squeeze %dma_wait3A_78 : memref<1x2x128xi32, #tpu.memory_space<vmem>> -> memref<2x128xi32, #tpu.memory_space<vmem>>
    %dma_wait3A_80 = arith.constant 0 : i32
    %dma_wait3A_81 = arith.constant 0 : i32
    %dma_wait3A_82 = tpu.memref_slice %arg4[%add3A, %dma_wait3A_80, %dma_wait3A_81] : memref<32x80x128xi32, #tpu.memory_space<hbm>> -> memref<1x2x128xi32, #tpu.memory_space<hbm>>
    %dma_wait3A_83 = tpu.memref_squeeze %dma_wait3A_82 : memref<1x2x128xi32, #tpu.memory_space<hbm>> -> memref<2x128xi32, #tpu.memory_space<hbm>>
    %dma_wait3A_84 = arith.constant 0 : i32
    %dma_wait3A_85 = arith.constant 0 : i32
    %dma_wait3A_86 = tpu.memref_slice %arg8[%dma_wait3A_75, %dma_wait3A_84, %dma_wait3A_85] : memref<2x2x128xi32, #tpu.memory_space<vmem>> -> memref<1x2x128xi32, #tpu.memory_space<vmem>>
    %dma_wait3A_87 = tpu.memref_squeeze %dma_wait3A_86 : memref<1x2x128xi32, #tpu.memory_space<vmem>> -> memref<2x128xi32, #tpu.memory_space<vmem>>
    %dma_wait3A_88 = arith.constant 0 : i32
    %dma_wait3A_89 = arith.constant 0 : i32
    %dma_wait3A_90 = tpu.memref_slice %arg4[%add3A, %dma_wait3A_88, %dma_wait3A_89] : memref<32x80x128xi32, #tpu.memory_space<hbm>> -> memref<1x2x128xi32, #tpu.memory_space<hbm>>
    %dma_wait3A_91 = tpu.memref_squeeze %dma_wait3A_90 : memref<1x2x128xi32, #tpu.memory_space<hbm>> -> memref<2x128xi32, #tpu.memory_space<hbm>>
    tpu.wait_dma2 semaphore(%arg14 : memref<!tpu.dma_semaphore, #tpu.memory_space<semaphore_mem>>) src(%dma_wait3A_91 : memref<2x128xi32, #tpu.memory_space<hbm>>) dst(%dma_wait3A_87 : memref<2x128xi32, #tpu.memory_space<vmem>>)
    %barrier3A_92 = arith.constant 0 : index
    tpu.barrier barrier_id(%barrier3A_92)
    %mul3A_93 = arith.constant 640 : i32
    %mul3A_94 = arith.muli %arg1, %mul3A_93 : i32
    %mul3A_95 = arith.constant 640 : i32
    %mul3A_96 = arith.muli %arg1, %mul3A_95 : i32
    "tpu.region"() ({
      %run_scoped3A_97 = tpu.sem_alloc : memref<!tpu.dma_semaphore, #tpu.memory_space<semaphore_mem>>
      %dma_start3A_98 = arith.constant 0 : i32
      %dma_start3A_99 = tpu.memref_slice %arg6[%arg0, %mul3A_96, %dma_start3A_98] : memref<2x10240x128xf32, #tpu.memory_space<hbm>> -> memref<1x640x128xf32, #tpu.memory_space<hbm>>
      %dma_start3A_100 = tpu.memref_squeeze %dma_start3A_99 : memref<1x640x128xf32, #tpu.memory_space<hbm>> -> memref<640x128xf32, #tpu.memory_space<hbm>>
      %dma_start3A_101 = arith.constant 0 : i32
      %dma_start3A_102 = tpu.memref_slice %arg15[%mul3A_94, %dma_start3A_101] : memref<10240x128xf32, #tpu.memory_space<vmem_shared>> -> memref<640x128xf32, #tpu.memory_space<vmem_shared>>
      tpu.enqueue_dma source(%dma_start3A_102 : memref<640x128xf32, #tpu.memory_space<vmem_shared>>) target(%dma_start3A_100 : memref<640x128xf32, #tpu.memory_space<hbm>>) target_semaphore(%run_scoped3A_97 : memref<!tpu.dma_semaphore, #tpu.memory_space<semaphore_mem>>)
      %dma_wait3A_103 = arith.constant 0 : i32
      %dma_wait3A_104 = tpu.memref_slice %arg6[%arg0, %mul3A_96, %dma_wait3A_103] : memref<2x10240x128xf32, #tpu.memory_space<hbm>> -> memref<1x640x128xf32, #tpu.memory_space<hbm>>
      %dma_wait3A_105 = tpu.memref_squeeze %dma_wait3A_104 : memref<1x640x128xf32, #tpu.memory_space<hbm>> -> memref<640x128xf32, #tpu.memory_space<hbm>>
      %dma_wait3A_106 = arith.constant 0 : i32
      %dma_wait3A_107 = tpu.memref_slice %arg15[%mul3A_94, %dma_wait3A_106] : memref<10240x128xf32, #tpu.memory_space<vmem_shared>> -> memref<640x128xf32, #tpu.memory_space<vmem_shared>>
      tpu.wait_dma2 semaphore(%run_scoped3A_97 : memref<!tpu.dma_semaphore, #tpu.memory_space<semaphore_mem>>) src(%dma_wait3A_107 : memref<640x128xf32, #tpu.memory_space<vmem_shared>>) dst(%dma_wait3A_105 : memref<640x128xf32, #tpu.memory_space<hbm>>)
      tpu.yield
    }) : () -> ()
    return
  }
}

module attributes {stable_mosaic.version = 14 : i64} {
  func.func @_prep_body(%arg0: i32, %arg1: memref<2x640xf32, #tpu.memory_space<vmem>>, %arg2: memref<640x128xf32, #tpu.memory_space<vmem>>, %arg3: memref<640x128xf32, #tpu.memory_space<vmem>>, %arg4: memref<640x128xf32, #tpu.memory_space<vmem>>) attributes {dimension_semantics = [#tpu.dimension_semantics<arbitrary>], iteration_bounds = array<i64: 16>, scalar_prefetch = 0 : i64, scratch_operands = 0 : i64, tpu.core_type = #tpu.core_type<tc>, window_params = [{transform_indices = @transform_0, window_bounds = array<i64: 2, 640>}, {transform_indices = @transform_1, window_bounds = array<i64: 640, 128>}, {transform_indices = @transform_2, window_bounds = array<i64: 640, 128>}, {transform_indices = @transform_3, window_bounds = array<i64: 640, 128>}]} {
    %get3A = arith.constant 0 : index
    %get3A_0 = arith.constant 0 : index
    %get3A_1 = vector.load %arg1[%get3A, %get3A_0] : memref<2x640xf32, #tpu.memory_space<vmem>>, vector<2x640xf32>
    %slice3A = vector.extract_strided_slice %get3A_1 {offsets = [0, 0], sizes = [1, 640], strides = [1, 1]} : vector<2x640xf32> to vector<1x640xf32>
    %squeeze3A = vector.shape_cast %slice3A : vector<1x640xf32> to vector<640xf32>
    %slice3A_2 = vector.extract_strided_slice %get3A_1 {offsets = [1, 0], sizes = [1, 640], strides = [1, 1]} : vector<2x640xf32> to vector<1x640xf32>
    %squeeze3A_3 = vector.shape_cast %slice3A_2 : vector<1x640xf32> to vector<640xf32>
    %add3A = arith.addf %squeeze3A, %squeeze3A_3 : vector<640xf32>
    %add3A_4 = arith.constant 1.000000e+00 : f32
    %add3A_5 = vector.broadcast %add3A_4 : f32 to vector<640xf32>
    %add3A_6 = arith.addf %add3A, %add3A_5 : vector<640xf32>
    %broadcast_in_dim3A = vector.shape_cast %add3A_6 : vector<640xf32> to vector<640x1xf32>
    %rsqrt3A = math.rsqrt %broadcast_in_dim3A : vector<640x1xf32>
    %get3A_7 = arith.constant 0 : index
    %get3A_8 = arith.constant 0 : index
    %get3A_9 = vector.load %arg2[%get3A_7, %get3A_8] : memref<640x128xf32, #tpu.memory_space<vmem>>, vector<640x128xf32>
    %mul3A = vector.broadcast %rsqrt3A : vector<640x1xf32> to vector<640x128xf32>
    %mul3A_10 = arith.mulf %mul3A, %get3A_9 : vector<640x128xf32>
    %swap3A = arith.constant 0 : index
    %swap3A_11 = arith.constant 0 : index
    %swap3A_12 = vector.load %arg3[%swap3A, %swap3A_11] : memref<640x128xf32, #tpu.memory_space<vmem>>, vector<640x128xf32>
    tpu.vector_store %arg3[%swap3A, %swap3A_11], %mul3A_10 {strides = array<i32>} : memref<640x128xf32, #tpu.memory_space<vmem>>, vector<640x128xf32>,
    %broadcast_in_dim3A_13 = vector.shape_cast %rsqrt3A : vector<640x1xf32> to vector<640x1xf32>
    %broadcast_in_dim3A_14 = vector.broadcast %broadcast_in_dim3A_13 : vector<640x1xf32> to vector<640x128xf32>
    %swap3A_15 = arith.constant 0 : index
    %swap3A_16 = arith.constant 0 : index
    %swap3A_17 = vector.load %arg4[%swap3A_15, %swap3A_16] : memref<640x128xf32, #tpu.memory_space<vmem>>, vector<640x128xf32>
    tpu.vector_store %arg4[%swap3A_15, %swap3A_16], %broadcast_in_dim3A_14 {strides = array<i32>} : memref<640x128xf32, #tpu.memory_space<vmem>>, vector<640x128xf32>,
    return
  }
  func.func @transform_0(%arg0: i32) -> (i32, i32) {
    %c0_i32 = arith.constant 0 : i32
    %c0_i32_0 = arith.constant 0 : i32
    return %c0_i32, %arg0 : i32, i32
  }
  func.func @transform_1(%arg0: i32) -> (i32, i32) {
    %c0_i32 = arith.constant 0 : i32
    %c0_i32_0 = arith.constant 0 : i32
    return %arg0, %c0_i32 : i32, i32
  }
  func.func @transform_2(%arg0: i32) -> (i32, i32) {
    %c0_i32 = arith.constant 0 : i32
    %c0_i32_0 = arith.constant 0 : i32
    return %arg0, %c0_i32 : i32, i32
  }
  func.func @transform_3(%arg0: i32) -> (i32, i32) {
    %c0_i32 = arith.constant 0 : i32
    %c0_i32_0 = arith.constant 0 : i32
    return %arg0, %c0_i32 : i32, i32
  }
}

module attributes {stable_mosaic.version = 14 : i64} {
  func.func @_comb_body(%arg0: i32, %arg1: memref<2x640x128xf32, #tpu.memory_space<vmem>>, %arg2: memref<640x128xf32, #tpu.memory_space<vmem>>, %arg3: memref<640x128xf32, #tpu.memory_space<vmem>>, %arg4: memref<640x128xf32, #tpu.memory_space<vmem>>) attributes {dimension_semantics = [#tpu.dimension_semantics<arbitrary>], iteration_bounds = array<i64: 16>, scalar_prefetch = 0 : i64, scratch_operands = 0 : i64, tpu.core_type = #tpu.core_type<tc>, window_params = [{transform_indices = @transform_0, window_bounds = array<i64: 2, 640, 128>}, {transform_indices = @transform_1, window_bounds = array<i64: 640, 128>}, {transform_indices = @transform_2, window_bounds = array<i64: 640, 128>}, {transform_indices = @transform_3, window_bounds = array<i64: 640, 128>}]} {
    %get3A = arith.constant 0 : index
    %get3A_0 = arith.constant 0 : index
    %get3A_1 = vector.load %arg3[%get3A, %get3A_0] : memref<640x128xf32, #tpu.memory_space<vmem>>, vector<640x128xf32>
    %mul3A = arith.mulf %get3A_1, %get3A_1 : vector<640x128xf32>
    %get3A_2 = arith.constant 0 : index
    %get3A_3 = arith.constant 0 : index
    %get3A_4 = arith.constant 0 : index
    %get3A_5 = vector.load %arg1[%get3A_2, %get3A_3, %get3A_4] : memref<2x640x128xf32, #tpu.memory_space<vmem>>, vector<1x640x128xf32>
    %get3A_6 = vector.shape_cast %get3A_5 : vector<1x640x128xf32> to vector<640x128xf32>
    %get3A_7 = arith.constant 1 : index
    %get3A_8 = arith.constant 0 : index
    %get3A_9 = arith.constant 0 : index
    %get3A_10 = vector.load %arg1[%get3A_7, %get3A_8, %get3A_9] : memref<2x640x128xf32, #tpu.memory_space<vmem>>, vector<1x640x128xf32>
    %get3A_11 = vector.shape_cast %get3A_10 : vector<1x640x128xf32> to vector<640x128xf32>
    %add3A = arith.addf %get3A_6, %get3A_11 : vector<640x128xf32>
    %get3A_12 = arith.constant 0 : index
    %get3A_13 = arith.constant 0 : index
    %get3A_14 = vector.load %arg2[%get3A_12, %get3A_13] : memref<640x128xf32, #tpu.memory_space<vmem>>, vector<640x128xf32>
    %add3A_15 = arith.addf %add3A, %get3A_14 : vector<640x128xf32>
    %mul3A_16 = arith.mulf %mul3A, %add3A_15 : vector<640x128xf32>
    %swap3A = arith.constant 0 : index
    %swap3A_17 = arith.constant 0 : index
    %swap3A_18 = vector.load %arg4[%swap3A, %swap3A_17] : memref<640x128xf32, #tpu.memory_space<vmem>>, vector<640x128xf32>
    tpu.vector_store %arg4[%swap3A, %swap3A_17], %mul3A_16 {strides = array<i32>} : memref<640x128xf32, #tpu.memory_space<vmem>>, vector<640x128xf32>,
    return
  }
  func.func @transform_0(%arg0: i32) -> (i32, i32, i32) {
    %c0_i32 = arith.constant 0 : i32
    %c0_i32_0 = arith.constant 0 : i32
    %c0_i32_1 = arith.constant 0 : i32
    return %c0_i32, %arg0, %c0_i32_0 : i32, i32, i32
  }
  func.func @transform_1(%arg0: i32) -> (i32, i32) {
    %c0_i32 = arith.constant 0 : i32
    %c0_i32_0 = arith.constant 0 : i32
    return %arg0, %c0_i32 : i32, i32
  }
  func.func @transform_2(%arg0: i32) -> (i32, i32) {
    %c0_i32 = arith.constant 0 : i32
    %c0_i32_0 = arith.constant 0 : i32
    return %arg0, %c0_i32 : i32, i32
  }
  func.func @transform_3(%arg0: i32) -> (i32, i32) {
    %c0_i32 = arith.constant 0 : i32
    %c0_i32_0 = arith.constant 0 : i32
    return %arg0, %c0_i32 : i32, i32
  }
}

module attributes {stable_mosaic.version = 14 : i64} {
  func.func @_final_body(%arg0: i32, %arg1: memref<2x640x128xf32, #tpu.memory_space<vmem>>, %arg2: memref<640x128xf32, #tpu.memory_space<vmem>>, %arg3: memref<640x128xf32, #tpu.memory_space<vmem>>, %arg4: memref<128x128xf32, #tpu.memory_space<vmem>>, %arg5: memref<1x128xf32, #tpu.memory_space<vmem>>, %arg6: memref<640x128xf32, #tpu.memory_space<vmem>>) attributes {dimension_semantics = [#tpu.dimension_semantics<arbitrary>], iteration_bounds = array<i64: 16>, scalar_prefetch = 0 : i64, scratch_operands = 0 : i64, tpu.core_type = #tpu.core_type<tc>, window_params = [{transform_indices = @transform_0, window_bounds = array<i64: 2, 640, 128>}, {transform_indices = @transform_1, window_bounds = array<i64: 640, 128>}, {transform_indices = @transform_2, window_bounds = array<i64: 640, 128>}, {pipeline_mode = #tpu.pipeline_mode<synchronous>, transform_indices = @transform_3, window_bounds = array<i64: 128, 128>}, {pipeline_mode = #tpu.pipeline_mode<synchronous>, transform_indices = @transform_4, window_bounds = array<i64: 1, 128>}, {transform_indices = @transform_5, window_bounds = array<i64: 640, 128>}]} {
    %get3A = arith.constant 0 : index
    %get3A_0 = arith.constant 0 : index
    %get3A_1 = vector.load %arg3[%get3A, %get3A_0] : memref<640x128xf32, #tpu.memory_space<vmem>>, vector<640x128xf32>
    %get3A_2 = arith.constant 0 : index
    %get3A_3 = arith.constant 0 : index
    %get3A_4 = arith.constant 0 : index
    %get3A_5 = vector.load %arg1[%get3A_2, %get3A_3, %get3A_4] : memref<2x640x128xf32, #tpu.memory_space<vmem>>, vector<1x640x128xf32>
    %get3A_6 = vector.shape_cast %get3A_5 : vector<1x640x128xf32> to vector<640x128xf32>
    %get3A_7 = arith.constant 1 : index
    %get3A_8 = arith.constant 0 : index
    %get3A_9 = arith.constant 0 : index
    %get3A_10 = vector.load %arg1[%get3A_7, %get3A_8, %get3A_9] : memref<2x640x128xf32, #tpu.memory_space<vmem>>, vector<1x640x128xf32>
    %get3A_11 = vector.shape_cast %get3A_10 : vector<1x640x128xf32> to vector<640x128xf32>
    %add3A = arith.addf %get3A_6, %get3A_11 : vector<640x128xf32>
    %get3A_12 = arith.constant 0 : index
    %get3A_13 = arith.constant 0 : index
    %get3A_14 = vector.load %arg2[%get3A_12, %get3A_13] : memref<640x128xf32, #tpu.memory_space<vmem>>, vector<640x128xf32>
    %add3A_15 = arith.addf %add3A, %get3A_14 : vector<640x128xf32>
    %mul3A = arith.mulf %get3A_1, %add3A_15 : vector<640x128xf32>
    %get3A_16 = arith.constant 0 : index
    %get3A_17 = arith.constant 0 : index
    %get3A_18 = vector.load %arg4[%get3A_16, %get3A_17] : memref<128x128xf32, #tpu.memory_space<vmem>>, vector<128x128xf32>
    %dot_general3A = arith.constant dense<0.000000e+00> : vector<640x128xf32>
    %dot_general3A_19 = tpu.matmul %mul3A, %get3A_18, %dot_general3A {dimension_numbers = #tpu.dot_dimension_numbers<[1], [1], [0], [0], [0, 0, 1, 0], [], []>, transpose_lhs_hint = false} : vector<640x128xf32>, vector<128x128xf32>, vector<640x128xf32> -> vector<640x128xf32>
    %get3A_20 = arith.constant 0 : index
    %get3A_21 = arith.constant 0 : index
    %get3A_22 = vector.load %arg5[%get3A_20, %get3A_21] : memref<1x128xf32, #tpu.memory_space<vmem>>, vector<1x128xf32>
    %add3A_23 = vector.broadcast %get3A_22 : vector<1x128xf32> to vector<640x128xf32>
    %add3A_24 = arith.addf %dot_general3A_19, %add3A_23 : vector<640x128xf32>
    %swap3A = arith.constant 0 : index
    %swap3A_25 = arith.constant 0 : index
    %swap3A_26 = vector.load %arg6[%swap3A, %swap3A_25] : memref<640x128xf32, #tpu.memory_space<vmem>>, vector<640x128xf32>
    tpu.vector_store %arg6[%swap3A, %swap3A_25], %add3A_24 {strides = array<i32>} : memref<640x128xf32, #tpu.memory_space<vmem>>, vector<640x128xf32>,
    return
  }
  func.func @transform_0(%arg0: i32) -> (i32, i32, i32) {
    %c0_i32 = arith.constant 0 : i32
    %c0_i32_0 = arith.constant 0 : i32
    %c0_i32_1 = arith.constant 0 : i32
    return %c0_i32, %arg0, %c0_i32_0 : i32, i32, i32
  }
  func.func @transform_1(%arg0: i32) -> (i32, i32) {
    %c0_i32 = arith.constant 0 : i32
    %c0_i32_0 = arith.constant 0 : i32
    return %arg0, %c0_i32 : i32, i32
  }
  func.func @transform_2(%arg0: i32) -> (i32, i32) {
    %c0_i32 = arith.constant 0 : i32
    %c0_i32_0 = arith.constant 0 : i32
    return %arg0, %c0_i32 : i32, i32
  }
  func.func @transform_3(%arg0: i32) -> (i32, i32) {
    %c0_i32 = arith.constant 0 : i32
    %c0_i32_0 = arith.constant 0 : i32
    %c0_i32_1 = arith.constant 0 : i32
    return %c0_i32, %c0_i32_0 : i32, i32
  }
  func.func @transform_4(%arg0: i32) -> (i32, i32) {
    %c0_i32 = arith.constant 0 : i32
    %c0_i32_0 = arith.constant 0 : i32
    %c0_i32_1 = arith.constant 0 : i32
    return %c0_i32, %c0_i32_0 : i32, i32
  }
  func.func @transform_5(%arg0: i32) -> (i32, i32) {
    %c0_i32 = arith.constant 0 : i32
    %c0_i32_0 = arith.constant 0 : i32
    return %arg0, %c0_i32 : i32, i32
  }
}

</mosaic_0001>

<sc_bundles>
// kernel: kernel.11.cloned.1.call-start
scs
__scs_entry_jumppad:
0x0: {  	(pc) =	sbr.rel $0x88, $3  }
0x1: {  	(tag) =	ssettag $0x0;
	lr =	simm.s32 $0x1  }
0x2: {  	[smem:$0x3F9D] =	sst lr;
	_ =	strace $0xD0000000  }
0x3: {  	_ = 	snop  }
0x4: {  	_ = 	snop  }
0x5: {  	_ = 	snop  }
0x6: {  	_ = 	snop  }
0x7: {  	_ = 	snop  }
__scs_overlays_trampoline_lowered:
0x8: {  	[smem:$0x3FAC] =	sst s0  }
0x9: {  	[smem:$0x3FAD] =	sst s1  }
0xa: {  	[smem:$0x3FAE] =	sst s2  }
0xb: {  	[smem:$0x3FAF] =	sst s3  }
0xc: {  	[smem:$0x3FB0] =	sst s4  }
0xd: {  	[smem:$0x3FB1] =	sst s5  }
0xe: {  	[smem:$0x3FB2] =	sst s6  }
0xf: {  	[smem:$0x3FB3] =	sst s7  }
0x10: {  	[smem:$0x3FB4] =	sst s8  }
0x11: {  	[smem:$0x3FB5] =	sst s9;
	s0 =	simm.s32 @!p0 $0x0  }
0x12: {  	s1 =	sld [smem:$0x3F9B];
	s0 =	simm.s32 @p0 $0x1  }
0x13: {  	[smem:$0x3FB6] =	sst s0;
	s0 =	simm.s32 @!p1 $0x0  }
0x14: {  	s2 =	sld [smem:$0x3F9A];
	s0 =	simm.s32 @p1 $0x1  }
0x15: {  	[smem:$0x3FB7] =	sst s0;
	s0 =	simm.s32 @!p2 $0x0  }
0x16: {  	s3 =	sld [smem:$0x3FDB];
	s0 =	simm.s32 @p2 $0x1  }
0x17: {  	s4 =	simm.s32 $0x1BF5;
	[smem:$0x3FB9] =	sst s0  }
0x18: {  	s0 =	sld [smem:$0x3F9C];
	_ =	swait.ge [sflag:s4], $0x0  }
0x19: {  	s7 =	sld [smem:$0x3F9D]  }
0x1a: {  	s8 =	sadd.s32 $0xFFFFE003, lr  }
0x1b: {  	s9 =	sadd.s32 $0xFFFFFEF7, lr;
	s5 =	simm.s32 $0xFFFFFFFF;
	p2 =	slt.u32 s8, $0xFFFFF086  }
0x1c: {  	p1 =	slt.u32 s9, $0xF7A;
	s5 =	simm.s32 @!p2 $0x0  }
0x1d: {  	s5 =	simm.s32 @p1 $0x1;
	p0 =	seq.s32 s7, s2  }
0x1e: {  	s7 =	smul.u32 @!p0 $0xF7A, s2;
	p2 =	seq.s32 @!p0 s5, $0x0  }
0x1f: {  	s9 =	smul.u32 $0xF7A, s1;
	s8 =	simm.s32 @!p0 $0x1BF5;
	p2 =	por !p2, p0  }
0x20: {  	[sflag:s8] =	ssyncset.s32 @!p0 $0xFFFFF086;
	s6 =	sadd.s32 @!p0 s3, s7;
	s7 =	simm.s32 @!p0 $0x108  }
0x21: {  	s3 =	sadd.s32 s3, s9;
	s6 =	sadd.s32 @!p0 $0x88, s6;
	s7 =	simm.s32 @p2 $0x1082  }
0x22: {  	[simem:s7], [sflag:s8] =	dma.local @!p0 [hbm:s6], $0xF7A  }
0x23: {  	s9 =	sor.u32 $0xD0000000, s2;
	s6 =	simm.s32 $0x108;
	_ =	swait.ge @!p0 [sflag:s8], $0x0  }
0x24: {  	s3 =	sadd.s32 $0x88, s3;
	s6 =	simm.s32 @!p1 $0x1082;
	[sflag:s4] =	ssyncset.s32 $0xFFFFF086  }
0x25: {  	[simem:s6], [sflag:s4] =	dma.local [hbm:s3], $0xF7A  }
0x26: {  	[smem:$0x3F9D] =	sst s1;
	(tag) =	ssettag s2;
	_ =	strace s9  }
0x27: {  	s1 =	sld [smem:$0x3FAD]  }
0x28: {  	s2 =	sld [smem:$0x3FAE]  }
0x29: {  	s4 =	sld [smem:$0x3FB0]  }
0x2a: {  	p0 =	seq.s32 s5, $0x0;
	s5 =	sld [smem:$0x3FB1]  }
0x2b: {  	s6 =	sld [smem:$0x3FB2]  }
0x2c: {  	s7 =	sld [smem:$0x3FB3]  }
0x2d: {  	s3 =	simm.s32 $0x108;
	s8 =	sld [smem:$0x3FB4]  }
0x2e: {  	s3 =	simm.s32 @!p0 $0x1082;
	s9 =	sld [smem:$0x3FB5]  }
0x2f: {  	lr =	sadd.s32 s0, s3;
	s0 =	sld [smem:$0x3FAC]  }
0x30: {  	s3 =	sld [smem:$0x3FAF]  }
0x31: {  	[smem:$0x3FB8] =	sst s10  }
0x32: {  	s10 =	sld [smem:$0x3FB6];
	_ =	sdelay $0x3  }
0x33: {  	p0 =	seq.s32 s10, $0x1;
	s10 =	sld [smem:$0x3FB8];
	_ =	sdelay $0x3  }
0x34: {  	[smem:$0x3FB8] =	sst s10  }
0x35: {  	s10 =	sld [smem:$0x3FB7];
	_ =	sdelay $0x3  }
0x36: {  	p1 =	seq.s32 s10, $0x1;
	s10 =	sld [smem:$0x3FB8];
	_ =	sdelay $0x3  }
0x37: {  	[smem:$0x3FB8] =	sst s10  }
0x38: {  	s10 =	sld [smem:$0x3FB9]  }
0x39: {  	_ = 	snop;
	(pc) =	sbr.ind lr, $3  }
0x3a: {  	_ = 	snop  }
0x3b: {  	_ = 	snop  }
0x3c: {  	p2 =	seq.s32 s10, $0x1;
	s10 =	sld [smem:$0x3FB8]  }
0x3d: {  	_ =	shalt  }
0x3e: {  	_ =	shalt  }
0x3f: {  	_ =	shalt  }
0x40: {  	_ =	shalt  }
0x41: {  	_ =	shalt  }
0x42: {  	_ =	shalt  }
0x43: {  	_ =	shalt  }
0x44: {  	_ =	shalt  }
0x45: {  	_ =	shalt  }
0x46: {  	_ =	shalt  }
0x47: {  	_ =	shalt  }
0x48: {  	_ =	shalt  }
0x49: {  	_ =	shalt  }
0x4a: {  	_ =	shalt  }
0x4b: {  	_ =	shalt  }
0x4c: {  	_ =	shalt  }
0x4d: {  	_ =	shalt  }
0x4e: {  	_ =	shalt  }
0x4f: {  	_ =	shalt  }
0x50: {  	_ =	shalt  }
0x51: {  	_ =	shalt  }
0x52: {  	_ =	shalt  }
0x53: {  	_ =	shalt  }
0x54: {  	_ =	shalt  }
0x55: {  	_ =	shalt  }
0x56: {  	_ =	shalt  }
0x57: {  	_ =	shalt  }
0x58: {  	_ =	shalt  }
0x59: {  	_ =	shalt  }
0x5a: {  	_ =	shalt  }
0x5b: {  	_ =	shalt  }
0x5c: {  	_ =	shalt  }
0x5d: {  	_ =	shalt  }
0x5e: {  	_ =	shalt  }
0x5f: {  	_ =	shalt  }
0x60: {  	_ =	shalt  }
0x61: {  	_ =	shalt  }
0x62: {  	_ =	shalt  }
0x63: {  	_ =	shalt  }
0x64: {  	_ =	shalt  }
0x65: {  	_ =	shalt  }
0x66: {  	_ =	shalt  }
0x67: {  	_ =	shalt  }
0x68: {  	_ =	shalt  }
0x69: {  	_ =	shalt  }
0x6a: {  	_ =	shalt  }
0x6b: {  	_ =	shalt  }
0x6c: {  	_ =	shalt  }
0x6d: {  	_ =	shalt  }
0x6e: {  	_ =	shalt  }
0x6f: {  	_ =	shalt  }
0x70: {  	_ =	shalt  }
0x71: {  	_ =	shalt  }
0x72: {  	_ =	shalt  }
0x73: {  	_ =	shalt  }
0x74: {  	_ =	shalt  }
0x75: {  	_ =	shalt  }
0x76: {  	_ =	shalt  }
0x77: {  	_ =	shalt  }
0x78: {  	_ =	shalt  }
0x79: {  	_ =	shalt  }
0x7a: {  	_ =	shalt  }
0x7b: {  	_ =	shalt  }
0x7c: {  	_ =	shalt  }
0x7d: {  	_ =	shalt  }
0x7e: {  	_ =	shalt  }
0x7f: {  	_ =	shalt  }
0x80: {  	_ =	shalt  }
0x81: {  	_ =	shalt  }
0x82: {  	_ =	shalt  }
0x83: {  	_ =	shalt  }
0x84: {  	_ =	shalt  }
0x85: {  	_ =	shalt  }
0x86: {  	_ =	shalt  }
0x87: {  	_ =	shalt  }
.Lfunc_end0:
.L_simem_size_0:
called_computation.1_lowered:
.L_overlay_start_0:
0x88: {  	s2 =	sld [smem:$0x3FD9]  }
0x89: {  	s3 =	sld [smem:$0x3FFE];
	_ =	sdelay $0x1  }
0x8a: {  	s1 =	srdreg.scid  }
0x8b: {  	s0 =	sand.u32 $0x1, s1  }
0x8c: {  	s17 =	sshll.u32 s0, $0xA;
	s2 =	sadd.s32 s3, s2  }
0x8d: {  	s2 =	sadd.s32 s2, s17  }
0x8e: {  	[smem:$0x3FC4] =	sst s2  }
0x8f: {  	_ = 	snop  }
0x90: {  	s2 =	sld [smem:$0x3FD0];
	(tm) =	ssettm $0x1  }
0x91: {  	s18 =	sld [smem:$0x3FFB];
	_ =	sdelay $0x3  }
0x92: {  	_ =	strace s18  }
0x93: {  	s3 =	sld [smem:$0x3FFC];
	_ =	sdelay $0x3  }
0x94: {  	_ =	strace s3  }
0x95: {  	s3 =	sld [smem:$0x3FFD];
	_ =	sdelay $0x3  }
0x96: {  	_ =	strace s3  }
0x97: {  	_ =	strace $0x8FFFFFFF  }
0x98: {  	s19 =	sld [smem:$0x3FDB];
	_ =	sdelay $0x1  }
0x99: {  	s4 =	simm.s32 $_scs_section_size  }
0x9a: {  	s5 =	simm.s32 $_size__tile_overlayer_lowered;
	s6 =	simm.s32 $_tile_overlayer_lowered  }
0x9b: {  	s22 =	simm.s32 $0x1BFF;
	s21 =	sshll.u32 s6, $0x1;
	s3 =	sadd.s32 s4, s19  }
0x9c: {  	s7 =	simm.s32 $0x0;
	s20 =	sshll.u32 s5, $0x1;
	s5 =	sadd.s32 s21, s3  }
0x9d: {  	[timem:s7], [sflag:s22] =	dma.local [hbm:s5], s20  }
0x9e: {  	_ =	swait.ge [sflag:s22], s20  }
0x9f: {  	s4 =	ssub.s32 $0x0, s20;
	[sflag:s22] =	ssyncset.done $0x0  }
0xa0: {  	[sflag:s22] =	ssyncadd.s32 s4;
	_ =	sdelay $0x1  }
0xa1: {  	s23 =	simm.s32 $0x1B8B  }
0xa2: {  	_ =	swait.ge [sflag:s23], $0x1  }
0xa3: {  	[sflag:s23] =	ssyncset.done $0x0  }
0xa4: {  	s25 =	simm.s32 $0x1B8E;
	s24 =	sld [smem:$0x3FFE];
	[sflag:s23] =	ssyncadd.s32 $0xFFFFFFFF  }
0xa5: {  	s26 =	simm.s32 $execute0_lowered;
	[smem:$0x3FD2] =	sst s25  }
0xa6: {  	s5 =	sshll.u32 s26, $0x1;
	_ =	strace $0x80000049;
	[dreg:$0x1] =	wrdreg $0xFFFFFFFF  }
0xa7: {  	s28 =	simm.s32 $_size_execute0_lowered;
	s3 =	sadd.s32 s3, s5;
	[dreg:$0x0] =	wrdreg $0x0  }
0xa8: {  	s5 =	sshll.u32 s28, $0x1;
	[dreg:$0x2] =	wrdreg s3  }
0xa9: {  	[dreg:$0x3] =	wrdreg s5  }
0xaa: {  	[dreg:$0x4] =	wrdreg $0xC0  }
0xab: {  	_ =	task [dreg:s7], $0x5FFFF  }
0xac: {  	[dreg:$0x1] =	wrdreg $0xFFFFFFFF  }
0xad: {  	[dreg:$0x0] =	wrdreg $0x60  }
0xae: {  	[dreg:$0x2] =	wrdreg s24  }
0xaf: {  	[dreg:$0x3] =	wrdreg s2  }
0xb0: {  	[dreg:$0x4] =	wrdreg $0x84000  }
0xb1: {  	[dreg:$0x5] =	wrdreg $0x9  }
0xb2: {  	_ =	task.clear_ibuf [dreg:s7], $0x6FFFF;
	_ =	strace $0x90000049  }
0xb3: {  	s29 =	simm.s32 $0x9;
	_ =	strace $0x8000004B  }
0xb4: {  	_ =	swait.ge [sflag:s29], $0x1  }
0xb5: {  	[sflag:s29] =	ssyncadd.s32 $0xFFFFFFFF  }
0xb6: {  	_ =	strace $0x9000004B  }
0xb7: {  	_ =	sfence  }
0xb8: {  	s30 =	sld [smem:$0x0];
	_ =	sdelay $0x2  }
0xb9: {  	s31 =	sshll.u32 s1, $0xD;
	s1 =	sshrl.u32 s1, $0x2  }
0xba: {  	s3 =	sand.u32 $0x4000, s31;
	s1 =	sadd.s32 s1, s30  }
0xbb: {  	s0 =	sor.u32 s3, s0;
	s1 =	sshll.u32 s1, $0x11  }
0xbc: {  	s0 =	sor.u32 s1, s0  }
0xbd: {  	s0 =	sadd.s32 $0x8F2B, s0  }
0xbe: {  	[sflag:s0] =	ssyncadd.remote.s32 $0x1  }
0xbf: {  	_ =	sfence.sel $0xFFFF  }
0xc0: {  	[dreg:$0x0] =	wrdreg $0xFFFFFFFF;
	(pc) =	sbr.abs _section_cstart, $3  }
0xc1: {  	[dreg:$0x1] =	wrdreg $0xFFFFFFFF  }
0xc2: {  	_ =	task.clear_ibuf [dreg:s7], $0x2FFFF;
	_ =	strace $0x9FFFFFFF  }
0xc3: {  	(tm) =	ssettm $0x7FFFFFFF  }
tec
execute0_lowered:
.L_overlay_start_1:
0x0: {  	(tag) =	ssettag $0x1  }
0x1: {  	s8 =	rddreg [dreg:$0x0]  }
0x2: {  	s2 =	rddreg [dreg:$0x1]  }
0x3: {  	s3 =	rddreg [dreg:$0x2];
	s0 =	stileid.u32;
	s4 =	simm.s32 $0x0  }
0x4: {  	s5 =	srdreg.scid;
	s17 =	simm.s32 $0x5;
	s18 =	simm.s32 $0x200  }
0x5: {  	s19 =	simm.s32 $0x80;
	s20 =	simm.s32 $0x400;
	s21 =	simm.s32 $0x100  }
0x6: {  	s28 =	simm.s32 $0x300;
	s29 =	simm.s32 $0x0;
	s7 =	smul.u32 $0x14000, s0  }
0x7: {  	[smem:$0x7FF] =	sst s4;
	s9 =	sand.u32 $0x1, s5;
	s5 =	sadd.s32 $0xC000, s8  }
0x8: {  	s6 =	sadd.s32 $0x2000, s8;
	s22 =	smul.u32 $0x50000, s0;
	s25 =	sshll.u32 s0, $0x6  }
0x9: {  	_ =	strace $0x8000004A;
	s11 =	smul.u32 $0x140000, s9;
	s12 =	sshll.u32 s9, $0x4  }
0xa: {  	s9 =	ssub.s32 $0x2, s9;
	s10 =	sshrl.u32 s7, $0x3;
	s23 =	sor.u32 s0, s12  }
0xb: {  	s24 =	sshrl.u32 s9, $0x1;
	s10 =	sadd.s32 s10, s8;
	s7 =	sadd.s32 s7, s11  }
0xc: {  	s11 =	sshrl.u32 s22, $0x2;
	s15 =	ssub.s32 s9, s24;
	s9 =	sor.u32 $0x1C05, s25  }
0xd: {  	s22 =	simm.s32 $0x1;
	s24 =	simm.s32 $0x180;
	s25 =	simm.s32 $0x380  }
0xe: {  	s13 =	sshrl.u32 s7, $0x3;
	s7 =	smul.u32 $0x2800, s23;
	s16 =	sadd.s32 s11, s3  }
0xf: {  	s1 =	sadd.s32 $0x34000, s10;
	s15 =	smax.u32 s15, $0x1;
	[dreg:$0x5] =	wrdreg s24  }
0x10: {  	s23 =	simm.s32 $0x280;
	s24 =	simm.s32 $0x2;
	[dreg:$0x6] =	wrdreg s25  }
0x11: {  	s25 =	simm.s32 $0x3;
	s14 =	sadd.s32 s13, s8;
	[dreg:$0x7] =	wrdreg s1  }
0x12: {  	s16 =	sshrl.u32 s16, $0x3;
	[dreg:$0x4] =	wrdreg s23;
	s26 =	sshrl.u32 s7, $0x3  }
0x13: {  	s23 =	simm.s32 $0x4400;
	s14 =	sadd.s32 $0x5C000, s14;
	s30 =	sadd.s32 s6, s26  }
0x14: {  	s31 =	sor.u32 $0x20, s26;
	s11 =	sadd.s32 s2, s26;
	s26 =	simm.s32 $0x4  }
0x15: {  	[dreg:$0x8] =	wrdreg s30;
	s12 =	sadd.s32 s6, s31;
	s13 =	sadd.s32 s2, s31  }
.LBB2_1:
0x16: {  	s0 =	rddreg [dreg:$0x7]  }
0x17: {  	[spmem:s16], [sflag:s9] =	dma.local [hbm:s0], $0x2800  }
0x18: {  	_ =	swait.ge [sflag:s17], $0x2800  }
0x19: {  	[sflag:s17] =	ssyncset.done $0x0  }
0x1a: {  	[sflag:s17] =	ssyncadd.s32 $0xFFFFD800  }
0x1b: {  	[bflag:$0x0] =	sbarrier.arrive $0xFFFF  }
0x1c: {  	s10 =	rddreg [dreg:$0x8]  }
0x1d: {  	[tilespmem:s4], [sflag:$0x5] =	stream.linear.gather [hbm4b:s10+s4], $0x100, $0x38;
	[tilespmem:$0x1C400] =	vst v63  }
0x1e: {  	_ =	swait.ge [sflag:s17], $0x100  }
0x1f: {  	[sflag:s17] =	ssyncset.done $0x0  }
0x20: {  	[sflag:s17] =	ssyncadd.s32 $0xFFFFFF00  }
0x21: {  	[tilespmem:s18], [sflag:$0x5] =	stream.linear.gather [hbm4b:s11+s4], $0x100, $0x38;
	[tilespmem:$0x1C400] =	vst v63  }
0x22: {  	_ =	swait.ge [sflag:s17], $0x100  }
0x23: {  	[sflag:s17] =	ssyncset.done $0x0  }
0x24: {  	[sflag:s17] =	ssyncadd.s32 $0xFFFFFF00  }
0x25: {  	[tilespmem:s20], [sflag:$0x1] =	stream.indirect.gather [hbm4b:s5+s19], $0x80, s4, s19, $0xb8;
	[tilespmem:$0x1C400] =	vst v63  }
0x26: {  	_ = 	snop  }
0x27: {  	[tilespmem:s21], [sflag:$0x3] =	stream.linear.gather [hbm4b:s12+s4], $0x100, $0x38;
	[tilespmem:$0x1C400] =	vst v63  }
0x28: {  	_ = 	snop  }
0x29: {  	[tilespmem:s28], [sflag:$0x4] =	stream.linear.gather [hbm4b:s13+s4], $0x100, $0x38;
	[tilespmem:$0x1C400] =	vst v63  }
0x2a: {  	_ =	swait.ge [sflag:s22], $0x4000  }
0x2b: {  	[sflag:s22] =	ssyncset.done $0x0  }
0x2c: {  	[sflag:s22] =	ssyncadd.s32 $0xFFFFC000  }
0x2d: {  	[tilespmem:s23], [sflag:$0x2] =	stream.indirect.gather [hbm4b:s5+s19], $0x80, s19, s19, $0xb8;
	[tilespmem:$0x1C400] =	vst v63  }
0x2e: {  	_ = 	snop  }
0x2f: {  	[spmem:s3] =	stream.indirect.scatter.add.f32 [tilespmem:s20], [sflag:$0x5], $0x80, s18, s19, $0xb8;
	[tilespmem:$0x1C400] =	vst v63  }
0x30: {  	_ =	swait.ge [sflag:s17], $0x4000  }
0x31: {  	[sflag:s17] =	ssyncset.done $0x0  }
0x32: {  	[sflag:s17] =	ssyncadd.s32 $0xFFFFC000  }
0x33: {  	_ =	swait.ge [sflag:s24], $0x4000  }
0x34: {  	[sflag:s24] =	ssyncset.done $0x0  }
0x35: {  	[sflag:s24] =	ssyncadd.s32 $0xFFFFC000  }
0x36: {  	_ =	swait.ge [sflag:s25], $0x100  }
0x37: {  	[sflag:s25] =	ssyncset.done $0x0  }
0x38: {  	[sflag:s25] =	ssyncadd.s32 $0xFFFFFF00  }
0x39: {  	_ =	swait.ge [sflag:s26], $0x100  }
0x3a: {  	[sflag:s26] =	ssyncset.done $0x0  }
0x3b: {  	p0 =	por $0x0, $0x0;
	s30 =	simm.s32 $0x200;
	[sflag:s26] =	ssyncadd.s32 $0xFFFFFF00  }
0x3c: {  	[tilespmem:s20], [sflag:$0x1] =	stream.indirect.gather [hbm4b:s5+s19], $0x80, s21, s19, $0xb8;
	[tilespmem:$0x1C400] =	vst v63  }
0x3d: {  	s30 =	simm.s32 @p0 $0x0;
	s31 =	rddreg [dreg:$0x4]  }
0x3e: {  	[spmem:s3] =	stream.indirect.scatter.add.f32 [tilespmem:s23], [sflag:$0x5], $0x80, s31, s19, $0xb8;
	[tilespmem:$0x1C400] =	vst v63  }
0x3f: {  	s31 =	sand.u32 $0x3C00, s30  }
0x40: {  	s30 =	sand.u32 $0x200, s30;
	s31 =	sadd.s32 s7, s31  }
0x41: {  	_ =	swait.ge [sflag:s17], $0x4000;
	s30 =	sor.u32 s30, s31  }
0x42: {  	[sflag:s17] =	ssyncset.done $0x0;
	s30 =	sshrl.u32 s30, $0x3  }
0x43: {  	[sflag:s17] =	ssyncadd.s32 $0xFFFFC000;
	s31 =	sadd.s32 s6, s30  }
0x44: {  	[tilespmem:s4], [sflag:$0x3] =	stream.linear.gather [hbm4b:s31+s4], $0x100, $0x38;
	[tilespmem:$0x1C400] =	vst v63  }
0x45: {  	s30 =	sadd.s32 s2, s30  }
0x46: {  	[tilespmem:s18], [sflag:$0x4] =	stream.linear.gather [hbm4b:s30+s4], $0x100, $0x38;
	[tilespmem:$0x1C400] =	vst v63  }
0x47: {  	_ =	swait.ge [sflag:s22], $0x4000  }
0x48: {  	[sflag:s22] =	ssyncset.done $0x0  }
0x49: {  	s30 =	rddreg [dreg:$0x5];
	[sflag:s22] =	ssyncadd.s32 $0xFFFFC000  }
0x4a: {  	[tilespmem:s23], [sflag:$0x2] =	stream.indirect.gather [hbm4b:s5+s19], $0x80, s30, s19, $0xb8;
	[tilespmem:$0x1C400] =	vst v63  }
0x4b: {  	_ = 	snop  }
0x4c: {  	[spmem:s3] =	stream.indirect.scatter.add.f32 [tilespmem:s20], [sflag:$0x5], $0x80, s28, s19, $0xb8;
	[tilespmem:$0x1C400] =	vst v63  }
0x4d: {  	_ =	swait.ge [sflag:s17], $0x4000  }
0x4e: {  	[sflag:s17] =	ssyncset.done $0x0  }
0x4f: {  	[sflag:s17] =	ssyncadd.s32 $0xFFFFC000  }
0x50: {  	_ =	swait.ge [sflag:s24], $0x4000  }
0x51: {  	[sflag:s24] =	ssyncset.done $0x0  }
0x52: {  	[sflag:s24] =	ssyncadd.s32 $0xFFFFC000  }
0x53: {  	_ =	swait.ge [sflag:s25], $0x100  }
0x54: {  	[sflag:s25] =	ssyncset.done $0x0  }
0x55: {  	[sflag:s25] =	ssyncadd.s32 $0xFFFFFF00  }
0x56: {  	_ =	swait.ge [sflag:s26], $0x100  }
0x57: {  	[sflag:s26] =	ssyncset.done $0x0  }
0x58: {  	s30 =	simm.s32 $0x300;
	[sflag:s26] =	ssyncadd.s32 $0xFFFFFF00  }
0x59: {  	[tilespmem:s20], [sflag:$0x1] =	stream.indirect.gather [hbm4b:s5+s19], $0x80, s4, s19, $0xb8;
	[tilespmem:$0x1C400] =	vst v63  }
0x5a: {  	s30 =	simm.s32 @p0 $0x100;
	s31 =	rddreg [dreg:$0x6]  }
0x5b: {  	[spmem:s3] =	stream.indirect.scatter.add.f32 [tilespmem:s23], [sflag:$0x5], $0x80, s31, s19, $0xb8;
	[tilespmem:$0x1C400] =	vst v63  }
0x5c: {  	s31 =	sand.u32 $0x3C00, s30  }
0x5d: {  	s30 =	sand.u32 $0x300, s30;
	s31 =	sadd.s32 s7, s31  }
0x5e: {  	s31 =	sor.u32 s30, s31  }
0x5f: {  	_ =	swait.ge [sflag:s17], $0x4000;
	s30 =	simm.s32 $0x500;
	s31 =	sshrl.u32 s31, $0x3  }
.LBB2_2:
0x60: {  	[sflag:s17] =	ssyncset.done $0x0  }
0x61: {  	s1 =	sadd.s32 s6, s31;
	[sflag:s17] =	ssyncadd.s32 $0xFFFFC000  }
0x62: {  	[tilespmem:s21], [sflag:$0x3] =	stream.linear.gather [hbm4b:s1+s4], $0x100, $0x38;
	[tilespmem:$0x1C400] =	vst v63  }
0x63: {  	s8 =	sadd.s32 s2, s31  }
0x64: {  	[tilespmem:s28], [sflag:$0x4] =	stream.linear.gather [hbm4b:s8+s4], $0x100, $0x38;
	[tilespmem:$0x1C400] =	vst v63  }
0x65: {  	_ =	swait.ge [sflag:s22], $0x4000  }
0x66: {  	[sflag:s22] =	ssyncset.done $0x0  }
0x67: {  	[sflag:s22] =	ssyncadd.s32 $0xFFFFC000  }
0x68: {  	[tilespmem:s23], [sflag:$0x2] =	stream.indirect.gather [hbm4b:s5+s19], $0x80, s19, s19, $0xb8;
	[tilespmem:$0x1C400] =	vst v63  }
0x69: {  	_ = 	snop  }
0x6a: {  	[spmem:s3] =	stream.indirect.scatter.add.f32 [tilespmem:s20], [sflag:$0x5], $0x80, s18, s19, $0xb8;
	[tilespmem:$0x1C400] =	vst v63  }
0x6b: {  	_ =	swait.ge [sflag:s17], $0x4000  }
0x6c: {  	[sflag:s17] =	ssyncset.done $0x0  }
0x6d: {  	[sflag:s17] =	ssyncadd.s32 $0xFFFFC000  }
0x6e: {  	_ =	swait.ge [sflag:s24], $0x4000  }
0x6f: {  	[sflag:s24] =	ssyncset.done $0x0  }
0x70: {  	[sflag:s24] =	ssyncadd.s32 $0xFFFFC000  }
0x71: {  	_ =	swait.ge [sflag:s25], $0x100  }
0x72: {  	[sflag:s25] =	ssyncset.done $0x0  }
0x73: {  	s0 =	smov.u32 s30;
	[sflag:s25] =	ssyncadd.s32 $0xFFFFFF00  }
0x74: {  	p1 =	seq.s32 s0, $0x2900;
	s1 =	sadd.s32 $0xFFFFFF00, s0;
	_ =	swait.ge [sflag:s26], $0x100  }
0x75: {  	s0 =	simm.s32 @p1 $0x100;
	s1 =	simm.s32 @p1 $0x0;
	[sflag:s26] =	ssyncset.done $0x0  }
0x76: {  	s10 =	sand.u32 $0x3C00, s0;
	s31 =	sand.u32 $0x3C00, s1;
	[sflag:s26] =	ssyncadd.s32 $0xFFFFFF00  }
0x77: {  	[tilespmem:s20], [sflag:$0x1] =	stream.indirect.gather [hbm4b:s5+s19], $0x80, s21, s19, $0xb8;
	[tilespmem:$0x1C400] =	vst v63  }
0x78: {  	s1 =	sand.u32 $0x200, s1;
	s31 =	sadd.s32 s7, s31;
	s8 =	rddreg [dreg:$0x4]  }
0x79: {  	[spmem:s3] =	stream.indirect.scatter.add.f32 [tilespmem:s23], [sflag:$0x5], $0x80, s8, s19, $0xb8;
	[tilespmem:$0x1C400] =	vst v63  }
0x7a: {  	s0 =	sand.u32 $0x300, s0;
	s1 =	sor.u32 s1, s31;
	_ =	swait.ge [sflag:s17], $0x4000  }
0x7b: {  	s10 =	sadd.s32 s7, s10;
	s1 =	sshrl.u32 s1, $0x3;
	[sflag:s17] =	ssyncset.done $0x0  }
0x7c: {  	s0 =	sor.u32 s0, s10;
	s10 =	sadd.s32 s6, s1;
	[sflag:s17] =	ssyncadd.s32 $0xFFFFC000  }
0x7d: {  	[tilespmem:s4], [sflag:$0x3] =	stream.linear.gather [hbm4b:s10+s4], $0x100, $0x38;
	[tilespmem:$0x1C400] =	vst v63  }
0x7e: {  	s1 =	sadd.s32 s2, s1  }
0x7f: {  	[tilespmem:s18], [sflag:$0x4] =	stream.linear.gather [hbm4b:s1+s4], $0x100, $0x38;
	[tilespmem:$0x1C400] =	vst v63  }
0x80: {  	_ =	swait.ge [sflag:s22], $0x4000  }
0x81: {  	[sflag:s22] =	ssyncset.done $0x0  }
0x82: {  	s8 =	rddreg [dreg:$0x5];
	[sflag:s22] =	ssyncadd.s32 $0xFFFFC000  }
0x83: {  	[tilespmem:s23], [sflag:$0x2] =	stream.indirect.gather [hbm4b:s5+s19], $0x80, s8, s19, $0xb8;
	[tilespmem:$0x1C400] =	vst v63  }
0x84: {  	_ = 	snop  }
0x85: {  	[spmem:s3] =	stream.indirect.scatter.add.f32 [tilespmem:s20], [sflag:$0x5], $0x80, s28, s19, $0xb8;
	[tilespmem:$0x1C400] =	vst v63  }
0x86: {  	_ =	swait.ge [sflag:s17], $0x4000  }
0x87: {  	[sflag:s17] =	ssyncset.done $0x0  }
0x88: {  	[sflag:s17] =	ssyncadd.s32 $0xFFFFC000  }
0x89: {  	_ =	swait.ge [sflag:s24], $0x4000  }
0x8a: {  	[sflag:s24] =	ssyncset.done $0x0  }
0x8b: {  	[sflag:s24] =	ssyncadd.s32 $0xFFFFC000  }
0x8c: {  	_ =	swait.ge [sflag:s25], $0x100  }
0x8d: {  	[sflag:s25] =	ssyncset.done $0x0  }
0x8e: {  	[sflag:s25] =	ssyncadd.s32 $0xFFFFFF00  }
0x8f: {  	_ =	swait.ge [sflag:s26], $0x100  }
0x90: {  	p0 =	sne.s32 s30, $0x2900;
	[sflag:s26] =	ssyncset.done $0x0  }
.Ltmp0:
0x91: {  	[sflag:s26] =	ssyncadd.s32 $0xFFFFFF00;
	(pc) =	sbr.rel @p0 .LBB2_2-.Ltmp0, $4  }
0x92: {  	[tilespmem:s20], [sflag:$0x1] =	stream.indirect.gather [hbm4b:s5+s19], $0x80, s4, s19, $0xb8;
	[tilespmem:$0x1C400] =	vst v63  }
0x93: {  	s10 =	rddreg [dreg:$0x6]  }
0x94: {  	[spmem:s3] =	stream.indirect.scatter.add.f32 [tilespmem:s23], [sflag:$0x5], $0x80, s10, s19, $0xb8;
	[tilespmem:$0x1C400] =	vst v63  }
0x95: {  	s30 =	sadd.s32 $0x200, s30;
	s31 =	sshrl.u32 s0, $0x3;
	_ =	swait.ge [sflag:s17], $0x4000  }
0x96: {  	[sflag:s17] =	ssyncset.done $0x0  }
0x97: {  	s0 =	sadd.s32 s6, s31;
	[sflag:s17] =	ssyncadd.s32 $0xFFFFC000  }
0x98: {  	[tilespmem:s21], [sflag:$0x3] =	stream.linear.gather [hbm4b:s0+s4], $0x100, $0x38;
	[tilespmem:$0x1C400] =	vst v63  }
0x99: {  	s31 =	sadd.s32 s2, s31  }
0x9a: {  	[tilespmem:s28], [sflag:$0x4] =	stream.linear.gather [hbm4b:s31+s4], $0x100, $0x38;
	[tilespmem:$0x1C400] =	vst v63  }
0x9b: {  	_ =	swait.ge [sflag:s22], $0x4000  }
0x9c: {  	[sflag:s22] =	ssyncset.done $0x0  }
0x9d: {  	[sflag:s22] =	ssyncadd.s32 $0xFFFFC000  }
0x9e: {  	_ =	swait.ge [sflag:s25], $0x100  }
0x9f: {  	[sflag:s25] =	ssyncset.done $0x0  }
0xa0: {  	[sflag:s25] =	ssyncadd.s32 $0xFFFFFF00  }
0xa1: {  	_ =	swait.ge [sflag:s26], $0x100  }
0xa2: {  	s29 =	sadd.s32 $0x1, s29;
	[sflag:s26] =	ssyncset.done $0x0  }
0xa3: {  	p0 =	sne.s32 s29, s15;
	[sflag:s26] =	ssyncadd.s32 $0xFFFFFF00  }
.Ltmp1:
0xa4: {  	[bflag:$0x0] =	sbarrier.arrive $0xFFFF;
	(pc) =	sbr.rel @p0 .LBB2_1-.Ltmp1, $4  }
0xa5: {  	[hbm:s14], [sflag:s9] =	dma.local [spmem:s16], $0x2800  }
0xa6: {  	_ =	swait.ge [sflag:s17], $0x2800  }
0xa7: {  	[sflag:s17] =	ssyncset.done $0x0  }
0xa8: {  	[sflag:s17] =	ssyncadd.s32 $0xFFFFD800  }
0xa9: {  	_ =	sfence.sel $0x180000  }
0xaa: {  	[bflag:$0x0] =	sbarrier.arrive $0xFFFF  }
0xab: {  	_ =	strace $0x9000004A  }
0xac: {  	s0 =	stileid.u32;
	[bflag:$0x2] =	sbarrier.arrive $0xFFFF  }
0xad: {  	p0 =	sne.s32 s0, $0x0;
	s0 =	rddreg [dreg:$0x3]  }
0xae: {  	s0 =	sadd.s32 @!p0 $0x100000, s0  }
0xaf: {  	[sflag:s0] =	ssyncadd.tile.s32 @!p0 $0x1;
	_ =	shalt  }
.Lfunc_end2:
_tile_overlayer_lowered:
.L_overlay_start_2:
0xb0: {  	(tag) =	ssettag $0x2  }
0xb1: {  	s0 =	rddreg [dreg:$0x0];
	s2 =	stileid.u32  }
0xb2: {  	s1 =	rddreg [dreg:$0x1];
	p0 =	sne.s32 s2, $0x0  }
0xb3: {  	s3 =	rddreg [dreg:$0x2];
	[bflag:$0x3] =	sbarrier.arrive $0xFFFF;
	s2 =	simm.s32 @!p0 $0x1C05  }
0xb4: {  	[timem:s3], [sflag:s2] =	dma.local @!p0 [hbm:s0], s1  }
0xb5: {  	s0 =	simm.s32 @!p0 $0x5  }
0xb6: {  	_ =	swait.ge @!p0 [sflag:s0], s1  }
0xb7: {  	s1 =	ssub.s32 @!p0 $0x0, s1;
	[sflag:s0] =	ssyncset.done @!p0 $0x0  }
0xb8: {  	[sflag:s0] =	ssyncadd.s32 @!p0 s1  }
0xb9: {  	[bflag:$0x3] =	sbarrier.arrive $0xFFFF  }
0xba: {  	_ =	shalt  }

// kernel: kernel.14.cloned.1.call-start
scs
__scs_entry_jumppad:
0x0: {  	(pc) =	sbr.rel $0x88, $3  }
0x1: {  	(tag) =	ssettag $0x0;
	lr =	simm.s32 $0x1  }
0x2: {  	[smem:$0x3F9D] =	sst lr;
	_ =	strace $0xD0000000  }
0x3: {  	_ = 	snop  }
0x4: {  	_ = 	snop  }
0x5: {  	_ = 	snop  }
0x6: {  	_ = 	snop  }
0x7: {  	_ = 	snop  }
__scs_overlays_trampoline_lowered:
0x8: {  	[smem:$0x3FAC] =	sst s0  }
0x9: {  	[smem:$0x3FAD] =	sst s1  }
0xa: {  	[smem:$0x3FAE] =	sst s2  }
0xb: {  	[smem:$0x3FAF] =	sst s3  }
0xc: {  	[smem:$0x3FB0] =	sst s4  }
0xd: {  	[smem:$0x3FB1] =	sst s5  }
0xe: {  	[smem:$0x3FB2] =	sst s6  }
0xf: {  	[smem:$0x3FB3] =	sst s7  }
0x10: {  	[smem:$0x3FB4] =	sst s8  }
0x11: {  	[smem:$0x3FB5] =	sst s9;
	s0 =	simm.s32 @!p0 $0x0  }
0x12: {  	s1 =	sld [smem:$0x3F9B];
	s0 =	simm.s32 @p0 $0x1  }
0x13: {  	[smem:$0x3FB6] =	sst s0;
	s0 =	simm.s32 @!p1 $0x0  }
0x14: {  	s2 =	sld [smem:$0x3F9A];
	s0 =	simm.s32 @p1 $0x1  }
0x15: {  	[smem:$0x3FB7] =	sst s0;
	s0 =	simm.s32 @!p2 $0x0  }
0x16: {  	s3 =	sld [smem:$0x3FDB];
	s0 =	simm.s32 @p2 $0x1  }
0x17: {  	s4 =	simm.s32 $0x1BF5;
	[smem:$0x3FB9] =	sst s0  }
0x18: {  	s0 =	sld [smem:$0x3F9C];
	_ =	swait.ge [sflag:s4], $0x0  }
0x19: {  	s7 =	sld [smem:$0x3F9D]  }
0x1a: {  	s8 =	sadd.s32 $0xFFFFE003, lr  }
0x1b: {  	s9 =	sadd.s32 $0xFFFFFEF7, lr;
	s5 =	simm.s32 $0xFFFFFFFF;
	p2 =	slt.u32 s8, $0xFFFFF086  }
0x1c: {  	p1 =	slt.u32 s9, $0xF7A;
	s5 =	simm.s32 @!p2 $0x0  }
0x1d: {  	s5 =	simm.s32 @p1 $0x1;
	p0 =	seq.s32 s7, s2  }
0x1e: {  	s7 =	smul.u32 @!p0 $0xF7A, s2;
	p2 =	seq.s32 @!p0 s5, $0x0  }
0x1f: {  	s9 =	smul.u32 $0xF7A, s1;
	s8 =	simm.s32 @!p0 $0x1BF5;
	p2 =	por !p2, p0  }
0x20: {  	[sflag:s8] =	ssyncset.s32 @!p0 $0xFFFFF086;
	s6 =	sadd.s32 @!p0 s3, s7;
	s7 =	simm.s32 @!p0 $0x108  }
0x21: {  	s3 =	sadd.s32 s3, s9;
	s6 =	sadd.s32 @!p0 $0x88, s6;
	s7 =	simm.s32 @p2 $0x1082  }
0x22: {  	[simem:s7], [sflag:s8] =	dma.local @!p0 [hbm:s6], $0xF7A  }
0x23: {  	s9 =	sor.u32 $0xD0000000, s2;
	s6 =	simm.s32 $0x108;
	_ =	swait.ge @!p0 [sflag:s8], $0x0  }
0x24: {  	s3 =	sadd.s32 $0x88, s3;
	s6 =	simm.s32 @!p1 $0x1082;
	[sflag:s4] =	ssyncset.s32 $0xFFFFF086  }
0x25: {  	[simem:s6], [sflag:s4] =	dma.local [hbm:s3], $0xF7A  }
0x26: {  	[smem:$0x3F9D] =	sst s1;
	(tag) =	ssettag s2;
	_ =	strace s9  }
0x27: {  	s1 =	sld [smem:$0x3FAD]  }
0x28: {  	s2 =	sld [smem:$0x3FAE]  }
0x29: {  	s4 =	sld [smem:$0x3FB0]  }
0x2a: {  	p0 =	seq.s32 s5, $0x0;
	s5 =	sld [smem:$0x3FB1]  }
0x2b: {  	s6 =	sld [smem:$0x3FB2]  }
0x2c: {  	s7 =	sld [smem:$0x3FB3]  }
0x2d: {  	s3 =	simm.s32 $0x108;
	s8 =	sld [smem:$0x3FB4]  }
0x2e: {  	s3 =	simm.s32 @!p0 $0x1082;
	s9 =	sld [smem:$0x3FB5]  }
0x2f: {  	lr =	sadd.s32 s0, s3;
	s0 =	sld [smem:$0x3FAC]  }
0x30: {  	s3 =	sld [smem:$0x3FAF]  }
0x31: {  	[smem:$0x3FB8] =	sst s10  }
0x32: {  	s10 =	sld [smem:$0x3FB6];
	_ =	sdelay $0x3  }
0x33: {  	p0 =	seq.s32 s10, $0x1;
	s10 =	sld [smem:$0x3FB8];
	_ =	sdelay $0x3  }
0x34: {  	[smem:$0x3FB8] =	sst s10  }
0x35: {  	s10 =	sld [smem:$0x3FB7];
	_ =	sdelay $0x3  }
0x36: {  	p1 =	seq.s32 s10, $0x1;
	s10 =	sld [smem:$0x3FB8];
	_ =	sdelay $0x3  }
0x37: {  	[smem:$0x3FB8] =	sst s10  }
0x38: {  	s10 =	sld [smem:$0x3FB9]  }
0x39: {  	_ = 	snop;
	(pc) =	sbr.ind lr, $3  }
0x3a: {  	_ = 	snop  }
0x3b: {  	_ = 	snop  }
0x3c: {  	p2 =	seq.s32 s10, $0x1;
	s10 =	sld [smem:$0x3FB8]  }
0x3d: {  	_ =	shalt  }
0x3e: {  	_ =	shalt  }
0x3f: {  	_ =	shalt  }
0x40: {  	_ =	shalt  }
0x41: {  	_ =	shalt  }
0x42: {  	_ =	shalt  }
0x43: {  	_ =	shalt  }
0x44: {  	_ =	shalt  }
0x45: {  	_ =	shalt  }
0x46: {  	_ =	shalt  }
0x47: {  	_ =	shalt  }
0x48: {  	_ =	shalt  }
0x49: {  	_ =	shalt  }
0x4a: {  	_ =	shalt  }
0x4b: {  	_ =	shalt  }
0x4c: {  	_ =	shalt  }
0x4d: {  	_ =	shalt  }
0x4e: {  	_ =	shalt  }
0x4f: {  	_ =	shalt  }
0x50: {  	_ =	shalt  }
0x51: {  	_ =	shalt  }
0x52: {  	_ =	shalt  }
0x53: {  	_ =	shalt  }
0x54: {  	_ =	shalt  }
0x55: {  	_ =	shalt  }
0x56: {  	_ =	shalt  }
0x57: {  	_ =	shalt  }
0x58: {  	_ =	shalt  }
0x59: {  	_ =	shalt  }
0x5a: {  	_ =	shalt  }
0x5b: {  	_ =	shalt  }
0x5c: {  	_ =	shalt  }
0x5d: {  	_ =	shalt  }
0x5e: {  	_ =	shalt  }
0x5f: {  	_ =	shalt  }
0x60: {  	_ =	shalt  }
0x61: {  	_ =	shalt  }
0x62: {  	_ =	shalt  }
0x63: {  	_ =	shalt  }
0x64: {  	_ =	shalt  }
0x65: {  	_ =	shalt  }
0x66: {  	_ =	shalt  }
0x67: {  	_ =	shalt  }
0x68: {  	_ =	shalt  }
0x69: {  	_ =	shalt  }
0x6a: {  	_ =	shalt  }
0x6b: {  	_ =	shalt  }
0x6c: {  	_ =	shalt  }
0x6d: {  	_ =	shalt  }
0x6e: {  	_ =	shalt  }
0x6f: {  	_ =	shalt  }
0x70: {  	_ =	shalt  }
0x71: {  	_ =	shalt  }
0x72: {  	_ =	shalt  }
0x73: {  	_ =	shalt  }
0x74: {  	_ =	shalt  }
0x75: {  	_ =	shalt  }
0x76: {  	_ =	shalt  }
0x77: {  	_ =	shalt  }
0x78: {  	_ =	shalt  }
0x79: {  	_ =	shalt  }
0x7a: {  	_ =	shalt  }
0x7b: {  	_ =	shalt  }
0x7c: {  	_ =	shalt  }
0x7d: {  	_ =	shalt  }
0x7e: {  	_ =	shalt  }
0x7f: {  	_ =	shalt  }
0x80: {  	_ =	shalt  }
0x81: {  	_ =	shalt  }
0x82: {  	_ =	shalt  }
0x83: {  	_ =	shalt  }
0x84: {  	_ =	shalt  }
0x85: {  	_ =	shalt  }
0x86: {  	_ =	shalt  }
0x87: {  	_ =	shalt  }
.Lfunc_end0:
.L_simem_size_0:
called_computation.2_lowered:
.L_overlay_start_0:
0x88: {  	s2 =	sld [smem:$0x3FD9]  }
0x89: {  	s3 =	sld [smem:$0x3FFE];
	_ =	sdelay $0x1  }
0x8a: {  	s1 =	srdreg.scid  }
0x8b: {  	s0 =	sand.u32 $0x1, s1  }
0x8c: {  	s17 =	sshll.u32 s0, $0xA;
	s2 =	sadd.s32 s3, s2  }
0x8d: {  	s2 =	sadd.s32 s2, s17  }
0x8e: {  	[smem:$0x3FC4] =	sst s2  }
0x8f: {  	_ = 	snop  }
0x90: {  	s2 =	sld [smem:$0x3FD0];
	(tm) =	ssettm $0x1  }
0x91: {  	s18 =	sld [smem:$0x3FFB];
	_ =	sdelay $0x3  }
0x92: {  	_ =	strace s18  }
0x93: {  	s3 =	sld [smem:$0x3FFC];
	_ =	sdelay $0x3  }
0x94: {  	_ =	strace s3  }
0x95: {  	s3 =	sld [smem:$0x3FFD];
	_ =	sdelay $0x3  }
0x96: {  	_ =	strace s3  }
0x97: {  	_ =	strace $0x8FFFFFFF  }
0x98: {  	s19 =	sld [smem:$0x3FDB];
	_ =	sdelay $0x1  }
0x99: {  	s4 =	simm.s32 $_scs_section_size  }
0x9a: {  	s5 =	simm.s32 $_size__tile_overlayer_lowered;
	s6 =	simm.s32 $_tile_overlayer_lowered  }
0x9b: {  	s22 =	simm.s32 $0x1BFF;
	s21 =	sshll.u32 s6, $0x1;
	s3 =	sadd.s32 s4, s19  }
0x9c: {  	s7 =	simm.s32 $0x0;
	s20 =	sshll.u32 s5, $0x1;
	s5 =	sadd.s32 s21, s3  }
0x9d: {  	[timem:s7], [sflag:s22] =	dma.local [hbm:s5], s20  }
0x9e: {  	_ =	swait.ge [sflag:s22], s20  }
0x9f: {  	s4 =	ssub.s32 $0x0, s20;
	[sflag:s22] =	ssyncset.done $0x0  }
0xa0: {  	[sflag:s22] =	ssyncadd.s32 s4;
	_ =	sdelay $0x1  }
0xa1: {  	s23 =	simm.s32 $0x1B8B  }
0xa2: {  	_ =	swait.ge [sflag:s23], $0x1  }
0xa3: {  	[sflag:s23] =	ssyncset.done $0x0  }
0xa4: {  	s25 =	simm.s32 $0x1B8E;
	s24 =	sld [smem:$0x3FFE];
	[sflag:s23] =	ssyncadd.s32 $0xFFFFFFFF  }
0xa5: {  	s26 =	simm.s32 $execute0_lowered;
	[smem:$0x3FD2] =	sst s25  }
0xa6: {  	s5 =	sshll.u32 s26, $0x1;
	_ =	strace $0x8000004C;
	[dreg:$0x1] =	wrdreg $0xFFFFFFFF  }
0xa7: {  	s28 =	simm.s32 $_size_execute0_lowered;
	s3 =	sadd.s32 s3, s5;
	[dreg:$0x0] =	wrdreg $0x0  }
0xa8: {  	s5 =	sshll.u32 s28, $0x1;
	[dreg:$0x2] =	wrdreg s3  }
0xa9: {  	[dreg:$0x3] =	wrdreg s5  }
0xaa: {  	[dreg:$0x4] =	wrdreg $0xC0  }
0xab: {  	_ =	task [dreg:s7], $0x5FFFF  }
0xac: {  	[dreg:$0x1] =	wrdreg $0xFFFFFFFF  }
0xad: {  	[dreg:$0x0] =	wrdreg $0x60  }
0xae: {  	[dreg:$0x2] =	wrdreg s24  }
0xaf: {  	[dreg:$0x3] =	wrdreg s2  }
0xb0: {  	[dreg:$0x4] =	wrdreg $0x84000  }
0xb1: {  	[dreg:$0x5] =	wrdreg $0x9  }
0xb2: {  	_ =	task.clear_ibuf [dreg:s7], $0x6FFFF;
	_ =	strace $0x9000004C  }
0xb3: {  	s29 =	simm.s32 $0x9;
	_ =	strace $0x8000004E  }
0xb4: {  	_ =	swait.ge [sflag:s29], $0x1  }
0xb5: {  	[sflag:s29] =	ssyncadd.s32 $0xFFFFFFFF  }
0xb6: {  	_ =	strace $0x9000004E  }
0xb7: {  	_ =	sfence  }
0xb8: {  	s30 =	sld [smem:$0x0];
	_ =	sdelay $0x2  }
0xb9: {  	s31 =	sshll.u32 s1, $0xD;
	s1 =	sshrl.u32 s1, $0x2  }
0xba: {  	s3 =	sand.u32 $0x4000, s31;
	s1 =	sadd.s32 s1, s30  }
0xbb: {  	s0 =	sor.u32 s3, s0;
	s1 =	sshll.u32 s1, $0x11  }
0xbc: {  	s0 =	sor.u32 s1, s0  }
0xbd: {  	s0 =	sadd.s32 $0x8F2B, s0  }
0xbe: {  	[sflag:s0] =	ssyncadd.remote.s32 $0x1  }
0xbf: {  	_ =	sfence.sel $0xFFFF  }
0xc0: {  	[dreg:$0x0] =	wrdreg $0xFFFFFFFF;
	(pc) =	sbr.abs _section_cstart, $3  }
0xc1: {  	[dreg:$0x1] =	wrdreg $0xFFFFFFFF  }
0xc2: {  	_ =	task.clear_ibuf [dreg:s7], $0x2FFFF;
	_ =	strace $0x9FFFFFFF  }
0xc3: {  	(tm) =	ssettm $0x7FFFFFFF  }
tec
execute0_lowered:
.L_overlay_start_1:
0x0: {  	(tag) =	ssettag $0x1  }
0x1: {  	s8 =	rddreg [dreg:$0x0]  }
0x2: {  	s2 =	rddreg [dreg:$0x1]  }
0x3: {  	s3 =	rddreg [dreg:$0x2];
	s0 =	stileid.u32;
	s4 =	simm.s32 $0x0  }
0x4: {  	s5 =	srdreg.scid;
	s17 =	simm.s32 $0x5;
	s18 =	simm.s32 $0x200  }
0x5: {  	s19 =	simm.s32 $0x80;
	s20 =	simm.s32 $0x400;
	s21 =	simm.s32 $0x100  }
0x6: {  	s28 =	simm.s32 $0x300;
	s29 =	simm.s32 $0x0;
	s7 =	smul.u32 $0x14000, s0  }
0x7: {  	[smem:$0x7FF] =	sst s4;
	s9 =	sand.u32 $0x1, s5;
	s5 =	sadd.s32 $0xC000, s8  }
0x8: {  	s6 =	sadd.s32 $0x2000, s8;
	s22 =	smul.u32 $0x50000, s0;
	s25 =	sshll.u32 s0, $0x6  }
0x9: {  	_ =	strace $0x8000004D;
	s11 =	smul.u32 $0x140000, s9;
	s12 =	sshll.u32 s9, $0x4  }
0xa: {  	s9 =	ssub.s32 $0x2, s9;
	s10 =	sshrl.u32 s7, $0x3;
	s23 =	sor.u32 s0, s12  }
0xb: {  	s24 =	sshrl.u32 s9, $0x1;
	s10 =	sadd.s32 s10, s8;
	s7 =	sadd.s32 s7, s11  }
0xc: {  	s11 =	sshrl.u32 s22, $0x2;
	s15 =	ssub.s32 s9, s24;
	s9 =	sor.u32 $0x1C05, s25  }
0xd: {  	s22 =	simm.s32 $0x1;
	s24 =	simm.s32 $0x180;
	s25 =	simm.s32 $0x380  }
0xe: {  	s13 =	sshrl.u32 s7, $0x3;
	s7 =	smul.u32 $0x2800, s23;
	s16 =	sadd.s32 s11, s3  }
0xf: {  	s1 =	sadd.s32 $0x34000, s10;
	s15 =	smax.u32 s15, $0x1;
	[dreg:$0x5] =	wrdreg s24  }
0x10: {  	s23 =	simm.s32 $0x280;
	s24 =	simm.s32 $0x2;
	[dreg:$0x6] =	wrdreg s25  }
0x11: {  	s25 =	simm.s32 $0x3;
	s14 =	sadd.s32 s13, s8;
	[dreg:$0x7] =	wrdreg s1  }
0x12: {  	s16 =	sshrl.u32 s16, $0x3;
	[dreg:$0x4] =	wrdreg s23;
	s26 =	sshrl.u32 s7, $0x3  }
0x13: {  	s23 =	simm.s32 $0x4400;
	s14 =	sadd.s32 $0x5C000, s14;
	s30 =	sadd.s32 s6, s26  }
0x14: {  	s31 =	sor.u32 $0x20, s26;
	s11 =	sadd.s32 s2, s26;
	s26 =	simm.s32 $0x4  }
0x15: {  	[dreg:$0x8] =	wrdreg s30;
	s12 =	sadd.s32 s6, s31;
	s13 =	sadd.s32 s2, s31  }
.LBB2_1:
0x16: {  	s0 =	rddreg [dreg:$0x7]  }
0x17: {  	[spmem:s16], [sflag:s9] =	dma.local [hbm:s0], $0x2800  }
0x18: {  	_ =	swait.ge [sflag:s17], $0x2800  }
0x19: {  	[sflag:s17] =	ssyncset.done $0x0  }
0x1a: {  	[sflag:s17] =	ssyncadd.s32 $0xFFFFD800  }
0x1b: {  	[bflag:$0x0] =	sbarrier.arrive $0xFFFF  }
0x1c: {  	s10 =	rddreg [dreg:$0x8]  }
0x1d: {  	[tilespmem:s4], [sflag:$0x5] =	stream.linear.gather [hbm4b:s10+s4], $0x100, $0x38;
	[tilespmem:$0x1C400] =	vst v63  }
0x1e: {  	_ =	swait.ge [sflag:s17], $0x100  }
0x1f: {  	[sflag:s17] =	ssyncset.done $0x0  }
0x20: {  	[sflag:s17] =	ssyncadd.s32 $0xFFFFFF00  }
0x21: {  	[tilespmem:s18], [sflag:$0x5] =	stream.linear.gather [hbm4b:s11+s4], $0x100, $0x38;
	[tilespmem:$0x1C400] =	vst v63  }
0x22: {  	_ =	swait.ge [sflag:s17], $0x100  }
0x23: {  	[sflag:s17] =	ssyncset.done $0x0  }
0x24: {  	[sflag:s17] =	ssyncadd.s32 $0xFFFFFF00  }
0x25: {  	[tilespmem:s20], [sflag:$0x1] =	stream.indirect.gather [hbm4b:s5+s19], $0x80, s4, s19, $0xb8;
	[tilespmem:$0x1C400] =	vst v63  }
0x26: {  	_ = 	snop  }
0x27: {  	[tilespmem:s21], [sflag:$0x3] =	stream.linear.gather [hbm4b:s12+s4], $0x100, $0x38;
	[tilespmem:$0x1C400] =	vst v63  }
0x28: {  	_ = 	snop  }
0x29: {  	[tilespmem:s28], [sflag:$0x4] =	stream.linear.gather [hbm4b:s13+s4], $0x100, $0x38;
	[tilespmem:$0x1C400] =	vst v63  }
0x2a: {  	_ =	swait.ge [sflag:s22], $0x4000  }
0x2b: {  	[sflag:s22] =	ssyncset.done $0x0  }
0x2c: {  	[sflag:s22] =	ssyncadd.s32 $0xFFFFC000  }
0x2d: {  	[tilespmem:s23], [sflag:$0x2] =	stream.indirect.gather [hbm4b:s5+s19], $0x80, s19, s19, $0xb8;
	[tilespmem:$0x1C400] =	vst v63  }
0x2e: {  	_ = 	snop  }
0x2f: {  	[spmem:s3] =	stream.indirect.scatter.add.f32 [tilespmem:s20], [sflag:$0x5], $0x80, s18, s19, $0xb8;
	[tilespmem:$0x1C400] =	vst v63  }
0x30: {  	_ =	swait.ge [sflag:s17], $0x4000  }
0x31: {  	[sflag:s17] =	ssyncset.done $0x0  }
0x32: {  	[sflag:s17] =	ssyncadd.s32 $0xFFFFC000  }
0x33: {  	_ =	swait.ge [sflag:s24], $0x4000  }
0x34: {  	[sflag:s24] =	ssyncset.done $0x0  }
0x35: {  	[sflag:s24] =	ssyncadd.s32 $0xFFFFC000  }
0x36: {  	_ =	swait.ge [sflag:s25], $0x100  }
0x37: {  	[sflag:s25] =	ssyncset.done $0x0  }
0x38: {  	[sflag:s25] =	ssyncadd.s32 $0xFFFFFF00  }
0x39: {  	_ =	swait.ge [sflag:s26], $0x100  }
0x3a: {  	[sflag:s26] =	ssyncset.done $0x0  }
0x3b: {  	p0 =	por $0x0, $0x0;
	s30 =	simm.s32 $0x200;
	[sflag:s26] =	ssyncadd.s32 $0xFFFFFF00  }
0x3c: {  	[tilespmem:s20], [sflag:$0x1] =	stream.indirect.gather [hbm4b:s5+s19], $0x80, s21, s19, $0xb8;
	[tilespmem:$0x1C400] =	vst v63  }
0x3d: {  	s30 =	simm.s32 @p0 $0x0;
	s31 =	rddreg [dreg:$0x4]  }
0x3e: {  	[spmem:s3] =	stream.indirect.scatter.add.f32 [tilespmem:s23], [sflag:$0x5], $0x80, s31, s19, $0xb8;
	[tilespmem:$0x1C400] =	vst v63  }
0x3f: {  	s31 =	sand.u32 $0x3C00, s30  }
0x40: {  	s30 =	sand.u32 $0x200, s30;
	s31 =	sadd.s32 s7, s31  }
0x41: {  	_ =	swait.ge [sflag:s17], $0x4000;
	s30 =	sor.u32 s30, s31  }
0x42: {  	[sflag:s17] =	ssyncset.done $0x0;
	s30 =	sshrl.u32 s30, $0x3  }
0x43: {  	[sflag:s17] =	ssyncadd.s32 $0xFFFFC000;
	s31 =	sadd.s32 s6, s30  }
0x44: {  	[tilespmem:s4], [sflag:$0x3] =	stream.linear.gather [hbm4b:s31+s4], $0x100, $0x38;
	[tilespmem:$0x1C400] =	vst v63  }
0x45: {  	s30 =	sadd.s32 s2, s30  }
0x46: {  	[tilespmem:s18], [sflag:$0x4] =	stream.linear.gather [hbm4b:s30+s4], $0x100, $0x38;
	[tilespmem:$0x1C400] =	vst v63  }
0x47: {  	_ =	swait.ge [sflag:s22], $0x4000  }
0x48: {  	[sflag:s22] =	ssyncset.done $0x0  }
0x49: {  	s30 =	rddreg [dreg:$0x5];
	[sflag:s22] =	ssyncadd.s32 $0xFFFFC000  }
0x4a: {  	[tilespmem:s23], [sflag:$0x2] =	stream.indirect.gather [hbm4b:s5+s19], $0x80, s30, s19, $0xb8;
	[tilespmem:$0x1C400] =	vst v63  }
0x4b: {  	_ = 	snop  }
0x4c: {  	[spmem:s3] =	stream.indirect.scatter.add.f32 [tilespmem:s20], [sflag:$0x5], $0x80, s28, s19, $0xb8;
	[tilespmem:$0x1C400] =	vst v63  }
0x4d: {  	_ =	swait.ge [sflag:s17], $0x4000  }
0x4e: {  	[sflag:s17] =	ssyncset.done $0x0  }
0x4f: {  	[sflag:s17] =	ssyncadd.s32 $0xFFFFC000  }
0x50: {  	_ =	swait.ge [sflag:s24], $0x4000  }
0x51: {  	[sflag:s24] =	ssyncset.done $0x0  }
0x52: {  	[sflag:s24] =	ssyncadd.s32 $0xFFFFC000  }
0x53: {  	_ =	swait.ge [sflag:s25], $0x100  }
0x54: {  	[sflag:s25] =	ssyncset.done $0x0  }
0x55: {  	[sflag:s25] =	ssyncadd.s32 $0xFFFFFF00  }
0x56: {  	_ =	swait.ge [sflag:s26], $0x100  }
0x57: {  	[sflag:s26] =	ssyncset.done $0x0  }
0x58: {  	s30 =	simm.s32 $0x300;
	[sflag:s26] =	ssyncadd.s32 $0xFFFFFF00  }
0x59: {  	[tilespmem:s20], [sflag:$0x1] =	stream.indirect.gather [hbm4b:s5+s19], $0x80, s4, s19, $0xb8;
	[tilespmem:$0x1C400] =	vst v63  }
0x5a: {  	s30 =	simm.s32 @p0 $0x100;
	s31 =	rddreg [dreg:$0x6]  }
0x5b: {  	[spmem:s3] =	stream.indirect.scatter.add.f32 [tilespmem:s23], [sflag:$0x5], $0x80, s31, s19, $0xb8;
	[tilespmem:$0x1C400] =	vst v63  }
0x5c: {  	s31 =	sand.u32 $0x3C00, s30  }
0x5d: {  	s30 =	sand.u32 $0x300, s30;
	s31 =	sadd.s32 s7, s31  }
0x5e: {  	s31 =	sor.u32 s30, s31  }
0x5f: {  	_ =	swait.ge [sflag:s17], $0x4000;
	s30 =	simm.s32 $0x500;
	s31 =	sshrl.u32 s31, $0x3  }
.LBB2_2:
0x60: {  	[sflag:s17] =	ssyncset.done $0x0  }
0x61: {  	s1 =	sadd.s32 s6, s31;
	[sflag:s17] =	ssyncadd.s32 $0xFFFFC000  }
0x62: {  	[tilespmem:s21], [sflag:$0x3] =	stream.linear.gather [hbm4b:s1+s4], $0x100, $0x38;
	[tilespmem:$0x1C400] =	vst v63  }
0x63: {  	s8 =	sadd.s32 s2, s31  }
0x64: {  	[tilespmem:s28], [sflag:$0x4] =	stream.linear.gather [hbm4b:s8+s4], $0x100, $0x38;
	[tilespmem:$0x1C400] =	vst v63  }
0x65: {  	_ =	swait.ge [sflag:s22], $0x4000  }
0x66: {  	[sflag:s22] =	ssyncset.done $0x0  }
0x67: {  	[sflag:s22] =	ssyncadd.s32 $0xFFFFC000  }
0x68: {  	[tilespmem:s23], [sflag:$0x2] =	stream.indirect.gather [hbm4b:s5+s19], $0x80, s19, s19, $0xb8;
	[tilespmem:$0x1C400] =	vst v63  }
0x69: {  	_ = 	snop  }
0x6a: {  	[spmem:s3] =	stream.indirect.scatter.add.f32 [tilespmem:s20], [sflag:$0x5], $0x80, s18, s19, $0xb8;
	[tilespmem:$0x1C400] =	vst v63  }
0x6b: {  	_ =	swait.ge [sflag:s17], $0x4000  }
0x6c: {  	[sflag:s17] =	ssyncset.done $0x0  }
0x6d: {  	[sflag:s17] =	ssyncadd.s32 $0xFFFFC000  }
0x6e: {  	_ =	swait.ge [sflag:s24], $0x4000  }
0x6f: {  	[sflag:s24] =	ssyncset.done $0x0  }
0x70: {  	[sflag:s24] =	ssyncadd.s32 $0xFFFFC000  }
0x71: {  	_ =	swait.ge [sflag:s25], $0x100  }
0x72: {  	[sflag:s25] =	ssyncset.done $0x0  }
0x73: {  	s0 =	smov.u32 s30;
	[sflag:s25] =	ssyncadd.s32 $0xFFFFFF00  }
0x74: {  	p1 =	seq.s32 s0, $0x2900;
	s1 =	sadd.s32 $0xFFFFFF00, s0;
	_ =	swait.ge [sflag:s26], $0x100  }
0x75: {  	s0 =	simm.s32 @p1 $0x100;
	s1 =	simm.s32 @p1 $0x0;
	[sflag:s26] =	ssyncset.done $0x0  }
0x76: {  	s10 =	sand.u32 $0x3C00, s0;
	s31 =	sand.u32 $0x3C00, s1;
	[sflag:s26] =	ssyncadd.s32 $0xFFFFFF00  }
0x77: {  	[tilespmem:s20], [sflag:$0x1] =	stream.indirect.gather [hbm4b:s5+s19], $0x80, s21, s19, $0xb8;
	[tilespmem:$0x1C400] =	vst v63  }
0x78: {  	s1 =	sand.u32 $0x200, s1;
	s31 =	sadd.s32 s7, s31;
	s8 =	rddreg [dreg:$0x4]  }
0x79: {  	[spmem:s3] =	stream.indirect.scatter.add.f32 [tilespmem:s23], [sflag:$0x5], $0x80, s8, s19, $0xb8;
	[tilespmem:$0x1C400] =	vst v63  }
0x7a: {  	s0 =	sand.u32 $0x300, s0;
	s1 =	sor.u32 s1, s31;
	_ =	swait.ge [sflag:s17], $0x4000  }
0x7b: {  	s10 =	sadd.s32 s7, s10;
	s1 =	sshrl.u32 s1, $0x3;
	[sflag:s17] =	ssyncset.done $0x0  }
0x7c: {  	s0 =	sor.u32 s0, s10;
	s10 =	sadd.s32 s6, s1;
	[sflag:s17] =	ssyncadd.s32 $0xFFFFC000  }
0x7d: {  	[tilespmem:s4], [sflag:$0x3] =	stream.linear.gather [hbm4b:s10+s4], $0x100, $0x38;
	[tilespmem:$0x1C400] =	vst v63  }
0x7e: {  	s1 =	sadd.s32 s2, s1  }
0x7f: {  	[tilespmem:s18], [sflag:$0x4] =	stream.linear.gather [hbm4b:s1+s4], $0x100, $0x38;
	[tilespmem:$0x1C400] =	vst v63  }
0x80: {  	_ =	swait.ge [sflag:s22], $0x4000  }
0x81: {  	[sflag:s22] =	ssyncset.done $0x0  }
0x82: {  	s8 =	rddreg [dreg:$0x5];
	[sflag:s22] =	ssyncadd.s32 $0xFFFFC000  }
0x83: {  	[tilespmem:s23], [sflag:$0x2] =	stream.indirect.gather [hbm4b:s5+s19], $0x80, s8, s19, $0xb8;
	[tilespmem:$0x1C400] =	vst v63  }
0x84: {  	_ = 	snop  }
0x85: {  	[spmem:s3] =	stream.indirect.scatter.add.f32 [tilespmem:s20], [sflag:$0x5], $0x80, s28, s19, $0xb8;
	[tilespmem:$0x1C400] =	vst v63  }
0x86: {  	_ =	swait.ge [sflag:s17], $0x4000  }
0x87: {  	[sflag:s17] =	ssyncset.done $0x0  }
0x88: {  	[sflag:s17] =	ssyncadd.s32 $0xFFFFC000  }
0x89: {  	_ =	swait.ge [sflag:s24], $0x4000  }
0x8a: {  	[sflag:s24] =	ssyncset.done $0x0  }
0x8b: {  	[sflag:s24] =	ssyncadd.s32 $0xFFFFC000  }
0x8c: {  	_ =	swait.ge [sflag:s25], $0x100  }
0x8d: {  	[sflag:s25] =	ssyncset.done $0x0  }
0x8e: {  	[sflag:s25] =	ssyncadd.s32 $0xFFFFFF00  }
0x8f: {  	_ =	swait.ge [sflag:s26], $0x100  }
0x90: {  	p0 =	sne.s32 s30, $0x2900;
	[sflag:s26] =	ssyncset.done $0x0  }
.Ltmp0:
0x91: {  	[sflag:s26] =	ssyncadd.s32 $0xFFFFFF00;
	(pc) =	sbr.rel @p0 .LBB2_2-.Ltmp0, $4  }
0x92: {  	[tilespmem:s20], [sflag:$0x1] =	stream.indirect.gather [hbm4b:s5+s19], $0x80, s4, s19, $0xb8;
	[tilespmem:$0x1C400] =	vst v63  }
0x93: {  	s10 =	rddreg [dreg:$0x6]  }
0x94: {  	[spmem:s3] =	stream.indirect.scatter.add.f32 [tilespmem:s23], [sflag:$0x5], $0x80, s10, s19, $0xb8;
	[tilespmem:$0x1C400] =	vst v63  }
0x95: {  	s30 =	sadd.s32 $0x200, s30;
	s31 =	sshrl.u32 s0, $0x3;
	_ =	swait.ge [sflag:s17], $0x4000  }
0x96: {  	[sflag:s17] =	ssyncset.done $0x0  }
0x97: {  	s0 =	sadd.s32 s6, s31;
	[sflag:s17] =	ssyncadd.s32 $0xFFFFC000  }
0x98: {  	[tilespmem:s21], [sflag:$0x3] =	stream.linear.gather [hbm4b:s0+s4], $0x100, $0x38;
	[tilespmem:$0x1C400] =	vst v63  }
0x99: {  	s31 =	sadd.s32 s2, s31  }
0x9a: {  	[tilespmem:s28], [sflag:$0x4] =	stream.linear.gather [hbm4b:s31+s4], $0x100, $0x38;
	[tilespmem:$0x1C400] =	vst v63  }
0x9b: {  	_ =	swait.ge [sflag:s22], $0x4000  }
0x9c: {  	[sflag:s22] =	ssyncset.done $0x0  }
0x9d: {  	[sflag:s22] =	ssyncadd.s32 $0xFFFFC000  }
0x9e: {  	_ =	swait.ge [sflag:s25], $0x100  }
0x9f: {  	[sflag:s25] =	ssyncset.done $0x0  }
0xa0: {  	[sflag:s25] =	ssyncadd.s32 $0xFFFFFF00  }
0xa1: {  	_ =	swait.ge [sflag:s26], $0x100  }
0xa2: {  	s29 =	sadd.s32 $0x1, s29;
	[sflag:s26] =	ssyncset.done $0x0  }
0xa3: {  	p0 =	sne.s32 s29, s15;
	[sflag:s26] =	ssyncadd.s32 $0xFFFFFF00  }
.Ltmp1:
0xa4: {  	[bflag:$0x0] =	sbarrier.arrive $0xFFFF;
	(pc) =	sbr.rel @p0 .LBB2_1-.Ltmp1, $4  }
0xa5: {  	[hbm:s14], [sflag:s9] =	dma.local [spmem:s16], $0x2800  }
0xa6: {  	_ =	swait.ge [sflag:s17], $0x2800  }
0xa7: {  	[sflag:s17] =	ssyncset.done $0x0  }
0xa8: {  	[sflag:s17] =	ssyncadd.s32 $0xFFFFD800  }
0xa9: {  	_ =	sfence.sel $0x180000  }
0xaa: {  	[bflag:$0x0] =	sbarrier.arrive $0xFFFF  }
0xab: {  	_ =	strace $0x9000004D  }
0xac: {  	s0 =	stileid.u32;
	[bflag:$0x2] =	sbarrier.arrive $0xFFFF  }
0xad: {  	p0 =	sne.s32 s0, $0x0;
	s0 =	rddreg [dreg:$0x3]  }
0xae: {  	s0 =	sadd.s32 @!p0 $0x100000, s0  }
0xaf: {  	[sflag:s0] =	ssyncadd.tile.s32 @!p0 $0x1;
	_ =	shalt  }
.Lfunc_end2:
_tile_overlayer_lowered:
.L_overlay_start_2:
0xb0: {  	(tag) =	ssettag $0x2  }
0xb1: {  	s0 =	rddreg [dreg:$0x0];
	s2 =	stileid.u32  }
0xb2: {  	s1 =	rddreg [dreg:$0x1];
	p0 =	sne.s32 s2, $0x0  }
0xb3: {  	s3 =	rddreg [dreg:$0x2];
	[bflag:$0x3] =	sbarrier.arrive $0xFFFF;
	s2 =	simm.s32 @!p0 $0x1C05  }
0xb4: {  	[timem:s3], [sflag:s2] =	dma.local @!p0 [hbm:s0], s1  }
0xb5: {  	s0 =	simm.s32 @!p0 $0x5  }
0xb6: {  	_ =	swait.ge @!p0 [sflag:s0], s1  }
0xb7: {  	s1 =	ssub.s32 @!p0 $0x0, s1;
	[sflag:s0] =	ssyncset.done @!p0 $0x0  }
0xb8: {  	[sflag:s0] =	ssyncadd.s32 @!p0 s1  }
0xb9: {  	[bflag:$0x3] =	sbarrier.arrive $0xFFFF  }
0xba: {  	_ =	shalt  }

// kernel: kernel.8.cloned.1.call-start
scs
__scs_entry_jumppad:
0x0: {  	(pc) =	sbr.rel $0x88, $3  }
0x1: {  	(tag) =	ssettag $0x0;
	lr =	simm.s32 $0x1  }
0x2: {  	[smem:$0x3F9D] =	sst lr;
	_ =	strace $0xD0000000  }
0x3: {  	_ = 	snop  }
0x4: {  	_ = 	snop  }
0x5: {  	_ = 	snop  }
0x6: {  	_ = 	snop  }
0x7: {  	_ = 	snop  }
__scs_overlays_trampoline_lowered:
0x8: {  	[smem:$0x3FAC] =	sst s0  }
0x9: {  	[smem:$0x3FAD] =	sst s1  }
0xa: {  	[smem:$0x3FAE] =	sst s2  }
0xb: {  	[smem:$0x3FAF] =	sst s3  }
0xc: {  	[smem:$0x3FB0] =	sst s4  }
0xd: {  	[smem:$0x3FB1] =	sst s5  }
0xe: {  	[smem:$0x3FB2] =	sst s6  }
0xf: {  	[smem:$0x3FB3] =	sst s7  }
0x10: {  	[smem:$0x3FB4] =	sst s8  }
0x11: {  	[smem:$0x3FB5] =	sst s9;
	s0 =	simm.s32 @!p0 $0x0  }
0x12: {  	s1 =	sld [smem:$0x3F9B];
	s0 =	simm.s32 @p0 $0x1  }
0x13: {  	[smem:$0x3FB6] =	sst s0;
	s0 =	simm.s32 @!p1 $0x0  }
0x14: {  	s2 =	sld [smem:$0x3F9A];
	s0 =	simm.s32 @p1 $0x1  }
0x15: {  	[smem:$0x3FB7] =	sst s0;
	s0 =	simm.s32 @!p2 $0x0  }
0x16: {  	s3 =	sld [smem:$0x3FDB];
	s0 =	simm.s32 @p2 $0x1  }
0x17: {  	s4 =	simm.s32 $0x1BF5;
	[smem:$0x3FB9] =	sst s0  }
0x18: {  	s0 =	sld [smem:$0x3F9C];
	_ =	swait.ge [sflag:s4], $0x0  }
0x19: {  	s7 =	sld [smem:$0x3F9D]  }
0x1a: {  	s8 =	sadd.s32 $0xFFFFE003, lr  }
0x1b: {  	s9 =	sadd.s32 $0xFFFFFEF7, lr;
	s5 =	simm.s32 $0xFFFFFFFF;
	p2 =	slt.u32 s8, $0xFFFFF086  }
0x1c: {  	p1 =	slt.u32 s9, $0xF7A;
	s5 =	simm.s32 @!p2 $0x0  }
0x1d: {  	s5 =	simm.s32 @p1 $0x1;
	p0 =	seq.s32 s7, s2  }
0x1e: {  	s7 =	smul.u32 @!p0 $0xF7A, s2;
	p2 =	seq.s32 @!p0 s5, $0x0  }
0x1f: {  	s9 =	smul.u32 $0xF7A, s1;
	s8 =	simm.s32 @!p0 $0x1BF5;
	p2 =	por !p2, p0  }
0x20: {  	[sflag:s8] =	ssyncset.s32 @!p0 $0xFFFFF086;
	s6 =	sadd.s32 @!p0 s3, s7;
	s7 =	simm.s32 @!p0 $0x108  }
0x21: {  	s3 =	sadd.s32 s3, s9;
	s6 =	sadd.s32 @!p0 $0x88, s6;
	s7 =	simm.s32 @p2 $0x1082  }
0x22: {  	[simem:s7], [sflag:s8] =	dma.local @!p0 [hbm:s6], $0xF7A  }
0x23: {  	s9 =	sor.u32 $0xD0000000, s2;
	s6 =	simm.s32 $0x108;
	_ =	swait.ge @!p0 [sflag:s8], $0x0  }
0x24: {  	s3 =	sadd.s32 $0x88, s3;
	s6 =	simm.s32 @!p1 $0x1082;
	[sflag:s4] =	ssyncset.s32 $0xFFFFF086  }
0x25: {  	[simem:s6], [sflag:s4] =	dma.local [hbm:s3], $0xF7A  }
0x26: {  	[smem:$0x3F9D] =	sst s1;
	(tag) =	ssettag s2;
	_ =	strace s9  }
0x27: {  	s1 =	sld [smem:$0x3FAD]  }
0x28: {  	s2 =	sld [smem:$0x3FAE]  }
0x29: {  	s4 =	sld [smem:$0x3FB0]  }
0x2a: {  	p0 =	seq.s32 s5, $0x0;
	s5 =	sld [smem:$0x3FB1]  }
0x2b: {  	s6 =	sld [smem:$0x3FB2]  }
0x2c: {  	s7 =	sld [smem:$0x3FB3]  }
0x2d: {  	s3 =	simm.s32 $0x108;
	s8 =	sld [smem:$0x3FB4]  }
0x2e: {  	s3 =	simm.s32 @!p0 $0x1082;
	s9 =	sld [smem:$0x3FB5]  }
0x2f: {  	lr =	sadd.s32 s0, s3;
	s0 =	sld [smem:$0x3FAC]  }
0x30: {  	s3 =	sld [smem:$0x3FAF]  }
0x31: {  	[smem:$0x3FB8] =	sst s10  }
0x32: {  	s10 =	sld [smem:$0x3FB6];
	_ =	sdelay $0x3  }
0x33: {  	p0 =	seq.s32 s10, $0x1;
	s10 =	sld [smem:$0x3FB8];
	_ =	sdelay $0x3  }
0x34: {  	[smem:$0x3FB8] =	sst s10  }
0x35: {  	s10 =	sld [smem:$0x3FB7];
	_ =	sdelay $0x3  }
0x36: {  	p1 =	seq.s32 s10, $0x1;
	s10 =	sld [smem:$0x3FB8];
	_ =	sdelay $0x3  }
0x37: {  	[smem:$0x3FB8] =	sst s10  }
0x38: {  	s10 =	sld [smem:$0x3FB9]  }
0x39: {  	_ = 	snop;
	(pc) =	sbr.ind lr, $3  }
0x3a: {  	_ = 	snop  }
0x3b: {  	_ = 	snop  }
0x3c: {  	p2 =	seq.s32 s10, $0x1;
	s10 =	sld [smem:$0x3FB8]  }
0x3d: {  	_ =	shalt  }
0x3e: {  	_ =	shalt  }
0x3f: {  	_ =	shalt  }
0x40: {  	_ =	shalt  }
0x41: {  	_ =	shalt  }
0x42: {  	_ =	shalt  }
0x43: {  	_ =	shalt  }
0x44: {  	_ =	shalt  }
0x45: {  	_ =	shalt  }
0x46: {  	_ =	shalt  }
0x47: {  	_ =	shalt  }
0x48: {  	_ =	shalt  }
0x49: {  	_ =	shalt  }
0x4a: {  	_ =	shalt  }
0x4b: {  	_ =	shalt  }
0x4c: {  	_ =	shalt  }
0x4d: {  	_ =	shalt  }
0x4e: {  	_ =	shalt  }
0x4f: {  	_ =	shalt  }
0x50: {  	_ =	shalt  }
0x51: {  	_ =	shalt  }
0x52: {  	_ =	shalt  }
0x53: {  	_ =	shalt  }
0x54: {  	_ =	shalt  }
0x55: {  	_ =	shalt  }
0x56: {  	_ =	shalt  }
0x57: {  	_ =	shalt  }
0x58: {  	_ =	shalt  }
0x59: {  	_ =	shalt  }
0x5a: {  	_ =	shalt  }
0x5b: {  	_ =	shalt  }
0x5c: {  	_ =	shalt  }
0x5d: {  	_ =	shalt  }
0x5e: {  	_ =	shalt  }
0x5f: {  	_ =	shalt  }
0x60: {  	_ =	shalt  }
0x61: {  	_ =	shalt  }
0x62: {  	_ =	shalt  }
0x63: {  	_ =	shalt  }
0x64: {  	_ =	shalt  }
0x65: {  	_ =	shalt  }
0x66: {  	_ =	shalt  }
0x67: {  	_ =	shalt  }
0x68: {  	_ =	shalt  }
0x69: {  	_ =	shalt  }
0x6a: {  	_ =	shalt  }
0x6b: {  	_ =	shalt  }
0x6c: {  	_ =	shalt  }
0x6d: {  	_ =	shalt  }
0x6e: {  	_ =	shalt  }
0x6f: {  	_ =	shalt  }
0x70: {  	_ =	shalt  }
0x71: {  	_ =	shalt  }
0x72: {  	_ =	shalt  }
0x73: {  	_ =	shalt  }
0x74: {  	_ =	shalt  }
0x75: {  	_ =	shalt  }
0x76: {  	_ =	shalt  }
0x77: {  	_ =	shalt  }
0x78: {  	_ =	shalt  }
0x79: {  	_ =	shalt  }
0x7a: {  	_ =	shalt  }
0x7b: {  	_ =	shalt  }
0x7c: {  	_ =	shalt  }
0x7d: {  	_ =	shalt  }
0x7e: {  	_ =	shalt  }
0x7f: {  	_ =	shalt  }
0x80: {  	_ =	shalt  }
0x81: {  	_ =	shalt  }
0x82: {  	_ =	shalt  }
0x83: {  	_ =	shalt  }
0x84: {  	_ =	shalt  }
0x85: {  	_ =	shalt  }
0x86: {  	_ =	shalt  }
0x87: {  	_ =	shalt  }
.Lfunc_end0:
.L_simem_size_0:
called_computation_lowered:
.L_overlay_start_0:
0x88: {  	s2 =	sld [smem:$0x3FD9]  }
0x89: {  	s3 =	sld [smem:$0x3FFE];
	_ =	sdelay $0x1  }
0x8a: {  	s1 =	srdreg.scid  }
0x8b: {  	s0 =	sand.u32 $0x1, s1  }
0x8c: {  	s17 =	sshll.u32 s0, $0xA;
	s2 =	sadd.s32 s3, s2  }
0x8d: {  	s2 =	sadd.s32 s2, s17  }
0x8e: {  	[smem:$0x3FC4] =	sst s2  }
0x8f: {  	_ = 	snop  }
0x90: {  	s2 =	sld [smem:$0x3FD0];
	(tm) =	ssettm $0x1  }
0x91: {  	s18 =	sld [smem:$0x3FFB];
	_ =	sdelay $0x3  }
0x92: {  	_ =	strace s18  }
0x93: {  	s3 =	sld [smem:$0x3FFC];
	_ =	sdelay $0x3  }
0x94: {  	_ =	strace s3  }
0x95: {  	s3 =	sld [smem:$0x3FFD];
	_ =	sdelay $0x3  }
0x96: {  	_ =	strace s3  }
0x97: {  	_ =	strace $0x8FFFFFFF  }
0x98: {  	s19 =	sld [smem:$0x3FDB];
	_ =	sdelay $0x1  }
0x99: {  	s4 =	simm.s32 $_scs_section_size  }
0x9a: {  	s5 =	simm.s32 $_size__tile_overlayer_lowered;
	s6 =	simm.s32 $_tile_overlayer_lowered  }
0x9b: {  	s22 =	simm.s32 $0x1BFF;
	s21 =	sshll.u32 s6, $0x1;
	s3 =	sadd.s32 s4, s19  }
0x9c: {  	s7 =	simm.s32 $0x0;
	s20 =	sshll.u32 s5, $0x1;
	s5 =	sadd.s32 s21, s3  }
0x9d: {  	[timem:s7], [sflag:s22] =	dma.local [hbm:s5], s20  }
0x9e: {  	_ =	swait.ge [sflag:s22], s20  }
0x9f: {  	s4 =	ssub.s32 $0x0, s20;
	[sflag:s22] =	ssyncset.done $0x0  }
0xa0: {  	[sflag:s22] =	ssyncadd.s32 s4;
	_ =	sdelay $0x1  }
0xa1: {  	s23 =	simm.s32 $0x1B8B  }
0xa2: {  	_ =	swait.ge [sflag:s23], $0x1  }
0xa3: {  	[sflag:s23] =	ssyncset.done $0x0  }
0xa4: {  	s25 =	simm.s32 $0x1B8E;
	s24 =	sld [smem:$0x3FFE];
	[sflag:s23] =	ssyncadd.s32 $0xFFFFFFFF  }
0xa5: {  	s26 =	simm.s32 $execute0_lowered;
	[smem:$0x3FD2] =	sst s25  }
0xa6: {  	s5 =	sshll.u32 s26, $0x1;
	_ =	strace $0x80000046;
	[dreg:$0x1] =	wrdreg $0xFFFFFFFF  }
0xa7: {  	s28 =	simm.s32 $_size_execute0_lowered;
	s3 =	sadd.s32 s3, s5;
	[dreg:$0x0] =	wrdreg $0x0  }
0xa8: {  	s5 =	sshll.u32 s28, $0x1;
	[dreg:$0x2] =	wrdreg s3  }
0xa9: {  	[dreg:$0x3] =	wrdreg s5  }
0xaa: {  	[dreg:$0x4] =	wrdreg $0xC0  }
0xab: {  	_ =	task [dreg:s7], $0x5FFFF  }
0xac: {  	[dreg:$0x1] =	wrdreg $0xFFFFFFFF  }
0xad: {  	[dreg:$0x0] =	wrdreg $0x60  }
0xae: {  	[dreg:$0x2] =	wrdreg s2  }
0xaf: {  	[dreg:$0x3] =	wrdreg s24  }
0xb0: {  	[dreg:$0x4] =	wrdreg $0x1000  }
0xb1: {  	[dreg:$0x5] =	wrdreg $0x9  }
0xb2: {  	_ =	task.clear_ibuf [dreg:s7], $0x6FFFF;
	_ =	strace $0x90000046  }
0xb3: {  	s29 =	simm.s32 $0x9;
	_ =	strace $0x80000048  }
0xb4: {  	_ =	swait.ge [sflag:s29], $0x1  }
0xb5: {  	[sflag:s29] =	ssyncadd.s32 $0xFFFFFFFF  }
0xb6: {  	_ =	strace $0x90000048  }
0xb7: {  	_ =	sfence  }
0xb8: {  	s30 =	sld [smem:$0x0];
	_ =	sdelay $0x2  }
0xb9: {  	s31 =	sshll.u32 s1, $0xD;
	s1 =	sshrl.u32 s1, $0x2  }
0xba: {  	s3 =	sand.u32 $0x4000, s31;
	s1 =	sadd.s32 s1, s30  }
0xbb: {  	s0 =	sor.u32 s3, s0;
	s1 =	sshll.u32 s1, $0x11  }
0xbc: {  	s0 =	sor.u32 s1, s0  }
0xbd: {  	s0 =	sadd.s32 $0x8F2B, s0  }
0xbe: {  	[sflag:s0] =	ssyncadd.remote.s32 $0x1  }
0xbf: {  	_ =	sfence.sel $0xFFFF  }
0xc0: {  	[dreg:$0x0] =	wrdreg $0xFFFFFFFF;
	(pc) =	sbr.abs _section_cstart, $3  }
0xc1: {  	[dreg:$0x1] =	wrdreg $0xFFFFFFFF  }
0xc2: {  	_ =	task.clear_ibuf [dreg:s7], $0x2FFFF;
	_ =	strace $0x9FFFFFFF  }
0xc3: {  	(tm) =	ssettm $0x7FFFFFFF  }
tec
execute0_lowered:
.L_overlay_start_1:
0x0: {  	(tag) =	ssettag $0x1  }
0x1: {  	s2 =	rddreg [dreg:$0x0]  }
0x2: {  	s6 =	rddreg [dreg:$0x1]  }
0x3: {  	s3 =	rddreg [dreg:$0x2]  }
0x4: {  	s0 =	rddreg [dreg:$0x3]  }
0x5: {  	s1 =	stileid.u32;
	s5 =	srdreg.scid;
	s4 =	simm.s32 $0x0  }
0x6: {  	s14 =	simm.s32 $0x20;
	s15 =	simm.s32 $0x10;
	s7 =	smul.u32 $0x280, s1  }
0x7: {  	s16 =	simm.s32 $0x0;
	s8 =	sand.u32 $0x1, s5;
	s29 =	smul.u32 $0x500, s1  }
0x8: {  	[smem:$0x7FF] =	sst s4;
	s5 =	sadd.s32 $0xC000, s6;
	s12 =	sshll.u32 s1, $0x6  }
0x9: {  	s10 =	sshll.u32 s8, $0x7;
	_ =	strace $0x80000047;
	s11 =	ssub.s32 $0x2, s8  }
0xa: {  	s8 =	sshll.u32 s8, $0x4;
	s12 =	sor.u32 $0x1C01, s12;
	s9 =	sshrl.u32 s7, $0x3  }
0xb: {  	s10 =	sor.u32 s10, s29;
	s30 =	sshrl.u32 s11, $0x1;
	s13 =	sadd.s32 s7, s3  }
0xc: {  	s31 =	sor.u32 s1, s8;
	s9 =	sadd.s32 s9, s6;
	s10 =	sshrl.u32 s10, $0x3  }
0xd: {  	s11 =	ssub.s32 s11, s30;
	s7 =	smul.u32 $0x2800, s31;
	s13 =	sshrl.u32 s13, $0x3  }
0xe: {  	s10 =	sadd.s32 s10, s6;
	s6 =	sadd.s32 $0xC200, s9;
	s9 =	smax.u32 s11, $0x1  }
0xf: {  	s11 =	simm.s32 $0x1;
	s8 =	sadd.s32 $0xC800, s10;
	s10 =	simm.s32 $0x80  }
.LBB2_1:
0x10: {  	[tilespmem:s10], [sflag:$0x1] =	stream.linear.gather [hbm4b:s5+s4], $0x80, $0x38;
	[tilespmem:$0x380] =	vst v63  }
0x11: {  	_ =	swait.ge [sflag:s11], $0x80  }
0x12: {  	[sflag:s11] =	ssyncset.done $0x0  }
0x13: {  	s17 =	sand.u32 $0x3C00, s4;
	[sflag:s11] =	ssyncadd.s32 $0xFFFFFF80  }
0x14: {  	[spmem:s13], [sflag:s12] =	dma.local [hbm:s6], $0x50  }
0x15: {  	s18 =	sand.u32 $0x380, s4;
	s17 =	sadd.s32 s7, s17;
	_ =	swait.ge [sflag:s11], $0x50  }
0x16: {  	s17 =	sor.u32 s18, s17;
	[sflag:s11] =	ssyncset.done $0x0  }
0x17: {  	s17 =	sshrl.u32 s17, $0x3;
	[sflag:s11] =	ssyncadd.s32 $0xFFFFFFB0  }
0x18: {  	s17 =	sadd.s32 s2, s17;
	[bflag:$0x0] =	sbarrier.arrive $0xFFFF  }
0x19: {  	[tilespmem:s4], [sflag:$0x1] =	stream.linear.gather [hbm4b:s17+s4], $0x80, $0x38;
	[tilespmem:$0x380] =	vst v63  }
0x1a: {  	_ =	swait.ge [sflag:s11], $0x80  }
0x1b: {  	s30 =	simm.s32 $0x80;
	[sflag:s11] =	ssyncset.done $0x0  }
0x1c: {  	s31 =	sand.u32 $0x3C00, s30;
	[sflag:s11] =	ssyncadd.s32 $0xFFFFFF80  }
0x1d: {  	[spmem:s3] =	stream.indirect.scatter.add.f32 [tilespmem:s10], [sflag:$0x1], $0x1, s4, s10, $0xb8;
	[tilespmem:$0x380] =	vst v63  }
0x1e: {  	s19 =	sand.u32 $0x380, s30;
	s18 =	sadd.s32 s7, s31;
	_ =	swait.ge [sflag:s11], $0x80  }
0x1f: {  	s18 =	sor.u32 s19, s18;
	s17 =	simm.s32 $0x100;
	[sflag:s11] =	ssyncset.done $0x0  }
.LBB2_2:
0x20: {  	s18 =	sshrl.u32 s18, $0x3  }
0x21: {  	[sflag:s11] =	ssyncadd.s32 $0xFFFFFF80;
	s19 =	smov.u32 s17;
	s20 =	sadd.s32 $0x80, s17  }
0x22: {  	p0 =	sne.s32 s17, $0x2780;
	s17 =	sadd.s32 s2, s18  }
0x23: {  	[tilespmem:s4], [sflag:$0x1] =	stream.linear.gather [hbm4b:s17+s4], $0x80, $0x38;
	[tilespmem:$0x380] =	vst v63  }
0x24: {  	_ =	swait.ge [sflag:s11], $0x80  }
.Ltmp0:
0x25: {  	[sflag:s11] =	ssyncset.done $0x0;
	(pc) =	sbr.rel @p0 .LBB2_2-.Ltmp0, $4  }
0x26: {  	s17 =	sand.u32 $0x3C00, s19;
	[sflag:s11] =	ssyncadd.s32 $0xFFFFFF80  }
0x27: {  	[spmem:s3] =	stream.indirect.scatter.add.f32 [tilespmem:s10], [sflag:$0x1], $0x1, s4, s10, $0xb8;
	[tilespmem:$0x380] =	vst v63  }
0x28: {  	s18 =	sand.u32 $0x380, s19;
	s17 =	sadd.s32 s7, s17;
	_ =	swait.ge [sflag:s11], $0x80  }
0x29: {  	s18 =	sor.u32 s18, s17;
	s17 =	smov.u32 s20;
	[sflag:s11] =	ssyncset.done $0x0  }
0x2a: {  	s17 =	sshrl.u32 s18, $0x3  }
0x2b: {  	[sflag:s11] =	ssyncadd.s32 $0xFFFFFF80;
	s17 =	sadd.s32 s2, s17  }
0x2c: {  	[tilespmem:s4], [sflag:$0x1] =	stream.linear.gather [hbm4b:s17+s4], $0x80, $0x38;
	[tilespmem:$0x380] =	vst v63  }
0x2d: {  	_ =	swait.ge [sflag:s11], $0x80  }
0x2e: {  	[sflag:s11] =	ssyncset.done $0x0  }
0x2f: {  	[sflag:s11] =	ssyncadd.s32 $0xFFFFFF80  }
0x30: {  	[spmem:s3] =	stream.indirect.scatter.add.f32 [tilespmem:s10], [sflag:$0x1], $0x1, s4, s10, $0xb8;
	[tilespmem:$0x380] =	vst v63  }
0x31: {  	_ =	swait.ge [sflag:s11], $0x80  }
0x32: {  	s16 =	sadd.s32 $0x1, s16;
	[sflag:s11] =	ssyncset.done $0x0  }
0x33: {  	p0 =	sne.s32 s16, s9;
	[sflag:s11] =	ssyncadd.s32 $0xFFFFFF80  }
.Ltmp1:
0x34: {  	[bflag:$0x0] =	sbarrier.arrive $0xFFFF;
	(pc) =	sbr.rel @p0 .LBB2_1-.Ltmp1, $4  }
0x35: {  	[hbm:s8@s14], [sflag:s12] =	dma.strided [spmem:s13@s15], $0x50, s11, $0x10   }
0x36: {  	_ =	swait.ge [sflag:s11], $0x50  }
0x37: {  	[sflag:s11] =	ssyncset.done $0x0  }
0x38: {  	[sflag:s11] =	ssyncadd.s32 $0xFFFFFFB0  }
0x39: {  	_ =	sfence.sel $0x180000  }
0x3a: {  	[bflag:$0x0] =	sbarrier.arrive $0xFFFF  }
0x3b: {  	p0 =	sne.s32 s1, $0x0;
	_ =	strace $0x90000047  }
0x3c: {  	s0 =	sadd.s32 @!p0 $0x100000, s0;
	[bflag:$0x2] =	sbarrier.arrive $0xFFFF  }
0x3d: {  	[sflag:s0] =	ssyncadd.tile.s32 @!p0 $0x1;
	_ =	shalt  }
.Lfunc_end2:
_tile_overlayer_lowered:
.L_overlay_start_2:
0x3e: {  	(tag) =	ssettag $0x2  }
0x3f: {  	s0 =	rddreg [dreg:$0x0];
	s2 =	stileid.u32  }
0x40: {  	s1 =	rddreg [dreg:$0x1];
	p0 =	sne.s32 s2, $0x0  }
0x41: {  	s3 =	rddreg [dreg:$0x2];
	[bflag:$0x3] =	sbarrier.arrive $0xFFFF;
	s2 =	simm.s32 @!p0 $0x1C01  }
0x42: {  	[timem:s3], [sflag:s2] =	dma.local @!p0 [hbm:s0], s1  }
0x43: {  	s0 =	simm.s32 @!p0 $0x1  }
0x44: {  	_ =	swait.ge @!p0 [sflag:s0], s1  }
0x45: {  	s1 =	ssub.s32 @!p0 $0x0, s1;
	[sflag:s0] =	ssyncset.done @!p0 $0x0  }
0x46: {  	[sflag:s0] =	ssyncadd.s32 @!p0 s1  }
0x47: {  	[bflag:$0x3] =	sbarrier.arrive $0xFFFF  }
0x48: {  	_ =	shalt  }

</sc_bundles>
